<compile_context>
chip_gen: v7x
topology: tpu7x:2x2x1
jax: 0.10.2.dev20260603
libtpu: 0.0.44.dev20260713+nightly
codegen_flags: <defaults>
</compile_context>

<pallas_src>
import functools

import jax
import jax.numpy as jnp
from jax import lax
from jax.experimental import pallas as pl
from jax.experimental.pallas import tpu as pltpu
from jax.experimental.pallas import tpu_sc as plsc

VOCAB = 49408
D = 512
S = 77
B = 4096
NC = 2
NS = 16
NW = NC * NS
STRIPE = B // NW
WB = 32
NH = STRIPE // WB
NWIN = S * NH
RING = 4
LANES = 16


def kernel(input_ids, token_embedding, position_embedding):
    ids_t = input_ids.astype(jnp.int32).T
    mesh = plsc.VectorSubcoreMesh(core_axis_name="c", subcore_axis_name="s")

    @functools.partial(
        pl.kernel,
        out_type=jax.ShapeDtypeStruct((B, S * D), jnp.float32),
        mesh=mesh,
        scratch_types=[
            pltpu.VMEM((S, STRIPE), jnp.int32),
            pltpu.VMEM((S, D), jnp.float32),
            pltpu.VMEM((WB, D), jnp.float32),
            pltpu.VMEM((WB, D), jnp.float32),
            pltpu.VMEM((WB, D), jnp.float32),
            pltpu.VMEM((WB, D), jnp.float32),
            pltpu.SemaphoreType.DMA,
            pltpu.SemaphoreType.DMA,
            pltpu.SemaphoreType.DMA,
            pltpu.SemaphoreType.DMA,
            pltpu.SemaphoreType.DMA,
            pltpu.SemaphoreType.DMA,
            pltpu.SemaphoreType.DMA,
            pltpu.SemaphoreType.DMA,
        ],
    )
    def gather_add(ids_hbm, tab_hbm, pos_hbm, out_hbm,
                   idx_v, pos_v, r0, r1, r2, r3,
                   g0, g1, g2, g3, o0, o1, o2, o3):
        wid = lax.axis_index("s") * NC + lax.axis_index("c")
        b0 = wid * STRIPE
        rows = (r0, r1, r2, r3)
        gsem = (g0, g1, g2, g3)
        osem = (o0, o1, o2, o3)

        pltpu.sync_copy(ids_hbm.at[:, pl.ds(b0, STRIPE)], idx_v)
        pltpu.sync_copy(pos_hbm, pos_v)

        def idx_slice(w):
            return idx_v.at[w // NH, pl.ds((w % NH) * WB, WB)]

        def out_slice(w):
            return out_hbm.at[
                pl.ds(b0 + (w % NH) * WB, WB), pl.ds((w // NH) * D, D)
            ]

        def gather(w, bsel):
            pltpu.async_copy(tab_hbm.at[idx_slice(w)], rows[bsel], gsem[bsel])

        for k in range(RING - 1):
            gather(k, k)

        @pl.loop(0, NWIN, step=RING)
        def _(w):
            for boff in range(RING):
                ww = w + boff
                bsel = boff
                nsel = (boff + RING - 1) % RING

                @pl.when(ww > 0)
                def _():
                    pltpu.make_async_copy(
                        rows[nsel], out_slice(ww - 1), osem[nsel]
                    ).wait()

                nxt = ww + RING - 1

                @pl.when(nxt < NWIN)
                def _():
                    gather(nxt, nsel)

                pltpu.make_async_copy(
                    tab_hbm.at[idx_slice(ww)], rows[bsel], gsem[bsel]
                ).wait()
                s = ww // NH

                @pl.loop(0, D, step=LANES)
                def _(c0):
                    pc = pos_v[s, pl.ds(c0, LANES)]

                    @pl.loop(0, WB, unroll=16)
                    def _(r):
                        plsc.addupdate(rows[bsel].at[r, pl.ds(c0, LANES)], pc)

                pltpu.async_copy(rows[bsel], out_slice(ww), osem[bsel])

        pltpu.make_async_copy(
            rows[(NWIN - 1) % RING], out_slice(NWIN - 1), osem[(NWIN - 1) % RING]
        ).wait()

    out = gather_add(ids_t, token_embedding, position_embedding)
    return out.reshape(B, S, D)

# --- scband reference (transcript-rebuilt; emitter-appended) ---
"""Pipeline reference for scband-cliptext-embeddings-33981781246316 (READ-ONLY COPY).

The authoritative reference and input builder live on the scoring server;
editing this copy changes nothing except your own understanding.
"""

import jax, jax.numpy as jnp
import numpy as np

VOCAB = 49408
EMBED_DIM = 512
MAX_POS = 77
BATCH = 4096
SEQ = 77


def setup_inputs(seed: int = 0) -> dict:
    key = jax.random.key(seed)
    k1, k2, k3 = jax.random.split(key, 3)
    input_ids = jax.random.randint(k1, (BATCH, SEQ), 0, VOCAB, dtype=jnp.int64 if jax.config.jax_enable_x64 else jnp.int32)
    token_embedding = jax.random.normal(k2, (VOCAB, EMBED_DIM), dtype=jnp.float32) * 0.02
    position_embedding = jax.random.normal(k3, (MAX_POS, EMBED_DIM), dtype=jnp.float32) * 0.02
    return {"input_ids": input_ids, "token_embedding": token_embedding, "position_embedding": position_embedding}


def reference(input_ids, token_embedding, position_embedding):
    seq_length = input_ids.shape[1]
    position_ids = jnp.arange(MAX_POS)[None, :][:, :seq_length]  # [1, seq]
    tok_emb = jnp.take(token_embedding, input_ids, axis=0)       # [B, seq, D]
    pos_emb = jnp.take(position_embedding, position_ids, axis=0)  # [1, seq, D]
    embeddings = tok_emb + pos_emb
    return embeddings

if __name__ == "__main__":
    import jax
    _d = setup_inputs()
    print(jax.jit(kernel)(*tuple(_d.values())))

</pallas_src>

<mosaic_0001>
#map = affine_map<(d0, d1) -> (0, 0)>
module attributes {stable_mosaic.version = 14 : i64} {
  func.func @gather_add(%arg0: i32, %arg1: i32, %arg2: memref<77x4096xi32, #tpu.memory_space<hbm>>, %arg3: memref<49408x512xf32, #tpu.memory_space<hbm>>, %arg4: memref<77x512xf32, #tpu.memory_space<hbm>>, %arg5: memref<4096x39424xf32, #tpu.memory_space<hbm>>, %arg6: memref<77x128xi32, #tpu.memory_space<vmem>>, %arg7: memref<77x512xf32, #tpu.memory_space<vmem>>, %arg8: memref<32x512xf32, #tpu.memory_space<vmem>>, %arg9: memref<32x512xf32, #tpu.memory_space<vmem>>, %arg10: memref<32x512xf32, #tpu.memory_space<vmem>>, %arg11: memref<32x512xf32, #tpu.memory_space<vmem>>, %arg12: memref<!tpu.dma_semaphore, #tpu.memory_space<semaphore_mem>>, %arg13: memref<!tpu.dma_semaphore, #tpu.memory_space<semaphore_mem>>, %arg14: memref<!tpu.dma_semaphore, #tpu.memory_space<semaphore_mem>>, %arg15: memref<!tpu.dma_semaphore, #tpu.memory_space<semaphore_mem>>, %arg16: memref<!tpu.dma_semaphore, #tpu.memory_space<semaphore_mem>>, %arg17: memref<!tpu.dma_semaphore, #tpu.memory_space<semaphore_mem>>, %arg18: memref<!tpu.dma_semaphore, #tpu.memory_space<semaphore_mem>>, %arg19: memref<!tpu.dma_semaphore, #tpu.memory_space<semaphore_mem>>) attributes {dimension_semantics = [#tpu.dimension_semantics<core_parallel>, #tpu.dimension_semantics<subcore_parallel>], iteration_bounds = array<i64: 2, 16>, scalar_prefetch = 0 : i64, scratch_operands = 14 : i64, tpu.core_type = #tpu.core_type<sc_vector_subcore>, window_params = [{transform_indices = #map}, {transform_indices = #map}, {transform_indices = #map}, {transform_indices = #map}]} {
    %mul3A = arith.constant 2 : i32
    %mul3A_0 = arith.muli %arg1, %mul3A : i32
    %add3A = arith.addi %mul3A_0, %arg0 : i32
    %mul3A_1 = arith.constant 128 : i32
    %mul3A_2 = arith.muli %add3A, %mul3A_1 : i32
    "tpu.region"() ({
      %run_scoped3A = tpu.sem_alloc : memref<!tpu.dma_semaphore, #tpu.memory_space<semaphore_mem>>
      %dma_start3A_32 = arith.constant 0 : i32
      %dma_start3A_33 = tpu.memref_slice %arg2[%dma_start3A_32, %mul3A_2] : memref<77x4096xi32, #tpu.memory_space<hbm>> -> memref<77x128xi32, #tpu.memory_space<hbm>>
      %dma_start3A_34 = arith.constant 0 : i32
      %dma_start3A_35 = tpu.memref_slice %arg2[%dma_start3A_34, %mul3A_2] : memref<77x4096xi32, #tpu.memory_space<hbm>> -> memref<77x128xi32, #tpu.memory_space<hbm>>
      tpu.enqueue_dma source(%dma_start3A_35 : memref<77x128xi32, #tpu.memory_space<hbm>>) target(%arg6 : memref<77x128xi32, #tpu.memory_space<vmem>>) target_semaphore(%run_scoped3A : memref<!tpu.dma_semaphore, #tpu.memory_space<semaphore_mem>>)
      %dma_wait3A_36 = arith.constant 0 : i32
      %dma_wait3A_37 = tpu.memref_slice %arg2[%dma_wait3A_36, %mul3A_2] : memref<77x4096xi32, #tpu.memory_space<hbm>> -> memref<77x128xi32, #tpu.memory_space<hbm>>
      %dma_wait3A_38 = arith.constant 0 : i32
      %dma_wait3A_39 = tpu.memref_slice %arg2[%dma_wait3A_38, %mul3A_2] : memref<77x4096xi32, #tpu.memory_space<hbm>> -> memref<77x128xi32, #tpu.memory_space<hbm>>
      tpu.wait_dma2 semaphore(%run_scoped3A : memref<!tpu.dma_semaphore, #tpu.memory_space<semaphore_mem>>) src(%dma_wait3A_39 : memref<77x128xi32, #tpu.memory_space<hbm>>) dst(%arg6 : memref<77x128xi32, #tpu.memory_space<vmem>>)
      tpu.yield
    }) : () -> ()
    "tpu.region"() ({
      %run_scoped3A = tpu.sem_alloc : memref<!tpu.dma_semaphore, #tpu.memory_space<semaphore_mem>>
      tpu.enqueue_dma source(%arg4 : memref<77x512xf32, #tpu.memory_space<hbm>>) target(%arg7 : memref<77x512xf32, #tpu.memory_space<vmem>>) target_semaphore(%run_scoped3A : memref<!tpu.dma_semaphore, #tpu.memory_space<semaphore_mem>>)
      tpu.wait_dma2 semaphore(%run_scoped3A : memref<!tpu.dma_semaphore, #tpu.memory_space<semaphore_mem>>) src(%arg4 : memref<77x512xf32, #tpu.memory_space<hbm>>) dst(%arg7 : memref<77x512xf32, #tpu.memory_space<vmem>>)
      tpu.yield
    }) : () -> ()
    %dma_start3A = arith.constant 0 : i32
    %dma_start3A_3 = arith.constant 0 : i32
    %dma_start3A_4 = tpu.memref_slice %arg6[%dma_start3A, %dma_start3A_3] : memref<77x128xi32, #tpu.memory_space<vmem>> -> memref<1x32xi32, #tpu.memory_space<vmem>>
    %dma_start3A_5 = tpu.memref_squeeze %dma_start3A_4 : memref<1x32xi32, #tpu.memory_space<vmem>> -> memref<32xi32, #tpu.memory_space<vmem>>
    %dma_start3A_6 = arith.constant 0 : i32
    %dma_start3A_7 = arith.constant 0 : i32
    %dma_start3A_8 = tpu.memref_slice %arg3[%dma_start3A_6, %dma_start3A_7] : memref<49408x512xf32, #tpu.memory_space<hbm>> -> memref<49408x512xf32, #tpu.memory_space<hbm>>
    tpu.enqueue_indirect_dma source(%dma_start3A_8 : memref<49408x512xf32, #tpu.memory_space<hbm>>) target(%arg8 : memref<32x512xf32, #tpu.memory_space<vmem>>) offsets(%dma_start3A_5 : memref<32xi32, #tpu.memory_space<vmem>>) semaphore(%arg12 : memref<!tpu.dma_semaphore, #tpu.memory_space<semaphore_mem>>)
    %dma_start3A_9 = arith.constant 0 : i32
    %dma_start3A_10 = arith.constant 32 : i32
    %dma_start3A_11 = tpu.memref_slice %arg6[%dma_start3A_9, %dma_start3A_10] : memref<77x128xi32, #tpu.memory_space<vmem>> -> memref<1x32xi32, #tpu.memory_space<vmem>>
    %dma_start3A_12 = tpu.memref_squeeze %dma_start3A_11 : memref<1x32xi32, #tpu.memory_space<vmem>> -> memref<32xi32, #tpu.memory_space<vmem>>
    %dma_start3A_13 = arith.constant 0 : i32
    %dma_start3A_14 = arith.constant 0 : i32
    %dma_start3A_15 = tpu.memref_slice %arg3[%dma_start3A_13, %dma_start3A_14] : memref<49408x512xf32, #tpu.memory_space<hbm>> -> memref<49408x512xf32, #tpu.memory_space<hbm>>
    tpu.enqueue_indirect_dma source(%dma_start3A_15 : memref<49408x512xf32, #tpu.memory_space<hbm>>) target(%arg9 : memref<32x512xf32, #tpu.memory_space<vmem>>) offsets(%dma_start3A_12 : memref<32xi32, #tpu.memory_space<vmem>>) semaphore(%arg13 : memref<!tpu.dma_semaphore, #tpu.memory_space<semaphore_mem>>)
    %dma_start3A_16 = arith.constant 0 : i32
    %dma_start3A_17 = arith.constant 64 : i32
    %dma_start3A_18 = tpu.memref_slice %arg6[%dma_start3A_16, %dma_start3A_17] : memref<77x128xi32, #tpu.memory_space<vmem>> -> memref<1x32xi32, #tpu.memory_space<vmem>>
    %dma_start3A_19 = tpu.memref_squeeze %dma_start3A_18 : memref<1x32xi32, #tpu.memory_space<vmem>> -> memref<32xi32, #tpu.memory_space<vmem>>
    %dma_start3A_20 = arith.constant 0 : i32
    %dma_start3A_21 = arith.constant 0 : i32
    %dma_start3A_22 = tpu.memref_slice %arg3[%dma_start3A_20, %dma_start3A_21] : memref<49408x512xf32, #tpu.memory_space<hbm>> -> memref<49408x512xf32, #tpu.memory_space<hbm>>
    tpu.enqueue_indirect_dma source(%dma_start3A_22 : memref<49408x512xf32, #tpu.memory_space<hbm>>) target(%arg10 : memref<32x512xf32, #tpu.memory_space<vmem>>) offsets(%dma_start3A_19 : memref<32xi32, #tpu.memory_space<vmem>>) semaphore(%arg14 : memref<!tpu.dma_semaphore, #tpu.memory_space<semaphore_mem>>)
    %scan3A = arith.constant 0 : i32
    %scan3A_23 = arith.constant 77 : i32
    %scan3A_24 = arith.addi %scan3A, %scan3A_23 : i32
    %scan3A_25 = arith.constant 1 : i32
    scf.for %scan3A_32 = %scan3A to %scan3A_24 step %scan3A_25  : i32 {
      %mul3A_33 = arith.constant 4 : i32
      %mul3A_34 = arith.muli %scan3A_32, %mul3A_33 : i32
      %add3A_35 = arith.constant 0 : i32
      %add3A_36 = arith.addi %add3A_35, %mul3A_34 : i32
      %add3A_37 = arith.constant 0 : i32
      %add3A_38 = arith.addi %add3A_36, %add3A_37 : i32
      %gt3A = arith.constant 0 : i32
      %gt3A_39 = arith.cmpi sgt, %add3A_38, %gt3A : i32
      %convert_element_type3A = arith.extui %gt3A_39 : i1 to i32
      %cond3A = arith.constant 0 : i32
      %cond3A_40 = arith.cmpi ne, %convert_element_type3A, %cond3A : i32
      scf.if %cond3A_40 {
        %sub3A_580 = arith.constant 1 : i32
        %sub3A_581 = arith.subi %add3A_38, %sub3A_580 : i32
        %jit3A_582 = arith.constant 4 : i32
        %eq3A_583 = arith.constant 0 : i32
        %eq3A_584 = arith.cmpi eq, %jit3A_582, %eq3A_583 : i32
        %jit3A_585 = arith.constant 1 : i32
        %select_n3A_586 = arith.select %eq3A_584, %jit3A_585, %jit3A_582 : i32
        %rem3A_587 = arith.remsi %sub3A_581, %select_n3A_586 : i32
        %ne3A_588 = arith.constant 0 : i32
        %ne3A_589 = arith.cmpi ne, %rem3A_587, %ne3A_588 : i32
        %lt3A_590 = arith.constant 0 : i32
        %lt3A_591 = arith.cmpi slt, %rem3A_587, %lt3A_590 : i32
        %lt3A_592 = arith.constant 0 : i32
        %lt3A_593 = arith.cmpi slt, %select_n3A_586, %lt3A_592 : i32
        %ne3A_594 = arith.xori %lt3A_591, %lt3A_593 : i1
        %and3A_595 = arith.andi %ne3A_594, %ne3A_589 : i1
        %add3A_596 = arith.addi %rem3A_587, %select_n3A_586 : i32
        %select_n3A_597 = arith.select %and3A_595, %add3A_596, %rem3A_587 : i32
        %mul3A_598 = arith.constant 32 : i32
        %mul3A_599 = arith.muli %select_n3A_597, %mul3A_598 : i32
        %add3A_600 = arith.addi %mul3A_2, %mul3A_599 : i32
        %jit3A_601 = arith.constant 4 : i32
        %div3A_602 = arith.divsi %sub3A_581, %jit3A_601 : i32
        %sign3A_603 = arith.constant 0 : i32
        %sign3A_604 = arith.cmpi sgt, %sub3A_581, %sign3A_603 : i32
        %sign3A_605 = arith.extui %sign3A_604 : i1 to i32
        %sign3A_606 = arith.constant 0 : i32
        %sign3A_607 = arith.cmpi slt, %sub3A_581, %sign3A_606 : i32
        %sign3A_608 = arith.extui %sign3A_607 : i1 to i32
        %sign3A_609 = arith.subi %sign3A_605, %sign3A_608 : i32
        %sign3A_610 = arith.constant 0 : i32
        %sign3A_611 = arith.cmpi sgt, %jit3A_601, %sign3A_610 : i32
        %sign3A_612 = arith.extui %sign3A_611 : i1 to i32
        %sign3A_613 = arith.constant 0 : i32
        %sign3A_614 = arith.cmpi slt, %jit3A_601, %sign3A_613 : i32
        %sign3A_615 = arith.extui %sign3A_614 : i1 to i32
        %sign3A_616 = arith.subi %sign3A_612, %sign3A_615 : i32
        %ne3A_617 = arith.cmpi ne, %sign3A_609, %sign3A_616 : i32
        %rem3A_618 = arith.remsi %sub3A_581, %jit3A_601 : i32
        %ne3A_619 = arith.constant 0 : i32
        %ne3A_620 = arith.cmpi ne, %rem3A_618, %ne3A_619 : i32
        %and3A_621 = arith.andi %ne3A_617, %ne3A_620 : i1
        %sub3A_622 = arith.constant 1 : i32
        %sub3A_623 = arith.subi %div3A_602, %sub3A_622 : i32
        %select_n3A_624 = arith.select %and3A_621, %sub3A_623, %div3A_602 : i32
        %mul3A_625 = arith.constant 512 : i32
        %mul3A_626 = arith.muli %select_n3A_624, %mul3A_625 : i32
        %dma_wait3A_627 = tpu.memref_slice %arg5[%add3A_600, %mul3A_626] : memref<4096x39424xf32, #tpu.memory_space<hbm>> -> memref<32x512xf32, #tpu.memory_space<hbm>>
        %dma_wait3A_628 = tpu.memref_slice %arg5[%add3A_600, %mul3A_626] : memref<4096x39424xf32, #tpu.memory_space<hbm>> -> memref<32x512xf32, #tpu.memory_space<hbm>>
        tpu.wait_dma2 semaphore(%arg19 : memref<!tpu.dma_semaphore, #tpu.memory_space<semaphore_mem>>) src(%arg11 : memref<32x512xf32, #tpu.memory_space<vmem>>) dst(%dma_wait3A_628 : memref<32x512xf32, #tpu.memory_space<hbm>>)
      } else {
      }
      %add3A_41 = arith.constant 4 : i32
      %add3A_42 = arith.addi %add3A_38, %add3A_41 : i32
      %sub3A = arith.constant 1 : i32
      %sub3A_43 = arith.subi %add3A_42, %sub3A : i32
      %lt3A = arith.constant 308 : i32
      %lt3A_44 = arith.cmpi slt, %sub3A_43, %lt3A : i32
      %convert_element_type3A_45 = arith.extui %lt3A_44 : i1 to i32
      %cond3A_46 = arith.constant 0 : i32
      %cond3A_47 = arith.cmpi ne, %convert_element_type3A_45, %cond3A_46 : i32
      scf.if %cond3A_47 {
        %jit3A_580 = arith.constant 4 : i32
        %div3A_581 = arith.divsi %sub3A_43, %jit3A_580 : i32
        %sign3A_582 = arith.constant 0 : i32
        %sign3A_583 = arith.cmpi sgt, %sub3A_43, %sign3A_582 : i32
        %sign3A_584 = arith.extui %sign3A_583 : i1 to i32
        %sign3A_585 = arith.constant 0 : i32
        %sign3A_586 = arith.cmpi slt, %sub3A_43, %sign3A_585 : i32
        %sign3A_587 = arith.extui %sign3A_586 : i1 to i32
        %sign3A_588 = arith.subi %sign3A_584, %sign3A_587 : i32
        %sign3A_589 = arith.constant 0 : i32
        %sign3A_590 = arith.cmpi sgt, %jit3A_580, %sign3A_589 : i32
        %sign3A_591 = arith.extui %sign3A_590 : i1 to i32
        %sign3A_592 = arith.constant 0 : i32
        %sign3A_593 = arith.cmpi slt, %jit3A_580, %sign3A_592 : i32
        %sign3A_594 = arith.extui %sign3A_593 : i1 to i32
        %sign3A_595 = arith.subi %sign3A_591, %sign3A_594 : i32
        %ne3A_596 = arith.cmpi ne, %sign3A_588, %sign3A_595 : i32
        %rem3A_597 = arith.remsi %sub3A_43, %jit3A_580 : i32
        %ne3A_598 = arith.constant 0 : i32
        %ne3A_599 = arith.cmpi ne, %rem3A_597, %ne3A_598 : i32
        %and3A_600 = arith.andi %ne3A_596, %ne3A_599 : i1
        %sub3A_601 = arith.constant 1 : i32
        %sub3A_602 = arith.subi %div3A_581, %sub3A_601 : i32
        %select_n3A_603 = arith.select %and3A_600, %sub3A_602, %div3A_581 : i32
        %jit3A_604 = arith.constant 4 : i32
        %eq3A_605 = arith.constant 0 : i32
        %eq3A_606 = arith.cmpi eq, %jit3A_604, %eq3A_605 : i32
        %jit3A_607 = arith.constant 1 : i32
        %select_n3A_608 = arith.select %eq3A_606, %jit3A_607, %jit3A_604 : i32
        %rem3A_609 = arith.remsi %sub3A_43, %select_n3A_608 : i32
        %ne3A_610 = arith.constant 0 : i32
        %ne3A_611 = arith.cmpi ne, %rem3A_609, %ne3A_610 : i32
        %lt3A_612 = arith.constant 0 : i32
        %lt3A_613 = arith.cmpi slt, %rem3A_609, %lt3A_612 : i32
        %lt3A_614 = arith.constant 0 : i32
        %lt3A_615 = arith.cmpi slt, %select_n3A_608, %lt3A_614 : i32
        %ne3A_616 = arith.xori %lt3A_613, %lt3A_615 : i1
        %and3A_617 = arith.andi %ne3A_616, %ne3A_611 : i1
        %add3A_618 = arith.addi %rem3A_609, %select_n3A_608 : i32
        %select_n3A_619 = arith.select %and3A_617, %add3A_618, %rem3A_609 : i32
        %mul3A_620 = arith.constant 32 : i32
        %mul3A_621 = arith.muli %select_n3A_619, %mul3A_620 : i32
        %dma_start3A_622 = tpu.memref_slice %arg6[%select_n3A_603, %mul3A_621] : memref<77x128xi32, #tpu.memory_space<vmem>> -> memref<1x32xi32, #tpu.memory_space<vmem>>
        %dma_start3A_623 = tpu.memref_squeeze %dma_start3A_622 : memref<1x32xi32, #tpu.memory_space<vmem>> -> memref<32xi32, #tpu.memory_space<vmem>>
        %dma_start3A_624 = arith.constant 0 : i32
        %dma_start3A_625 = arith.constant 0 : i32
        %dma_start3A_626 = tpu.memref_slice %arg3[%dma_start3A_624, %dma_start3A_625] : memref<49408x512xf32, #tpu.memory_space<hbm>> -> memref<49408x512xf32, #tpu.memory_space<hbm>>
        tpu.enqueue_indirect_dma source(%dma_start3A_626 : memref<49408x512xf32, #tpu.memory_space<hbm>>) target(%arg11 : memref<32x512xf32, #tpu.memory_space<vmem>>) offsets(%dma_start3A_623 : memref<32xi32, #tpu.memory_space<vmem>>) semaphore(%arg15 : memref<!tpu.dma_semaphore, #tpu.memory_space<semaphore_mem>>)
      } else {
      }
      %jit3A = arith.constant 4 : i32
      %div3A = arith.divsi %add3A_38, %jit3A : i32
      %sign3A = arith.constant 0 : i32
      %sign3A_48 = arith.cmpi sgt, %add3A_38, %sign3A : i32
      %sign3A_49 = arith.extui %sign3A_48 : i1 to i32
      %sign3A_50 = arith.constant 0 : i32
      %sign3A_51 = arith.cmpi slt, %add3A_38, %sign3A_50 : i32
      %sign3A_52 = arith.extui %sign3A_51 : i1 to i32
      %sign3A_53 = arith.subi %sign3A_49, %sign3A_52 : i32
      %sign3A_54 = arith.constant 0 : i32
      %sign3A_55 = arith.cmpi sgt, %jit3A, %sign3A_54 : i32
      %sign3A_56 = arith.extui %sign3A_55 : i1 to i32
      %sign3A_57 = arith.constant 0 : i32
      %sign3A_58 = arith.cmpi slt, %jit3A, %sign3A_57 : i32
      %sign3A_59 = arith.extui %sign3A_58 : i1 to i32
      %sign3A_60 = arith.subi %sign3A_56, %sign3A_59 : i32
      %ne3A = arith.cmpi ne, %sign3A_53, %sign3A_60 : i32
      %rem3A = arith.remsi %add3A_38, %jit3A : i32
      %ne3A_61 = arith.constant 0 : i32
      %ne3A_62 = arith.cmpi ne, %rem3A, %ne3A_61 : i32
      %and3A = arith.andi %ne3A, %ne3A_62 : i1
      %sub3A_63 = arith.constant 1 : i32
      %sub3A_64 = arith.subi %div3A, %sub3A_63 : i32
      %select_n3A = arith.select %and3A, %sub3A_64, %div3A : i32
      %jit3A_65 = arith.constant 4 : i32
      %eq3A = arith.constant 0 : i32
      %eq3A_66 = arith.cmpi eq, %jit3A_65, %eq3A : i32
      %jit3A_67 = arith.constant 1 : i32
      %select_n3A_68 = arith.select %eq3A_66, %jit3A_67, %jit3A_65 : i32
      %rem3A_69 = arith.remsi %add3A_38, %select_n3A_68 : i32
      %ne3A_70 = arith.constant 0 : i32
      %ne3A_71 = arith.cmpi ne, %rem3A_69, %ne3A_70 : i32
      %lt3A_72 = arith.constant 0 : i32
      %lt3A_73 = arith.cmpi slt, %rem3A_69, %lt3A_72 : i32
      %lt3A_74 = arith.constant 0 : i32
      %lt3A_75 = arith.cmpi slt, %select_n3A_68, %lt3A_74 : i32
      %ne3A_76 = arith.xori %lt3A_73, %lt3A_75 : i1
      %and3A_77 = arith.andi %ne3A_76, %ne3A_71 : i1
      %add3A_78 = arith.addi %rem3A_69, %select_n3A_68 : i32
      %select_n3A_79 = arith.select %and3A_77, %add3A_78, %rem3A_69 : i32
      %mul3A_80 = arith.constant 32 : i32
      %mul3A_81 = arith.muli %select_n3A_79, %mul3A_80 : i32
      %dma_wait3A_82 = tpu.memref_slice %arg6[%select_n3A, %mul3A_81] : memref<77x128xi32, #tpu.memory_space<vmem>> -> memref<1x32xi32, #tpu.memory_space<vmem>>
      %dma_wait3A_83 = tpu.memref_squeeze %dma_wait3A_82 : memref<1x32xi32, #tpu.memory_space<vmem>> -> memref<32xi32, #tpu.memory_space<vmem>>
      %dma_wait3A_84 = arith.constant 0 : i32
      %dma_wait3A_85 = arith.constant 0 : i32
      %dma_wait3A_86 = tpu.memref_slice %arg3[%dma_wait3A_84, %dma_wait3A_85] : memref<49408x512xf32, #tpu.memory_space<hbm>> -> memref<49408x512xf32, #tpu.memory_space<hbm>>
      tpu.wait_indirect_dma semaphore(%arg12 : memref<!tpu.dma_semaphore, #tpu.memory_space<semaphore_mem>>) src(%dma_wait3A_86 : memref<49408x512xf32, #tpu.memory_space<hbm>>) dst(%arg8 : memref<32x512xf32, #tpu.memory_space<vmem>>)
      %jit3A_87 = arith.constant 4 : i32
      %div3A_88 = arith.divsi %add3A_38, %jit3A_87 : i32
      %sign3A_89 = arith.constant 0 : i32
      %sign3A_90 = arith.cmpi sgt, %add3A_38, %sign3A_89 : i32
      %sign3A_91 = arith.extui %sign3A_90 : i1 to i32
      %sign3A_92 = arith.constant 0 : i32
      %sign3A_93 = arith.cmpi slt, %add3A_38, %sign3A_92 : i32
      %sign3A_94 = arith.extui %sign3A_93 : i1 to i32
      %sign3A_95 = arith.subi %sign3A_91, %sign3A_94 : i32
      %sign3A_96 = arith.constant 0 : i32
      %sign3A_97 = arith.cmpi sgt, %jit3A_87, %sign3A_96 : i32
      %sign3A_98 = arith.extui %sign3A_97 : i1 to i32
      %sign3A_99 = arith.constant 0 : i32
      %sign3A_100 = arith.cmpi slt, %jit3A_87, %sign3A_99 : i32
      %sign3A_101 = arith.extui %sign3A_100 : i1 to i32
      %sign3A_102 = arith.subi %sign3A_98, %sign3A_101 : i32
      %ne3A_103 = arith.cmpi ne, %sign3A_95, %sign3A_102 : i32
      %rem3A_104 = arith.remsi %add3A_38, %jit3A_87 : i32
      %ne3A_105 = arith.constant 0 : i32
      %ne3A_106 = arith.cmpi ne, %rem3A_104, %ne3A_105 : i32
      %and3A_107 = arith.andi %ne3A_103, %ne3A_106 : i1
      %sub3A_108 = arith.constant 1 : i32
      %sub3A_109 = arith.subi %div3A_88, %sub3A_108 : i32
      %select_n3A_110 = arith.select %and3A_107, %sub3A_109, %div3A_88 : i32
      %scan3A_111 = arith.constant 0 : i32
      %scan3A_112 = arith.constant 32 : i32
      %scan3A_113 = arith.addi %scan3A_111, %scan3A_112 : i32
      %scan3A_114 = arith.constant 1 : i32
      scf.for %scan3A_580 = %scan3A_111 to %scan3A_113 step %scan3A_114  : i32 {
        %mul3A_581 = arith.constant 16 : i32
        %mul3A_582 = arith.muli %scan3A_580, %mul3A_581 : i32
        %add3A_583 = arith.constant 0 : i32
        %add3A_584 = arith.addi %add3A_583, %mul3A_582 : i32
        %get3A = arith.index_cast %select_n3A_110 : i32 to index
        %get3A_585 = arith.index_cast %add3A_584 : i32 to index
        %get3A_586 = tpu.vector_load %arg7[%get3A, %get3A_585] {strides = array<i32>} : memref<77x512xf32, #tpu.memory_space<vmem>>, vector<1x16xf32>,
        %get3A_587 = vector.shape_cast %get3A_586 : vector<1x16xf32> to vector<16xf32>
        %scan3A_588 = arith.constant 0 : i32
        %scan3A_589 = arith.constant 32 : i32
        %scan3A_590 = arith.addi %scan3A_588, %scan3A_589 : i32
        %scan3A_591 = arith.constant 16 : i32
        scf.for %scan3A_593 = %scan3A_588 to %scan3A_590 step %scan3A_591  : i32 {
          %mul3A_594 = arith.constant 1 : i32
          %mul3A_595 = arith.muli %scan3A_593, %mul3A_594 : i32
          %add3A_596 = arith.constant 0 : i32
          %add3A_597 = arith.addi %add3A_596, %mul3A_595 : i32
          %swap3A = arith.index_cast %add3A_597 : i32 to index
          %swap3A_598 = arith.index_cast %add3A_584 : i32 to index
          %swap3A_599 = tpu.vector_load %arg8[%swap3A, %swap3A_598] {strides = array<i32>} : memref<32x512xf32, #tpu.memory_space<vmem>>, vector<1x16xf32>,
          %swap3A_600 = vector.shape_cast %swap3A_599 : vector<1x16xf32> to vector<16xf32>
          %swap3A_601 = vector.shape_cast %get3A_587 : vector<16xf32> to vector<1x16xf32>
          tpu.vector_store %arg8[%swap3A, %swap3A_598], %swap3A_601 {add = true, strides = array<i32>} : memref<32x512xf32, #tpu.memory_space<vmem>>, vector<1x16xf32>,
          %scan3A_602 = arith.constant 1 : i32
          %scan3A_603 = arith.addi %scan3A_593, %scan3A_602 : i32
          %mul3A_604 = arith.constant 1 : i32
          %mul3A_605 = arith.muli %scan3A_603, %mul3A_604 : i32
          %add3A_606 = arith.constant 0 : i32
          %add3A_607 = arith.addi %add3A_606, %mul3A_605 : i32
          %swap3A_608 = arith.index_cast %add3A_607 : i32 to index
          %swap3A_609 = arith.index_cast %add3A_584 : i32 to index
          %swap3A_610 = tpu.vector_load %arg8[%swap3A_608, %swap3A_609] {strides = array<i32>} : memref<32x512xf32, #tpu.memory_space<vmem>>, vector<1x16xf32>,
          %swap3A_611 = vector.shape_cast %swap3A_610 : vector<1x16xf32> to vector<16xf32>
          %swap3A_612 = vector.shape_cast %get3A_587 : vector<16xf32> to vector<1x16xf32>
          tpu.vector_store %arg8[%swap3A_608, %swap3A_609], %swap3A_612 {add = true, strides = array<i32>} : memref<32x512xf32, #tpu.memory_space<vmem>>, vector<1x16xf32>,
          %scan3A_613 = arith.constant 2 : i32
          %scan3A_614 = arith.addi %scan3A_593, %scan3A_613 : i32
          %mul3A_615 = arith.constant 1 : i32
          %mul3A_616 = arith.muli %scan3A_614, %mul3A_615 : i32
          %add3A_617 = arith.constant 0 : i32
          %add3A_618 = arith.addi %add3A_617, %mul3A_616 : i32
          %swap3A_619 = arith.index_cast %add3A_618 : i32 to index
          %swap3A_620 = arith.index_cast %add3A_584 : i32 to index
          %swap3A_621 = tpu.vector_load %arg8[%swap3A_619, %swap3A_620] {strides = array<i32>} : memref<32x512xf32, #tpu.memory_space<vmem>>, vector<1x16xf32>,
          %swap3A_622 = vector.shape_cast %swap3A_621 : vector<1x16xf32> to vector<16xf32>
          %swap3A_623 = vector.shape_cast %get3A_587 : vector<16xf32> to vector<1x16xf32>
          tpu.vector_store %arg8[%swap3A_619, %swap3A_620], %swap3A_623 {add = true, strides = array<i32>} : memref<32x512xf32, #tpu.memory_space<vmem>>, vector<1x16xf32>,
          %scan3A_624 = arith.constant 3 : i32
          %scan3A_625 = arith.addi %scan3A_593, %scan3A_624 : i32
          %mul3A_626 = arith.constant 1 : i32
          %mul3A_627 = arith.muli %scan3A_625, %mul3A_626 : i32
          %add3A_628 = arith.constant 0 : i32
          %add3A_629 = arith.addi %add3A_628, %mul3A_627 : i32
          %swap3A_630 = arith.index_cast %add3A_629 : i32 to index
          %swap3A_631 = arith.index_cast %add3A_584 : i32 to index
          %swap3A_632 = tpu.vector_load %arg8[%swap3A_630, %swap3A_631] {strides = array<i32>} : memref<32x512xf32, #tpu.memory_space<vmem>>, vector<1x16xf32>,
          %swap3A_633 = vector.shape_cast %swap3A_632 : vector<1x16xf32> to vector<16xf32>
          %swap3A_634 = vector.shape_cast %get3A_587 : vector<16xf32> to vector<1x16xf32>
          tpu.vector_store %arg8[%swap3A_630, %swap3A_631], %swap3A_634 {add = true, strides = array<i32>} : memref<32x512xf32, #tpu.memory_space<vmem>>, vector<1x16xf32>,
          %scan3A_635 = arith.constant 4 : i32
          %scan3A_636 = arith.addi %scan3A_593, %scan3A_635 : i32
          %mul3A_637 = arith.constant 1 : i32
          %mul3A_638 = arith.muli %scan3A_636, %mul3A_637 : i32
          %add3A_639 = arith.constant 0 : i32
          %add3A_640 = arith.addi %add3A_639, %mul3A_638 : i32
          %swap3A_641 = arith.index_cast %add3A_640 : i32 to index
          %swap3A_642 = arith.index_cast %add3A_584 : i32 to index
          %swap3A_643 = tpu.vector_load %arg8[%swap3A_641, %swap3A_642] {strides = array<i32>} : memref<32x512xf32, #tpu.memory_space<vmem>>, vector<1x16xf32>,
          %swap3A_644 = vector.shape_cast %swap3A_643 : vector<1x16xf32> to vector<16xf32>
          %swap3A_645 = vector.shape_cast %get3A_587 : vector<16xf32> to vector<1x16xf32>
          tpu.vector_store %arg8[%swap3A_641, %swap3A_642], %swap3A_645 {add = true, strides = array<i32>} : memref<32x512xf32, #tpu.memory_space<vmem>>, vector<1x16xf32>,
          %scan3A_646 = arith.constant 5 : i32
          %scan3A_647 = arith.addi %scan3A_593, %scan3A_646 : i32
          %mul3A_648 = arith.constant 1 : i32
          %mul3A_649 = arith.muli %scan3A_647, %mul3A_648 : i32
          %add3A_650 = arith.constant 0 : i32
          %add3A_651 = arith.addi %add3A_650, %mul3A_649 : i32
          %swap3A_652 = arith.index_cast %add3A_651 : i32 to index
          %swap3A_653 = arith.index_cast %add3A_584 : i32 to index
          %swap3A_654 = tpu.vector_load %arg8[%swap3A_652, %swap3A_653] {strides = array<i32>} : memref<32x512xf32, #tpu.memory_space<vmem>>, vector<1x16xf32>,
          %swap3A_655 = vector.shape_cast %swap3A_654 : vector<1x16xf32> to vector<16xf32>
          %swap3A_656 = vector.shape_cast %get3A_587 : vector<16xf32> to vector<1x16xf32>
          tpu.vector_store %arg8[%swap3A_652, %swap3A_653], %swap3A_656 {add = true, strides = array<i32>} : memref<32x512xf32, #tpu.memory_space<vmem>>, vector<1x16xf32>,
          %scan3A_657 = arith.constant 6 : i32
          %scan3A_658 = arith.addi %scan3A_593, %scan3A_657 : i32
          %mul3A_659 = arith.constant 1 : i32
          %mul3A_660 = arith.muli %scan3A_658, %mul3A_659 : i32
          %add3A_661 = arith.constant 0 : i32
          %add3A_662 = arith.addi %add3A_661, %mul3A_660 : i32
          %swap3A_663 = arith.index_cast %add3A_662 : i32 to index
          %swap3A_664 = arith.index_cast %add3A_584 : i32 to index
          %swap3A_665 = tpu.vector_load %arg8[%swap3A_663, %swap3A_664] {strides = array<i32>} : memref<32x512xf32, #tpu.memory_space<vmem>>, vector<1x16xf32>,
          %swap3A_666 = vector.shape_cast %swap3A_665 : vector<1x16xf32> to vector<16xf32>
          %swap3A_667 = vector.shape_cast %get3A_587 : vector<16xf32> to vector<1x16xf32>
          tpu.vector_store %arg8[%swap3A_663, %swap3A_664], %swap3A_667 {add = true, strides = array<i32>} : memref<32x512xf32, #tpu.memory_space<vmem>>, vector<1x16xf32>,
          %scan3A_668 = arith.constant 7 : i32
          %scan3A_669 = arith.addi %scan3A_593, %scan3A_668 : i32
          %mul3A_670 = arith.constant 1 : i32
          %mul3A_671 = arith.muli %scan3A_669, %mul3A_670 : i32
          %add3A_672 = arith.constant 0 : i32
          %add3A_673 = arith.addi %add3A_672, %mul3A_671 : i32
          %swap3A_674 = arith.index_cast %add3A_673 : i32 to index
          %swap3A_675 = arith.index_cast %add3A_584 : i32 to index
          %swap3A_676 = tpu.vector_load %arg8[%swap3A_674, %swap3A_675] {strides = array<i32>} : memref<32x512xf32, #tpu.memory_space<vmem>>, vector<1x16xf32>,
          %swap3A_677 = vector.shape_cast %swap3A_676 : vector<1x16xf32> to vector<16xf32>
          %swap3A_678 = vector.shape_cast %get3A_587 : vector<16xf32> to vector<1x16xf32>
          tpu.vector_store %arg8[%swap3A_674, %swap3A_675], %swap3A_678 {add = true, strides = array<i32>} : memref<32x512xf32, #tpu.memory_space<vmem>>, vector<1x16xf32>,
          %scan3A_679 = arith.constant 8 : i32
          %scan3A_680 = arith.addi %scan3A_593, %scan3A_679 : i32
          %mul3A_681 = arith.constant 1 : i32
          %mul3A_682 = arith.muli %scan3A_680, %mul3A_681 : i32
          %add3A_683 = arith.constant 0 : i32
          %add3A_684 = arith.addi %add3A_683, %mul3A_682 : i32
          %swap3A_685 = arith.index_cast %add3A_684 : i32 to index
          %swap3A_686 = arith.index_cast %add3A_584 : i32 to index
          %swap3A_687 = tpu.vector_load %arg8[%swap3A_685, %swap3A_686] {strides = array<i32>} : memref<32x512xf32, #tpu.memory_space<vmem>>, vector<1x16xf32>,
          %swap3A_688 = vector.shape_cast %swap3A_687 : vector<1x16xf32> to vector<16xf32>
          %swap3A_689 = vector.shape_cast %get3A_587 : vector<16xf32> to vector<1x16xf32>
          tpu.vector_store %arg8[%swap3A_685, %swap3A_686], %swap3A_689 {add = true, strides = array<i32>} : memref<32x512xf32, #tpu.memory_space<vmem>>, vector<1x16xf32>,
          %scan3A_690 = arith.constant 9 : i32
          %scan3A_691 = arith.addi %scan3A_593, %scan3A_690 : i32
          %mul3A_692 = arith.constant 1 : i32
          %mul3A_693 = arith.muli %scan3A_691, %mul3A_692 : i32
          %add3A_694 = arith.constant 0 : i32
          %add3A_695 = arith.addi %add3A_694, %mul3A_693 : i32
          %swap3A_696 = arith.index_cast %add3A_695 : i32 to index
          %swap3A_697 = arith.index_cast %add3A_584 : i32 to index
          %swap3A_698 = tpu.vector_load %arg8[%swap3A_696, %swap3A_697] {strides = array<i32>} : memref<32x512xf32, #tpu.memory_space<vmem>>, vector<1x16xf32>,
          %swap3A_699 = vector.shape_cast %swap3A_698 : vector<1x16xf32> to vector<16xf32>
          %swap3A_700 = vector.shape_cast %get3A_587 : vector<16xf32> to vector<1x16xf32>
          tpu.vector_store %arg8[%swap3A_696, %swap3A_697], %swap3A_700 {add = true, strides = array<i32>} : memref<32x512xf32, #tpu.memory_space<vmem>>, vector<1x16xf32>,
          %scan3A_701 = arith.constant 10 : i32
          %scan3A_702 = arith.addi %scan3A_593, %scan3A_701 : i32
          %mul3A_703 = arith.constant 1 : i32
          %mul3A_704 = arith.muli %scan3A_702, %mul3A_703 : i32
          %add3A_705 = arith.constant 0 : i32
          %add3A_706 = arith.addi %add3A_705, %mul3A_704 : i32
          %swap3A_707 = arith.index_cast %add3A_706 : i32 to index
          %swap3A_708 = arith.index_cast %add3A_584 : i32 to index
          %swap3A_709 = tpu.vector_load %arg8[%swap3A_707, %swap3A_708] {strides = array<i32>} : memref<32x512xf32, #tpu.memory_space<vmem>>, vector<1x16xf32>,
          %swap3A_710 = vector.shape_cast %swap3A_709 : vector<1x16xf32> to vector<16xf32>
          %swap3A_711 = vector.shape_cast %get3A_587 : vector<16xf32> to vector<1x16xf32>
          tpu.vector_store %arg8[%swap3A_707, %swap3A_708], %swap3A_711 {add = true, strides = array<i32>} : memref<32x512xf32, #tpu.memory_space<vmem>>, vector<1x16xf32>,
          %scan3A_712 = arith.constant 11 : i32
          %scan3A_713 = arith.addi %scan3A_593, %scan3A_712 : i32
          %mul3A_714 = arith.constant 1 : i32
          %mul3A_715 = arith.muli %scan3A_713, %mul3A_714 : i32
          %add3A_716 = arith.constant 0 : i32
          %add3A_717 = arith.addi %add3A_716, %mul3A_715 : i32
          %swap3A_718 = arith.index_cast %add3A_717 : i32 to index
          %swap3A_719 = arith.index_cast %add3A_584 : i32 to index
          %swap3A_720 = tpu.vector_load %arg8[%swap3A_718, %swap3A_719] {strides = array<i32>} : memref<32x512xf32, #tpu.memory_space<vmem>>, vector<1x16xf32>,
          %swap3A_721 = vector.shape_cast %swap3A_720 : vector<1x16xf32> to vector<16xf32>
          %swap3A_722 = vector.shape_cast %get3A_587 : vector<16xf32> to vector<1x16xf32>
          tpu.vector_store %arg8[%swap3A_718, %swap3A_719], %swap3A_722 {add = true, strides = array<i32>} : memref<32x512xf32, #tpu.memory_space<vmem>>, vector<1x16xf32>,
          %scan3A_723 = arith.constant 12 : i32
          %scan3A_724 = arith.addi %scan3A_593, %scan3A_723 : i32
          %mul3A_725 = arith.constant 1 : i32
          %mul3A_726 = arith.muli %scan3A_724, %mul3A_725 : i32
          %add3A_727 = arith.constant 0 : i32
          %add3A_728 = arith.addi %add3A_727, %mul3A_726 : i32
          %swap3A_729 = arith.index_cast %add3A_728 : i32 to index
          %swap3A_730 = arith.index_cast %add3A_584 : i32 to index
          %swap3A_731 = tpu.vector_load %arg8[%swap3A_729, %swap3A_730] {strides = array<i32>} : memref<32x512xf32, #tpu.memory_space<vmem>>, vector<1x16xf32>,
          %swap3A_732 = vector.shape_cast %swap3A_731 : vector<1x16xf32> to vector<16xf32>
          %swap3A_733 = vector.shape_cast %get3A_587 : vector<16xf32> to vector<1x16xf32>
          tpu.vector_store %arg8[%swap3A_729, %swap3A_730], %swap3A_733 {add = true, strides = array<i32>} : memref<32x512xf32, #tpu.memory_space<vmem>>, vector<1x16xf32>,
          %scan3A_734 = arith.constant 13 : i32
          %scan3A_735 = arith.addi %scan3A_593, %scan3A_734 : i32
          %mul3A_736 = arith.constant 1 : i32
          %mul3A_737 = arith.muli %scan3A_735, %mul3A_736 : i32
          %add3A_738 = arith.constant 0 : i32
          %add3A_739 = arith.addi %add3A_738, %mul3A_737 : i32
          %swap3A_740 = arith.index_cast %add3A_739 : i32 to index
          %swap3A_741 = arith.index_cast %add3A_584 : i32 to index
          %swap3A_742 = tpu.vector_load %arg8[%swap3A_740, %swap3A_741] {strides = array<i32>} : memref<32x512xf32, #tpu.memory_space<vmem>>, vector<1x16xf32>,
          %swap3A_743 = vector.shape_cast %swap3A_742 : vector<1x16xf32> to vector<16xf32>
          %swap3A_744 = vector.shape_cast %get3A_587 : vector<16xf32> to vector<1x16xf32>
          tpu.vector_store %arg8[%swap3A_740, %swap3A_741], %swap3A_744 {add = true, strides = array<i32>} : memref<32x512xf32, #tpu.memory_space<vmem>>, vector<1x16xf32>,
          %scan3A_745 = arith.constant 14 : i32
          %scan3A_746 = arith.addi %scan3A_593, %scan3A_745 : i32
          %mul3A_747 = arith.constant 1 : i32
          %mul3A_748 = arith.muli %scan3A_746, %mul3A_747 : i32
          %add3A_749 = arith.constant 0 : i32
          %add3A_750 = arith.addi %add3A_749, %mul3A_748 : i32
          %swap3A_751 = arith.index_cast %add3A_750 : i32 to index
          %swap3A_752 = arith.index_cast %add3A_584 : i32 to index
          %swap3A_753 = tpu.vector_load %arg8[%swap3A_751, %swap3A_752] {strides = array<i32>} : memref<32x512xf32, #tpu.memory_space<vmem>>, vector<1x16xf32>,
          %swap3A_754 = vector.shape_cast %swap3A_753 : vector<1x16xf32> to vector<16xf32>
          %swap3A_755 = vector.shape_cast %get3A_587 : vector<16xf32> to vector<1x16xf32>
          tpu.vector_store %arg8[%swap3A_751, %swap3A_752], %swap3A_755 {add = true, strides = array<i32>} : memref<32x512xf32, #tpu.memory_space<vmem>>, vector<1x16xf32>,
          %scan3A_756 = arith.constant 15 : i32
          %scan3A_757 = arith.addi %scan3A_593, %scan3A_756 : i32
          %mul3A_758 = arith.constant 1 : i32
          %mul3A_759 = arith.muli %scan3A_757, %mul3A_758 : i32
          %add3A_760 = arith.constant 0 : i32
          %add3A_761 = arith.addi %add3A_760, %mul3A_759 : i32
          %swap3A_762 = arith.index_cast %add3A_761 : i32 to index
          %swap3A_763 = arith.index_cast %add3A_584 : i32 to index
          %swap3A_764 = tpu.vector_load %arg8[%swap3A_762, %swap3A_763] {strides = array<i32>} : memref<32x512xf32, #tpu.memory_space<vmem>>, vector<1x16xf32>,
          %swap3A_765 = vector.shape_cast %swap3A_764 : vector<1x16xf32> to vector<16xf32>
          %swap3A_766 = vector.shape_cast %get3A_587 : vector<16xf32> to vector<1x16xf32>
          tpu.vector_store %arg8[%swap3A_762, %swap3A_763], %swap3A_766 {add = true, strides = array<i32>} : memref<32x512xf32, #tpu.memory_space<vmem>>, vector<1x16xf32>,
        }
        %scan3A_592 = arith.constant 32 : i32
      }
      %scan3A_115 = arith.constant 32 : i32
      %jit3A_116 = arith.constant 4 : i32
      %eq3A_117 = arith.constant 0 : i32
      %eq3A_118 = arith.cmpi eq, %jit3A_116, %eq3A_117 : i32
      %jit3A_119 = arith.constant 1 : i32
      %select_n3A_120 = arith.select %eq3A_118, %jit3A_119, %jit3A_116 : i32
      %rem3A_121 = arith.remsi %add3A_38, %select_n3A_120 : i32
      %ne3A_122 = arith.constant 0 : i32
      %ne3A_123 = arith.cmpi ne, %rem3A_121, %ne3A_122 : i32
      %lt3A_124 = arith.constant 0 : i32
      %lt3A_125 = arith.cmpi slt, %rem3A_121, %lt3A_124 : i32
      %lt3A_126 = arith.constant 0 : i32
      %lt3A_127 = arith.cmpi slt, %select_n3A_120, %lt3A_126 : i32
      %ne3A_128 = arith.xori %lt3A_125, %lt3A_127 : i1
      %and3A_129 = arith.andi %ne3A_128, %ne3A_123 : i1
      %add3A_130 = arith.addi %rem3A_121, %select_n3A_120 : i32
      %select_n3A_131 = arith.select %and3A_129, %add3A_130, %rem3A_121 : i32
      %mul3A_132 = arith.constant 32 : i32
      %mul3A_133 = arith.muli %select_n3A_131, %mul3A_132 : i32
      %add3A_134 = arith.addi %mul3A_2, %mul3A_133 : i32
      %jit3A_135 = arith.constant 4 : i32
      %div3A_136 = arith.divsi %add3A_38, %jit3A_135 : i32
      %sign3A_137 = arith.constant 0 : i32
      %sign3A_138 = arith.cmpi sgt, %add3A_38, %sign3A_137 : i32
      %sign3A_139 = arith.extui %sign3A_138 : i1 to i32
      %sign3A_140 = arith.constant 0 : i32
      %sign3A_141 = arith.cmpi slt, %add3A_38, %sign3A_140 : i32
      %sign3A_142 = arith.extui %sign3A_141 : i1 to i32
      %sign3A_143 = arith.subi %sign3A_139, %sign3A_142 : i32
      %sign3A_144 = arith.constant 0 : i32
      %sign3A_145 = arith.cmpi sgt, %jit3A_135, %sign3A_144 : i32
      %sign3A_146 = arith.extui %sign3A_145 : i1 to i32
      %sign3A_147 = arith.constant 0 : i32
      %sign3A_148 = arith.cmpi slt, %jit3A_135, %sign3A_147 : i32
      %sign3A_149 = arith.extui %sign3A_148 : i1 to i32
      %sign3A_150 = arith.subi %sign3A_146, %sign3A_149 : i32
      %ne3A_151 = arith.cmpi ne, %sign3A_143, %sign3A_150 : i32
      %rem3A_152 = arith.remsi %add3A_38, %jit3A_135 : i32
      %ne3A_153 = arith.constant 0 : i32
      %ne3A_154 = arith.cmpi ne, %rem3A_152, %ne3A_153 : i32
      %and3A_155 = arith.andi %ne3A_151, %ne3A_154 : i1
      %sub3A_156 = arith.constant 1 : i32
      %sub3A_157 = arith.subi %div3A_136, %sub3A_156 : i32
      %select_n3A_158 = arith.select %and3A_155, %sub3A_157, %div3A_136 : i32
      %mul3A_159 = arith.constant 512 : i32
      %mul3A_160 = arith.muli %select_n3A_158, %mul3A_159 : i32
      %dma_start3A_161 = tpu.memref_slice %arg5[%add3A_134, %mul3A_160] : memref<4096x39424xf32, #tpu.memory_space<hbm>> -> memref<32x512xf32, #tpu.memory_space<hbm>>
      %dma_start3A_162 = tpu.memref_slice %arg5[%add3A_134, %mul3A_160] : memref<4096x39424xf32, #tpu.memory_space<hbm>> -> memref<32x512xf32, #tpu.memory_space<hbm>>
      tpu.enqueue_dma source(%arg8 : memref<32x512xf32, #tpu.memory_space<vmem>>) target(%dma_start3A_162 : memref<32x512xf32, #tpu.memory_space<hbm>>) target_semaphore(%arg16 : memref<!tpu.dma_semaphore, #tpu.memory_space<semaphore_mem>>)
      %add3A_163 = arith.constant 1 : i32
      %add3A_164 = arith.addi %add3A_36, %add3A_163 : i32
      %gt3A_165 = arith.constant 0 : i32
      %gt3A_166 = arith.cmpi sgt, %add3A_164, %gt3A_165 : i32
      %convert_element_type3A_167 = arith.extui %gt3A_166 : i1 to i32
      %cond3A_168 = arith.constant 0 : i32
      %cond3A_169 = arith.cmpi ne, %convert_element_type3A_167, %cond3A_168 : i32
      scf.if %cond3A_169 {
        %sub3A_580 = arith.constant 1 : i32
        %sub3A_581 = arith.subi %add3A_164, %sub3A_580 : i32
        %jit3A_582 = arith.constant 4 : i32
        %eq3A_583 = arith.constant 0 : i32
        %eq3A_584 = arith.cmpi eq, %jit3A_582, %eq3A_583 : i32
        %jit3A_585 = arith.constant 1 : i32
        %select_n3A_586 = arith.select %eq3A_584, %jit3A_585, %jit3A_582 : i32
        %rem3A_587 = arith.remsi %sub3A_581, %select_n3A_586 : i32
        %ne3A_588 = arith.constant 0 : i32
        %ne3A_589 = arith.cmpi ne, %rem3A_587, %ne3A_588 : i32
        %lt3A_590 = arith.constant 0 : i32
        %lt3A_591 = arith.cmpi slt, %rem3A_587, %lt3A_590 : i32
        %lt3A_592 = arith.constant 0 : i32
        %lt3A_593 = arith.cmpi slt, %select_n3A_586, %lt3A_592 : i32
        %ne3A_594 = arith.xori %lt3A_591, %lt3A_593 : i1
        %and3A_595 = arith.andi %ne3A_594, %ne3A_589 : i1
        %add3A_596 = arith.addi %rem3A_587, %select_n3A_586 : i32
        %select_n3A_597 = arith.select %and3A_595, %add3A_596, %rem3A_587 : i32
        %mul3A_598 = arith.constant 32 : i32
        %mul3A_599 = arith.muli %select_n3A_597, %mul3A_598 : i32
        %add3A_600 = arith.addi %mul3A_2, %mul3A_599 : i32
        %jit3A_601 = arith.constant 4 : i32
        %div3A_602 = arith.divsi %sub3A_581, %jit3A_601 : i32
        %sign3A_603 = arith.constant 0 : i32
        %sign3A_604 = arith.cmpi sgt, %sub3A_581, %sign3A_603 : i32
        %sign3A_605 = arith.extui %sign3A_604 : i1 to i32
        %sign3A_606 = arith.constant 0 : i32
        %sign3A_607 = arith.cmpi slt, %sub3A_581, %sign3A_606 : i32
        %sign3A_608 = arith.extui %sign3A_607 : i1 to i32
        %sign3A_609 = arith.subi %sign3A_605, %sign3A_608 : i32
        %sign3A_610 = arith.constant 0 : i32
        %sign3A_611 = arith.cmpi sgt, %jit3A_601, %sign3A_610 : i32
        %sign3A_612 = arith.extui %sign3A_611 : i1 to i32
        %sign3A_613 = arith.constant 0 : i32
        %sign3A_614 = arith.cmpi slt, %jit3A_601, %sign3A_613 : i32
        %sign3A_615 = arith.extui %sign3A_614 : i1 to i32
        %sign3A_616 = arith.subi %sign3A_612, %sign3A_615 : i32
        %ne3A_617 = arith.cmpi ne, %sign3A_609, %sign3A_616 : i32
        %rem3A_618 = arith.remsi %sub3A_581, %jit3A_601 : i32
        %ne3A_619 = arith.constant 0 : i32
        %ne3A_620 = arith.cmpi ne, %rem3A_618, %ne3A_619 : i32
        %and3A_621 = arith.andi %ne3A_617, %ne3A_620 : i1
        %sub3A_622 = arith.constant 1 : i32
        %sub3A_623 = arith.subi %div3A_602, %sub3A_622 : i32
        %select_n3A_624 = arith.select %and3A_621, %sub3A_623, %div3A_602 : i32
        %mul3A_625 = arith.constant 512 : i32
        %mul3A_626 = arith.muli %select_n3A_624, %mul3A_625 : i32
        %dma_wait3A_627 = tpu.memref_slice %arg5[%add3A_600, %mul3A_626] : memref<4096x39424xf32, #tpu.memory_space<hbm>> -> memref<32x512xf32, #tpu.memory_space<hbm>>
        %dma_wait3A_628 = tpu.memref_slice %arg5[%add3A_600, %mul3A_626] : memref<4096x39424xf32, #tpu.memory_space<hbm>> -> memref<32x512xf32, #tpu.memory_space<hbm>>
        tpu.wait_dma2 semaphore(%arg16 : memref<!tpu.dma_semaphore, #tpu.memory_space<semaphore_mem>>) src(%arg8 : memref<32x512xf32, #tpu.memory_space<vmem>>) dst(%dma_wait3A_628 : memref<32x512xf32, #tpu.memory_space<hbm>>)
      } else {
      }
      %add3A_170 = arith.constant 4 : i32
      %add3A_171 = arith.addi %add3A_164, %add3A_170 : i32
      %sub3A_172 = arith.constant 1 : i32
      %sub3A_173 = arith.subi %add3A_171, %sub3A_172 : i32
      %lt3A_174 = arith.constant 308 : i32
      %lt3A_175 = arith.cmpi slt, %sub3A_173, %lt3A_174 : i32
      %convert_element_type3A_176 = arith.extui %lt3A_175 : i1 to i32
      %cond3A_177 = arith.constant 0 : i32
      %cond3A_178 = arith.cmpi ne, %convert_element_type3A_176, %cond3A_177 : i32
      scf.if %cond3A_178 {
        %jit3A_580 = arith.constant 4 : i32
        %div3A_581 = arith.divsi %sub3A_173, %jit3A_580 : i32
        %sign3A_582 = arith.constant 0 : i32
        %sign3A_583 = arith.cmpi sgt, %sub3A_173, %sign3A_582 : i32
        %sign3A_584 = arith.extui %sign3A_583 : i1 to i32
        %sign3A_585 = arith.constant 0 : i32
        %sign3A_586 = arith.cmpi slt, %sub3A_173, %sign3A_585 : i32
        %sign3A_587 = arith.extui %sign3A_586 : i1 to i32
        %sign3A_588 = arith.subi %sign3A_584, %sign3A_587 : i32
        %sign3A_589 = arith.constant 0 : i32
        %sign3A_590 = arith.cmpi sgt, %jit3A_580, %sign3A_589 : i32
        %sign3A_591 = arith.extui %sign3A_590 : i1 to i32
        %sign3A_592 = arith.constant 0 : i32
        %sign3A_593 = arith.cmpi slt, %jit3A_580, %sign3A_592 : i32
        %sign3A_594 = arith.extui %sign3A_593 : i1 to i32
        %sign3A_595 = arith.subi %sign3A_591, %sign3A_594 : i32
        %ne3A_596 = arith.cmpi ne, %sign3A_588, %sign3A_595 : i32
        %rem3A_597 = arith.remsi %sub3A_173, %jit3A_580 : i32
        %ne3A_598 = arith.constant 0 : i32
        %ne3A_599 = arith.cmpi ne, %rem3A_597, %ne3A_598 : i32
        %and3A_600 = arith.andi %ne3A_596, %ne3A_599 : i1
        %sub3A_601 = arith.constant 1 : i32
        %sub3A_602 = arith.subi %div3A_581, %sub3A_601 : i32
        %select_n3A_603 = arith.select %and3A_600, %sub3A_602, %div3A_581 : i32
        %jit3A_604 = arith.constant 4 : i32
        %eq3A_605 = arith.constant 0 : i32
        %eq3A_606 = arith.cmpi eq, %jit3A_604, %eq3A_605 : i32
        %jit3A_607 = arith.constant 1 : i32
        %select_n3A_608 = arith.select %eq3A_606, %jit3A_607, %jit3A_604 : i32
        %rem3A_609 = arith.remsi %sub3A_173, %select_n3A_608 : i32
        %ne3A_610 = arith.constant 0 : i32
        %ne3A_611 = arith.cmpi ne, %rem3A_609, %ne3A_610 : i32
        %lt3A_612 = arith.constant 0 : i32
        %lt3A_613 = arith.cmpi slt, %rem3A_609, %lt3A_612 : i32
        %lt3A_614 = arith.constant 0 : i32
        %lt3A_615 = arith.cmpi slt, %select_n3A_608, %lt3A_614 : i32
        %ne3A_616 = arith.xori %lt3A_613, %lt3A_615 : i1
        %and3A_617 = arith.andi %ne3A_616, %ne3A_611 : i1
        %add3A_618 = arith.addi %rem3A_609, %select_n3A_608 : i32
        %select_n3A_619 = arith.select %and3A_617, %add3A_618, %rem3A_609 : i32
        %mul3A_620 = arith.constant 32 : i32
        %mul3A_621 = arith.muli %select_n3A_619, %mul3A_620 : i32
        %dma_start3A_622 = tpu.memref_slice %arg6[%select_n3A_603, %mul3A_621] : memref<77x128xi32, #tpu.memory_space<vmem>> -> memref<1x32xi32, #tpu.memory_space<vmem>>
        %dma_start3A_623 = tpu.memref_squeeze %dma_start3A_622 : memref<1x32xi32, #tpu.memory_space<vmem>> -> memref<32xi32, #tpu.memory_space<vmem>>
        %dma_start3A_624 = arith.constant 0 : i32
        %dma_start3A_625 = arith.constant 0 : i32
        %dma_start3A_626 = tpu.memref_slice %arg3[%dma_start3A_624, %dma_start3A_625] : memref<49408x512xf32, #tpu.memory_space<hbm>> -> memref<49408x512xf32, #tpu.memory_space<hbm>>
        tpu.enqueue_indirect_dma source(%dma_start3A_626 : memref<49408x512xf32, #tpu.memory_space<hbm>>) target(%arg8 : memref<32x512xf32, #tpu.memory_space<vmem>>) offsets(%dma_start3A_623 : memref<32xi32, #tpu.memory_space<vmem>>) semaphore(%arg12 : memref<!tpu.dma_semaphore, #tpu.memory_space<semaphore_mem>>)
      } else {
      }
      %jit3A_179 = arith.constant 4 : i32
      %div3A_180 = arith.divsi %add3A_164, %jit3A_179 : i32
      %sign3A_181 = arith.constant 0 : i32
      %sign3A_182 = arith.cmpi sgt, %add3A_164, %sign3A_181 : i32
      %sign3A_183 = arith.extui %sign3A_182 : i1 to i32
      %sign3A_184 = arith.constant 0 : i32
      %sign3A_185 = arith.cmpi slt, %add3A_164, %sign3A_184 : i32
      %sign3A_186 = arith.extui %sign3A_185 : i1 to i32
      %sign3A_187 = arith.subi %sign3A_183, %sign3A_186 : i32
      %sign3A_188 = arith.constant 0 : i32
      %sign3A_189 = arith.cmpi sgt, %jit3A_179, %sign3A_188 : i32
      %sign3A_190 = arith.extui %sign3A_189 : i1 to i32
      %sign3A_191 = arith.constant 0 : i32
      %sign3A_192 = arith.cmpi slt, %jit3A_179, %sign3A_191 : i32
      %sign3A_193 = arith.extui %sign3A_192 : i1 to i32
      %sign3A_194 = arith.subi %sign3A_190, %sign3A_193 : i32
      %ne3A_195 = arith.cmpi ne, %sign3A_187, %sign3A_194 : i32
      %rem3A_196 = arith.remsi %add3A_164, %jit3A_179 : i32
      %ne3A_197 = arith.constant 0 : i32
      %ne3A_198 = arith.cmpi ne, %rem3A_196, %ne3A_197 : i32
      %and3A_199 = arith.andi %ne3A_195, %ne3A_198 : i1
      %sub3A_200 = arith.constant 1 : i32
      %sub3A_201 = arith.subi %div3A_180, %sub3A_200 : i32
      %select_n3A_202 = arith.select %and3A_199, %sub3A_201, %div3A_180 : i32
      %jit3A_203 = arith.constant 4 : i32
      %eq3A_204 = arith.constant 0 : i32
      %eq3A_205 = arith.cmpi eq, %jit3A_203, %eq3A_204 : i32
      %jit3A_206 = arith.constant 1 : i32
      %select_n3A_207 = arith.select %eq3A_205, %jit3A_206, %jit3A_203 : i32
      %rem3A_208 = arith.remsi %add3A_164, %select_n3A_207 : i32
      %ne3A_209 = arith.constant 0 : i32
      %ne3A_210 = arith.cmpi ne, %rem3A_208, %ne3A_209 : i32
      %lt3A_211 = arith.constant 0 : i32
      %lt3A_212 = arith.cmpi slt, %rem3A_208, %lt3A_211 : i32
      %lt3A_213 = arith.constant 0 : i32
      %lt3A_214 = arith.cmpi slt, %select_n3A_207, %lt3A_213 : i32
      %ne3A_215 = arith.xori %lt3A_212, %lt3A_214 : i1
      %and3A_216 = arith.andi %ne3A_215, %ne3A_210 : i1
      %add3A_217 = arith.addi %rem3A_208, %select_n3A_207 : i32
      %select_n3A_218 = arith.select %and3A_216, %add3A_217, %rem3A_208 : i32
      %mul3A_219 = arith.constant 32 : i32
      %mul3A_220 = arith.muli %select_n3A_218, %mul3A_219 : i32
      %dma_wait3A_221 = tpu.memref_slice %arg6[%select_n3A_202, %mul3A_220] : memref<77x128xi32, #tpu.memory_space<vmem>> -> memref<1x32xi32, #tpu.memory_space<vmem>>
      %dma_wait3A_222 = tpu.memref_squeeze %dma_wait3A_221 : memref<1x32xi32, #tpu.memory_space<vmem>> -> memref<32xi32, #tpu.memory_space<vmem>>
      %dma_wait3A_223 = arith.constant 0 : i32
      %dma_wait3A_224 = arith.constant 0 : i32
      %dma_wait3A_225 = tpu.memref_slice %arg3[%dma_wait3A_223, %dma_wait3A_224] : memref<49408x512xf32, #tpu.memory_space<hbm>> -> memref<49408x512xf32, #tpu.memory_space<hbm>>
      tpu.wait_indirect_dma semaphore(%arg13 : memref<!tpu.dma_semaphore, #tpu.memory_space<semaphore_mem>>) src(%dma_wait3A_225 : memref<49408x512xf32, #tpu.memory_space<hbm>>) dst(%arg9 : memref<32x512xf32, #tpu.memory_space<vmem>>)
      %jit3A_226 = arith.constant 4 : i32
      %div3A_227 = arith.divsi %add3A_164, %jit3A_226 : i32
      %sign3A_228 = arith.constant 0 : i32
      %sign3A_229 = arith.cmpi sgt, %add3A_164, %sign3A_228 : i32
      %sign3A_230 = arith.extui %sign3A_229 : i1 to i32
      %sign3A_231 = arith.constant 0 : i32
      %sign3A_232 = arith.cmpi slt, %add3A_164, %sign3A_231 : i32
      %sign3A_233 = arith.extui %sign3A_232 : i1 to i32
      %sign3A_234 = arith.subi %sign3A_230, %sign3A_233 : i32
      %sign3A_235 = arith.constant 0 : i32
      %sign3A_236 = arith.cmpi sgt, %jit3A_226, %sign3A_235 : i32
      %sign3A_237 = arith.extui %sign3A_236 : i1 to i32
      %sign3A_238 = arith.constant 0 : i32
      %sign3A_239 = arith.cmpi slt, %jit3A_226, %sign3A_238 : i32
      %sign3A_240 = arith.extui %sign3A_239 : i1 to i32
      %sign3A_241 = arith.subi %sign3A_237, %sign3A_240 : i32
      %ne3A_242 = arith.cmpi ne, %sign3A_234, %sign3A_241 : i32
      %rem3A_243 = arith.remsi %add3A_164, %jit3A_226 : i32
      %ne3A_244 = arith.constant 0 : i32
      %ne3A_245 = arith.cmpi ne, %rem3A_243, %ne3A_244 : i32
      %and3A_246 = arith.andi %ne3A_242, %ne3A_245 : i1
      %sub3A_247 = arith.constant 1 : i32
      %sub3A_248 = arith.subi %div3A_227, %sub3A_247 : i32
      %select_n3A_249 = arith.select %and3A_246, %sub3A_248, %div3A_227 : i32
      %scan3A_250 = arith.constant 0 : i32
      %scan3A_251 = arith.constant 32 : i32
      %scan3A_252 = arith.addi %scan3A_250, %scan3A_251 : i32
      %scan3A_253 = arith.constant 1 : i32
      scf.for %scan3A_580 = %scan3A_250 to %scan3A_252 step %scan3A_253  : i32 {
        %mul3A_581 = arith.constant 16 : i32
        %mul3A_582 = arith.muli %scan3A_580, %mul3A_581 : i32
        %add3A_583 = arith.constant 0 : i32
        %add3A_584 = arith.addi %add3A_583, %mul3A_582 : i32
        %get3A = arith.index_cast %select_n3A_249 : i32 to index
        %get3A_585 = arith.index_cast %add3A_584 : i32 to index
        %get3A_586 = tpu.vector_load %arg7[%get3A, %get3A_585] {strides = array<i32>} : memref<77x512xf32, #tpu.memory_space<vmem>>, vector<1x16xf32>,
        %get3A_587 = vector.shape_cast %get3A_586 : vector<1x16xf32> to vector<16xf32>
        %scan3A_588 = arith.constant 0 : i32
        %scan3A_589 = arith.constant 32 : i32
        %scan3A_590 = arith.addi %scan3A_588, %scan3A_589 : i32
        %scan3A_591 = arith.constant 16 : i32
        scf.for %scan3A_593 = %scan3A_588 to %scan3A_590 step %scan3A_591  : i32 {
          %mul3A_594 = arith.constant 1 : i32
          %mul3A_595 = arith.muli %scan3A_593, %mul3A_594 : i32
          %add3A_596 = arith.constant 0 : i32
          %add3A_597 = arith.addi %add3A_596, %mul3A_595 : i32
          %swap3A = arith.index_cast %add3A_597 : i32 to index
          %swap3A_598 = arith.index_cast %add3A_584 : i32 to index
          %swap3A_599 = tpu.vector_load %arg9[%swap3A, %swap3A_598] {strides = array<i32>} : memref<32x512xf32, #tpu.memory_space<vmem>>, vector<1x16xf32>,
          %swap3A_600 = vector.shape_cast %swap3A_599 : vector<1x16xf32> to vector<16xf32>
          %swap3A_601 = vector.shape_cast %get3A_587 : vector<16xf32> to vector<1x16xf32>
          tpu.vector_store %arg9[%swap3A, %swap3A_598], %swap3A_601 {add = true, strides = array<i32>} : memref<32x512xf32, #tpu.memory_space<vmem>>, vector<1x16xf32>,
          %scan3A_602 = arith.constant 1 : i32
          %scan3A_603 = arith.addi %scan3A_593, %scan3A_602 : i32
          %mul3A_604 = arith.constant 1 : i32
          %mul3A_605 = arith.muli %scan3A_603, %mul3A_604 : i32
          %add3A_606 = arith.constant 0 : i32
          %add3A_607 = arith.addi %add3A_606, %mul3A_605 : i32
          %swap3A_608 = arith.index_cast %add3A_607 : i32 to index
          %swap3A_609 = arith.index_cast %add3A_584 : i32 to index
          %swap3A_610 = tpu.vector_load %arg9[%swap3A_608, %swap3A_609] {strides = array<i32>} : memref<32x512xf32, #tpu.memory_space<vmem>>, vector<1x16xf32>,
          %swap3A_611 = vector.shape_cast %swap3A_610 : vector<1x16xf32> to vector<16xf32>
          %swap3A_612 = vector.shape_cast %get3A_587 : vector<16xf32> to vector<1x16xf32>
          tpu.vector_store %arg9[%swap3A_608, %swap3A_609], %swap3A_612 {add = true, strides = array<i32>} : memref<32x512xf32, #tpu.memory_space<vmem>>, vector<1x16xf32>,
          %scan3A_613 = arith.constant 2 : i32
          %scan3A_614 = arith.addi %scan3A_593, %scan3A_613 : i32
          %mul3A_615 = arith.constant 1 : i32
          %mul3A_616 = arith.muli %scan3A_614, %mul3A_615 : i32
          %add3A_617 = arith.constant 0 : i32
          %add3A_618 = arith.addi %add3A_617, %mul3A_616 : i32
          %swap3A_619 = arith.index_cast %add3A_618 : i32 to index
          %swap3A_620 = arith.index_cast %add3A_584 : i32 to index
          %swap3A_621 = tpu.vector_load %arg9[%swap3A_619, %swap3A_620] {strides = array<i32>} : memref<32x512xf32, #tpu.memory_space<vmem>>, vector<1x16xf32>,
          %swap3A_622 = vector.shape_cast %swap3A_621 : vector<1x16xf32> to vector<16xf32>
          %swap3A_623 = vector.shape_cast %get3A_587 : vector<16xf32> to vector<1x16xf32>
          tpu.vector_store %arg9[%swap3A_619, %swap3A_620], %swap3A_623 {add = true, strides = array<i32>} : memref<32x512xf32, #tpu.memory_space<vmem>>, vector<1x16xf32>,
          %scan3A_624 = arith.constant 3 : i32
          %scan3A_625 = arith.addi %scan3A_593, %scan3A_624 : i32
          %mul3A_626 = arith.constant 1 : i32
          %mul3A_627 = arith.muli %scan3A_625, %mul3A_626 : i32
          %add3A_628 = arith.constant 0 : i32
          %add3A_629 = arith.addi %add3A_628, %mul3A_627 : i32
          %swap3A_630 = arith.index_cast %add3A_629 : i32 to index
          %swap3A_631 = arith.index_cast %add3A_584 : i32 to index
          %swap3A_632 = tpu.vector_load %arg9[%swap3A_630, %swap3A_631] {strides = array<i32>} : memref<32x512xf32, #tpu.memory_space<vmem>>, vector<1x16xf32>,
          %swap3A_633 = vector.shape_cast %swap3A_632 : vector<1x16xf32> to vector<16xf32>
          %swap3A_634 = vector.shape_cast %get3A_587 : vector<16xf32> to vector<1x16xf32>
          tpu.vector_store %arg9[%swap3A_630, %swap3A_631], %swap3A_634 {add = true, strides = array<i32>} : memref<32x512xf32, #tpu.memory_space<vmem>>, vector<1x16xf32>,
          %scan3A_635 = arith.constant 4 : i32
          %scan3A_636 = arith.addi %scan3A_593, %scan3A_635 : i32
          %mul3A_637 = arith.constant 1 : i32
          %mul3A_638 = arith.muli %scan3A_636, %mul3A_637 : i32
          %add3A_639 = arith.constant 0 : i32
          %add3A_640 = arith.addi %add3A_639, %mul3A_638 : i32
          %swap3A_641 = arith.index_cast %add3A_640 : i32 to index
          %swap3A_642 = arith.index_cast %add3A_584 : i32 to index
          %swap3A_643 = tpu.vector_load %arg9[%swap3A_641, %swap3A_642] {strides = array<i32>} : memref<32x512xf32, #tpu.memory_space<vmem>>, vector<1x16xf32>,
          %swap3A_644 = vector.shape_cast %swap3A_643 : vector<1x16xf32> to vector<16xf32>
          %swap3A_645 = vector.shape_cast %get3A_587 : vector<16xf32> to vector<1x16xf32>
          tpu.vector_store %arg9[%swap3A_641, %swap3A_642], %swap3A_645 {add = true, strides = array<i32>} : memref<32x512xf32, #tpu.memory_space<vmem>>, vector<1x16xf32>,
          %scan3A_646 = arith.constant 5 : i32
          %scan3A_647 = arith.addi %scan3A_593, %scan3A_646 : i32
          %mul3A_648 = arith.constant 1 : i32
          %mul3A_649 = arith.muli %scan3A_647, %mul3A_648 : i32
          %add3A_650 = arith.constant 0 : i32
          %add3A_651 = arith.addi %add3A_650, %mul3A_649 : i32
          %swap3A_652 = arith.index_cast %add3A_651 : i32 to index
          %swap3A_653 = arith.index_cast %add3A_584 : i32 to index
          %swap3A_654 = tpu.vector_load %arg9[%swap3A_652, %swap3A_653] {strides = array<i32>} : memref<32x512xf32, #tpu.memory_space<vmem>>, vector<1x16xf32>,
          %swap3A_655 = vector.shape_cast %swap3A_654 : vector<1x16xf32> to vector<16xf32>
          %swap3A_656 = vector.shape_cast %get3A_587 : vector<16xf32> to vector<1x16xf32>
          tpu.vector_store %arg9[%swap3A_652, %swap3A_653], %swap3A_656 {add = true, strides = array<i32>} : memref<32x512xf32, #tpu.memory_space<vmem>>, vector<1x16xf32>,
          %scan3A_657 = arith.constant 6 : i32
          %scan3A_658 = arith.addi %scan3A_593, %scan3A_657 : i32
          %mul3A_659 = arith.constant 1 : i32
          %mul3A_660 = arith.muli %scan3A_658, %mul3A_659 : i32
          %add3A_661 = arith.constant 0 : i32
          %add3A_662 = arith.addi %add3A_661, %mul3A_660 : i32
          %swap3A_663 = arith.index_cast %add3A_662 : i32 to index
          %swap3A_664 = arith.index_cast %add3A_584 : i32 to index
          %swap3A_665 = tpu.vector_load %arg9[%swap3A_663, %swap3A_664] {strides = array<i32>} : memref<32x512xf32, #tpu.memory_space<vmem>>, vector<1x16xf32>,
          %swap3A_666 = vector.shape_cast %swap3A_665 : vector<1x16xf32> to vector<16xf32>
          %swap3A_667 = vector.shape_cast %get3A_587 : vector<16xf32> to vector<1x16xf32>
          tpu.vector_store %arg9[%swap3A_663, %swap3A_664], %swap3A_667 {add = true, strides = array<i32>} : memref<32x512xf32, #tpu.memory_space<vmem>>, vector<1x16xf32>,
          %scan3A_668 = arith.constant 7 : i32
          %scan3A_669 = arith.addi %scan3A_593, %scan3A_668 : i32
          %mul3A_670 = arith.constant 1 : i32
          %mul3A_671 = arith.muli %scan3A_669, %mul3A_670 : i32
          %add3A_672 = arith.constant 0 : i32
          %add3A_673 = arith.addi %add3A_672, %mul3A_671 : i32
          %swap3A_674 = arith.index_cast %add3A_673 : i32 to index
          %swap3A_675 = arith.index_cast %add3A_584 : i32 to index
          %swap3A_676 = tpu.vector_load %arg9[%swap3A_674, %swap3A_675] {strides = array<i32>} : memref<32x512xf32, #tpu.memory_space<vmem>>, vector<1x16xf32>,
          %swap3A_677 = vector.shape_cast %swap3A_676 : vector<1x16xf32> to vector<16xf32>
          %swap3A_678 = vector.shape_cast %get3A_587 : vector<16xf32> to vector<1x16xf32>
          tpu.vector_store %arg9[%swap3A_674, %swap3A_675], %swap3A_678 {add = true, strides = array<i32>} : memref<32x512xf32, #tpu.memory_space<vmem>>, vector<1x16xf32>,
          %scan3A_679 = arith.constant 8 : i32
          %scan3A_680 = arith.addi %scan3A_593, %scan3A_679 : i32
          %mul3A_681 = arith.constant 1 : i32
          %mul3A_682 = arith.muli %scan3A_680, %mul3A_681 : i32
          %add3A_683 = arith.constant 0 : i32
          %add3A_684 = arith.addi %add3A_683, %mul3A_682 : i32
          %swap3A_685 = arith.index_cast %add3A_684 : i32 to index
          %swap3A_686 = arith.index_cast %add3A_584 : i32 to index
          %swap3A_687 = tpu.vector_load %arg9[%swap3A_685, %swap3A_686] {strides = array<i32>} : memref<32x512xf32, #tpu.memory_space<vmem>>, vector<1x16xf32>,
          %swap3A_688 = vector.shape_cast %swap3A_687 : vector<1x16xf32> to vector<16xf32>
          %swap3A_689 = vector.shape_cast %get3A_587 : vector<16xf32> to vector<1x16xf32>
          tpu.vector_store %arg9[%swap3A_685, %swap3A_686], %swap3A_689 {add = true, strides = array<i32>} : memref<32x512xf32, #tpu.memory_space<vmem>>, vector<1x16xf32>,
          %scan3A_690 = arith.constant 9 : i32
          %scan3A_691 = arith.addi %scan3A_593, %scan3A_690 : i32
          %mul3A_692 = arith.constant 1 : i32
          %mul3A_693 = arith.muli %scan3A_691, %mul3A_692 : i32
          %add3A_694 = arith.constant 0 : i32
          %add3A_695 = arith.addi %add3A_694, %mul3A_693 : i32
          %swap3A_696 = arith.index_cast %add3A_695 : i32 to index
          %swap3A_697 = arith.index_cast %add3A_584 : i32 to index
          %swap3A_698 = tpu.vector_load %arg9[%swap3A_696, %swap3A_697] {strides = array<i32>} : memref<32x512xf32, #tpu.memory_space<vmem>>, vector<1x16xf32>,
          %swap3A_699 = vector.shape_cast %swap3A_698 : vector<1x16xf32> to vector<16xf32>
          %swap3A_700 = vector.shape_cast %get3A_587 : vector<16xf32> to vector<1x16xf32>
          tpu.vector_store %arg9[%swap3A_696, %swap3A_697], %swap3A_700 {add = true, strides = array<i32>} : memref<32x512xf32, #tpu.memory_space<vmem>>, vector<1x16xf32>,
          %scan3A_701 = arith.constant 10 : i32
          %scan3A_702 = arith.addi %scan3A_593, %scan3A_701 : i32
          %mul3A_703 = arith.constant 1 : i32
          %mul3A_704 = arith.muli %scan3A_702, %mul3A_703 : i32
          %add3A_705 = arith.constant 0 : i32
          %add3A_706 = arith.addi %add3A_705, %mul3A_704 : i32
          %swap3A_707 = arith.index_cast %add3A_706 : i32 to index
          %swap3A_708 = arith.index_cast %add3A_584 : i32 to index
          %swap3A_709 = tpu.vector_load %arg9[%swap3A_707, %swap3A_708] {strides = array<i32>} : memref<32x512xf32, #tpu.memory_space<vmem>>, vector<1x16xf32>,
          %swap3A_710 = vector.shape_cast %swap3A_709 : vector<1x16xf32> to vector<16xf32>
          %swap3A_711 = vector.shape_cast %get3A_587 : vector<16xf32> to vector<1x16xf32>
          tpu.vector_store %arg9[%swap3A_707, %swap3A_708], %swap3A_711 {add = true, strides = array<i32>} : memref<32x512xf32, #tpu.memory_space<vmem>>, vector<1x16xf32>,
          %scan3A_712 = arith.constant 11 : i32
          %scan3A_713 = arith.addi %scan3A_593, %scan3A_712 : i32
          %mul3A_714 = arith.constant 1 : i32
          %mul3A_715 = arith.muli %scan3A_713, %mul3A_714 : i32
          %add3A_716 = arith.constant 0 : i32
          %add3A_717 = arith.addi %add3A_716, %mul3A_715 : i32
          %swap3A_718 = arith.index_cast %add3A_717 : i32 to index
          %swap3A_719 = arith.index_cast %add3A_584 : i32 to index
          %swap3A_720 = tpu.vector_load %arg9[%swap3A_718, %swap3A_719] {strides = array<i32>} : memref<32x512xf32, #tpu.memory_space<vmem>>, vector<1x16xf32>,
          %swap3A_721 = vector.shape_cast %swap3A_720 : vector<1x16xf32> to vector<16xf32>
          %swap3A_722 = vector.shape_cast %get3A_587 : vector<16xf32> to vector<1x16xf32>
          tpu.vector_store %arg9[%swap3A_718, %swap3A_719], %swap3A_722 {add = true, strides = array<i32>} : memref<32x512xf32, #tpu.memory_space<vmem>>, vector<1x16xf32>,
          %scan3A_723 = arith.constant 12 : i32
          %scan3A_724 = arith.addi %scan3A_593, %scan3A_723 : i32
          %mul3A_725 = arith.constant 1 : i32
          %mul3A_726 = arith.muli %scan3A_724, %mul3A_725 : i32
          %add3A_727 = arith.constant 0 : i32
          %add3A_728 = arith.addi %add3A_727, %mul3A_726 : i32
          %swap3A_729 = arith.index_cast %add3A_728 : i32 to index
          %swap3A_730 = arith.index_cast %add3A_584 : i32 to index
          %swap3A_731 = tpu.vector_load %arg9[%swap3A_729, %swap3A_730] {strides = array<i32>} : memref<32x512xf32, #tpu.memory_space<vmem>>, vector<1x16xf32>,
          %swap3A_732 = vector.shape_cast %swap3A_731 : vector<1x16xf32> to vector<16xf32>
          %swap3A_733 = vector.shape_cast %get3A_587 : vector<16xf32> to vector<1x16xf32>
          tpu.vector_store %arg9[%swap3A_729, %swap3A_730], %swap3A_733 {add = true, strides = array<i32>} : memref<32x512xf32, #tpu.memory_space<vmem>>, vector<1x16xf32>,
          %scan3A_734 = arith.constant 13 : i32
          %scan3A_735 = arith.addi %scan3A_593, %scan3A_734 : i32
          %mul3A_736 = arith.constant 1 : i32
          %mul3A_737 = arith.muli %scan3A_735, %mul3A_736 : i32
          %add3A_738 = arith.constant 0 : i32
          %add3A_739 = arith.addi %add3A_738, %mul3A_737 : i32
          %swap3A_740 = arith.index_cast %add3A_739 : i32 to index
          %swap3A_741 = arith.index_cast %add3A_584 : i32 to index
          %swap3A_742 = tpu.vector_load %arg9[%swap3A_740, %swap3A_741] {strides = array<i32>} : memref<32x512xf32, #tpu.memory_space<vmem>>, vector<1x16xf32>,
          %swap3A_743 = vector.shape_cast %swap3A_742 : vector<1x16xf32> to vector<16xf32>
          %swap3A_744 = vector.shape_cast %get3A_587 : vector<16xf32> to vector<1x16xf32>
          tpu.vector_store %arg9[%swap3A_740, %swap3A_741], %swap3A_744 {add = true, strides = array<i32>} : memref<32x512xf32, #tpu.memory_space<vmem>>, vector<1x16xf32>,
          %scan3A_745 = arith.constant 14 : i32
          %scan3A_746 = arith.addi %scan3A_593, %scan3A_745 : i32
          %mul3A_747 = arith.constant 1 : i32
          %mul3A_748 = arith.muli %scan3A_746, %mul3A_747 : i32
          %add3A_749 = arith.constant 0 : i32
          %add3A_750 = arith.addi %add3A_749, %mul3A_748 : i32
          %swap3A_751 = arith.index_cast %add3A_750 : i32 to index
          %swap3A_752 = arith.index_cast %add3A_584 : i32 to index
          %swap3A_753 = tpu.vector_load %arg9[%swap3A_751, %swap3A_752] {strides = array<i32>} : memref<32x512xf32, #tpu.memory_space<vmem>>, vector<1x16xf32>,
          %swap3A_754 = vector.shape_cast %swap3A_753 : vector<1x16xf32> to vector<16xf32>
          %swap3A_755 = vector.shape_cast %get3A_587 : vector<16xf32> to vector<1x16xf32>
          tpu.vector_store %arg9[%swap3A_751, %swap3A_752], %swap3A_755 {add = true, strides = array<i32>} : memref<32x512xf32, #tpu.memory_space<vmem>>, vector<1x16xf32>,
          %scan3A_756 = arith.constant 15 : i32
          %scan3A_757 = arith.addi %scan3A_593, %scan3A_756 : i32
          %mul3A_758 = arith.constant 1 : i32
          %mul3A_759 = arith.muli %scan3A_757, %mul3A_758 : i32
          %add3A_760 = arith.constant 0 : i32
          %add3A_761 = arith.addi %add3A_760, %mul3A_759 : i32
          %swap3A_762 = arith.index_cast %add3A_761 : i32 to index
          %swap3A_763 = arith.index_cast %add3A_584 : i32 to index
          %swap3A_764 = tpu.vector_load %arg9[%swap3A_762, %swap3A_763] {strides = array<i32>} : memref<32x512xf32, #tpu.memory_space<vmem>>, vector<1x16xf32>,
          %swap3A_765 = vector.shape_cast %swap3A_764 : vector<1x16xf32> to vector<16xf32>
          %swap3A_766 = vector.shape_cast %get3A_587 : vector<16xf32> to vector<1x16xf32>
          tpu.vector_store %arg9[%swap3A_762, %swap3A_763], %swap3A_766 {add = true, strides = array<i32>} : memref<32x512xf32, #tpu.memory_space<vmem>>, vector<1x16xf32>,
        }
        %scan3A_592 = arith.constant 32 : i32
      }
      %scan3A_254 = arith.constant 32 : i32
      %jit3A_255 = arith.constant 4 : i32
      %eq3A_256 = arith.constant 0 : i32
      %eq3A_257 = arith.cmpi eq, %jit3A_255, %eq3A_256 : i32
      %jit3A_258 = arith.constant 1 : i32
      %select_n3A_259 = arith.select %eq3A_257, %jit3A_258, %jit3A_255 : i32
      %rem3A_260 = arith.remsi %add3A_164, %select_n3A_259 : i32
      %ne3A_261 = arith.constant 0 : i32
      %ne3A_262 = arith.cmpi ne, %rem3A_260, %ne3A_261 : i32
      %lt3A_263 = arith.constant 0 : i32
      %lt3A_264 = arith.cmpi slt, %rem3A_260, %lt3A_263 : i32
      %lt3A_265 = arith.constant 0 : i32
      %lt3A_266 = arith.cmpi slt, %select_n3A_259, %lt3A_265 : i32
      %ne3A_267 = arith.xori %lt3A_264, %lt3A_266 : i1
      %and3A_268 = arith.andi %ne3A_267, %ne3A_262 : i1
      %add3A_269 = arith.addi %rem3A_260, %select_n3A_259 : i32
      %select_n3A_270 = arith.select %and3A_268, %add3A_269, %rem3A_260 : i32
      %mul3A_271 = arith.constant 32 : i32
      %mul3A_272 = arith.muli %select_n3A_270, %mul3A_271 : i32
      %add3A_273 = arith.addi %mul3A_2, %mul3A_272 : i32
      %jit3A_274 = arith.constant 4 : i32
      %div3A_275 = arith.divsi %add3A_164, %jit3A_274 : i32
      %sign3A_276 = arith.constant 0 : i32
      %sign3A_277 = arith.cmpi sgt, %add3A_164, %sign3A_276 : i32
      %sign3A_278 = arith.extui %sign3A_277 : i1 to i32
      %sign3A_279 = arith.constant 0 : i32
      %sign3A_280 = arith.cmpi slt, %add3A_164, %sign3A_279 : i32
      %sign3A_281 = arith.extui %sign3A_280 : i1 to i32
      %sign3A_282 = arith.subi %sign3A_278, %sign3A_281 : i32
      %sign3A_283 = arith.constant 0 : i32
      %sign3A_284 = arith.cmpi sgt, %jit3A_274, %sign3A_283 : i32
      %sign3A_285 = arith.extui %sign3A_284 : i1 to i32
      %sign3A_286 = arith.constant 0 : i32
      %sign3A_287 = arith.cmpi slt, %jit3A_274, %sign3A_286 : i32
      %sign3A_288 = arith.extui %sign3A_287 : i1 to i32
      %sign3A_289 = arith.subi %sign3A_285, %sign3A_288 : i32
      %ne3A_290 = arith.cmpi ne, %sign3A_282, %sign3A_289 : i32
      %rem3A_291 = arith.remsi %add3A_164, %jit3A_274 : i32
      %ne3A_292 = arith.constant 0 : i32
      %ne3A_293 = arith.cmpi ne, %rem3A_291, %ne3A_292 : i32
      %and3A_294 = arith.andi %ne3A_290, %ne3A_293 : i1
      %sub3A_295 = arith.constant 1 : i32
      %sub3A_296 = arith.subi %div3A_275, %sub3A_295 : i32
      %select_n3A_297 = arith.select %and3A_294, %sub3A_296, %div3A_275 : i32
      %mul3A_298 = arith.constant 512 : i32
      %mul3A_299 = arith.muli %select_n3A_297, %mul3A_298 : i32
      %dma_start3A_300 = tpu.memref_slice %arg5[%add3A_273, %mul3A_299] : memref<4096x39424xf32, #tpu.memory_space<hbm>> -> memref<32x512xf32, #tpu.memory_space<hbm>>
      %dma_start3A_301 = tpu.memref_slice %arg5[%add3A_273, %mul3A_299] : memref<4096x39424xf32, #tpu.memory_space<hbm>> -> memref<32x512xf32, #tpu.memory_space<hbm>>
      tpu.enqueue_dma source(%arg9 : memref<32x512xf32, #tpu.memory_space<vmem>>) target(%dma_start3A_301 : memref<32x512xf32, #tpu.memory_space<hbm>>) target_semaphore(%arg17 : memref<!tpu.dma_semaphore, #tpu.memory_space<semaphore_mem>>)
      %add3A_302 = arith.constant 2 : i32
      %add3A_303 = arith.addi %add3A_36, %add3A_302 : i32
      %gt3A_304 = arith.constant 0 : i32
      %gt3A_305 = arith.cmpi sgt, %add3A_303, %gt3A_304 : i32
      %convert_element_type3A_306 = arith.extui %gt3A_305 : i1 to i32
      %cond3A_307 = arith.constant 0 : i32
      %cond3A_308 = arith.cmpi ne, %convert_element_type3A_306, %cond3A_307 : i32
      scf.if %cond3A_308 {
        %sub3A_580 = arith.constant 1 : i32
        %sub3A_581 = arith.subi %add3A_303, %sub3A_580 : i32
        %jit3A_582 = arith.constant 4 : i32
        %eq3A_583 = arith.constant 0 : i32
        %eq3A_584 = arith.cmpi eq, %jit3A_582, %eq3A_583 : i32
        %jit3A_585 = arith.constant 1 : i32
        %select_n3A_586 = arith.select %eq3A_584, %jit3A_585, %jit3A_582 : i32
        %rem3A_587 = arith.remsi %sub3A_581, %select_n3A_586 : i32
        %ne3A_588 = arith.constant 0 : i32
        %ne3A_589 = arith.cmpi ne, %rem3A_587, %ne3A_588 : i32
        %lt3A_590 = arith.constant 0 : i32
        %lt3A_591 = arith.cmpi slt, %rem3A_587, %lt3A_590 : i32
        %lt3A_592 = arith.constant 0 : i32
        %lt3A_593 = arith.cmpi slt, %select_n3A_586, %lt3A_592 : i32
        %ne3A_594 = arith.xori %lt3A_591, %lt3A_593 : i1
        %and3A_595 = arith.andi %ne3A_594, %ne3A_589 : i1
        %add3A_596 = arith.addi %rem3A_587, %select_n3A_586 : i32
        %select_n3A_597 = arith.select %and3A_595, %add3A_596, %rem3A_587 : i32
        %mul3A_598 = arith.constant 32 : i32
        %mul3A_599 = arith.muli %select_n3A_597, %mul3A_598 : i32
        %add3A_600 = arith.addi %mul3A_2, %mul3A_599 : i32
        %jit3A_601 = arith.constant 4 : i32
        %div3A_602 = arith.divsi %sub3A_581, %jit3A_601 : i32
        %sign3A_603 = arith.constant 0 : i32
        %sign3A_604 = arith.cmpi sgt, %sub3A_581, %sign3A_603 : i32
        %sign3A_605 = arith.extui %sign3A_604 : i1 to i32
        %sign3A_606 = arith.constant 0 : i32
        %sign3A_607 = arith.cmpi slt, %sub3A_581, %sign3A_606 : i32
        %sign3A_608 = arith.extui %sign3A_607 : i1 to i32
        %sign3A_609 = arith.subi %sign3A_605, %sign3A_608 : i32
        %sign3A_610 = arith.constant 0 : i32
        %sign3A_611 = arith.cmpi sgt, %jit3A_601, %sign3A_610 : i32
        %sign3A_612 = arith.extui %sign3A_611 : i1 to i32
        %sign3A_613 = arith.constant 0 : i32
        %sign3A_614 = arith.cmpi slt, %jit3A_601, %sign3A_613 : i32
        %sign3A_615 = arith.extui %sign3A_614 : i1 to i32
        %sign3A_616 = arith.subi %sign3A_612, %sign3A_615 : i32
        %ne3A_617 = arith.cmpi ne, %sign3A_609, %sign3A_616 : i32
        %rem3A_618 = arith.remsi %sub3A_581, %jit3A_601 : i32
        %ne3A_619 = arith.constant 0 : i32
        %ne3A_620 = arith.cmpi ne, %rem3A_618, %ne3A_619 : i32
        %and3A_621 = arith.andi %ne3A_617, %ne3A_620 : i1
        %sub3A_622 = arith.constant 1 : i32
        %sub3A_623 = arith.subi %div3A_602, %sub3A_622 : i32
        %select_n3A_624 = arith.select %and3A_621, %sub3A_623, %div3A_602 : i32
        %mul3A_625 = arith.constant 512 : i32
        %mul3A_626 = arith.muli %select_n3A_624, %mul3A_625 : i32
        %dma_wait3A_627 = tpu.memref_slice %arg5[%add3A_600, %mul3A_626] : memref<4096x39424xf32, #tpu.memory_space<hbm>> -> memref<32x512xf32, #tpu.memory_space<hbm>>
        %dma_wait3A_628 = tpu.memref_slice %arg5[%add3A_600, %mul3A_626] : memref<4096x39424xf32, #tpu.memory_space<hbm>> -> memref<32x512xf32, #tpu.memory_space<hbm>>
        tpu.wait_dma2 semaphore(%arg17 : memref<!tpu.dma_semaphore, #tpu.memory_space<semaphore_mem>>) src(%arg9 : memref<32x512xf32, #tpu.memory_space<vmem>>) dst(%dma_wait3A_628 : memref<32x512xf32, #tpu.memory_space<hbm>>)
      } else {
      }
      %add3A_309 = arith.constant 4 : i32
      %add3A_310 = arith.addi %add3A_303, %add3A_309 : i32
      %sub3A_311 = arith.constant 1 : i32
      %sub3A_312 = arith.subi %add3A_310, %sub3A_311 : i32
      %lt3A_313 = arith.constant 308 : i32
      %lt3A_314 = arith.cmpi slt, %sub3A_312, %lt3A_313 : i32
      %convert_element_type3A_315 = arith.extui %lt3A_314 : i1 to i32
      %cond3A_316 = arith.constant 0 : i32
      %cond3A_317 = arith.cmpi ne, %convert_element_type3A_315, %cond3A_316 : i32
      scf.if %cond3A_317 {
        %jit3A_580 = arith.constant 4 : i32
        %div3A_581 = arith.divsi %sub3A_312, %jit3A_580 : i32
        %sign3A_582 = arith.constant 0 : i32
        %sign3A_583 = arith.cmpi sgt, %sub3A_312, %sign3A_582 : i32
        %sign3A_584 = arith.extui %sign3A_583 : i1 to i32
        %sign3A_585 = arith.constant 0 : i32
        %sign3A_586 = arith.cmpi slt, %sub3A_312, %sign3A_585 : i32
        %sign3A_587 = arith.extui %sign3A_586 : i1 to i32
        %sign3A_588 = arith.subi %sign3A_584, %sign3A_587 : i32
        %sign3A_589 = arith.constant 0 : i32
        %sign3A_590 = arith.cmpi sgt, %jit3A_580, %sign3A_589 : i32
        %sign3A_591 = arith.extui %sign3A_590 : i1 to i32
        %sign3A_592 = arith.constant 0 : i32
        %sign3A_593 = arith.cmpi slt, %jit3A_580, %sign3A_592 : i32
        %sign3A_594 = arith.extui %sign3A_593 : i1 to i32
        %sign3A_595 = arith.subi %sign3A_591, %sign3A_594 : i32
        %ne3A_596 = arith.cmpi ne, %sign3A_588, %sign3A_595 : i32
        %rem3A_597 = arith.remsi %sub3A_312, %jit3A_580 : i32
        %ne3A_598 = arith.constant 0 : i32
        %ne3A_599 = arith.cmpi ne, %rem3A_597, %ne3A_598 : i32
        %and3A_600 = arith.andi %ne3A_596, %ne3A_599 : i1
        %sub3A_601 = arith.constant 1 : i32
        %sub3A_602 = arith.subi %div3A_581, %sub3A_601 : i32
        %select_n3A_603 = arith.select %and3A_600, %sub3A_602, %div3A_581 : i32
        %jit3A_604 = arith.constant 4 : i32
        %eq3A_605 = arith.constant 0 : i32
        %eq3A_606 = arith.cmpi eq, %jit3A_604, %eq3A_605 : i32
        %jit3A_607 = arith.constant 1 : i32
        %select_n3A_608 = arith.select %eq3A_606, %jit3A_607, %jit3A_604 : i32
        %rem3A_609 = arith.remsi %sub3A_312, %select_n3A_608 : i32
        %ne3A_610 = arith.constant 0 : i32
        %ne3A_611 = arith.cmpi ne, %rem3A_609, %ne3A_610 : i32
        %lt3A_612 = arith.constant 0 : i32
        %lt3A_613 = arith.cmpi slt, %rem3A_609, %lt3A_612 : i32
        %lt3A_614 = arith.constant 0 : i32
        %lt3A_615 = arith.cmpi slt, %select_n3A_608, %lt3A_614 : i32
        %ne3A_616 = arith.xori %lt3A_613, %lt3A_615 : i1
        %and3A_617 = arith.andi %ne3A_616, %ne3A_611 : i1
        %add3A_618 = arith.addi %rem3A_609, %select_n3A_608 : i32
        %select_n3A_619 = arith.select %and3A_617, %add3A_618, %rem3A_609 : i32
        %mul3A_620 = arith.constant 32 : i32
        %mul3A_621 = arith.muli %select_n3A_619, %mul3A_620 : i32
        %dma_start3A_622 = tpu.memref_slice %arg6[%select_n3A_603, %mul3A_621] : memref<77x128xi32, #tpu.memory_space<vmem>> -> memref<1x32xi32, #tpu.memory_space<vmem>>
        %dma_start3A_623 = tpu.memref_squeeze %dma_start3A_622 : memref<1x32xi32, #tpu.memory_space<vmem>> -> memref<32xi32, #tpu.memory_space<vmem>>
        %dma_start3A_624 = arith.constant 0 : i32
        %dma_start3A_625 = arith.constant 0 : i32
        %dma_start3A_626 = tpu.memref_slice %arg3[%dma_start3A_624, %dma_start3A_625] : memref<49408x512xf32, #tpu.memory_space<hbm>> -> memref<49408x512xf32, #tpu.memory_space<hbm>>
        tpu.enqueue_indirect_dma source(%dma_start3A_626 : memref<49408x512xf32, #tpu.memory_space<hbm>>) target(%arg9 : memref<32x512xf32, #tpu.memory_space<vmem>>) offsets(%dma_start3A_623 : memref<32xi32, #tpu.memory_space<vmem>>) semaphore(%arg13 : memref<!tpu.dma_semaphore, #tpu.memory_space<semaphore_mem>>)
      } else {
      }
      %jit3A_318 = arith.constant 4 : i32
      %div3A_319 = arith.divsi %add3A_303, %jit3A_318 : i32
      %sign3A_320 = arith.constant 0 : i32
      %sign3A_321 = arith.cmpi sgt, %add3A_303, %sign3A_320 : i32
      %sign3A_322 = arith.extui %sign3A_321 : i1 to i32
      %sign3A_323 = arith.constant 0 : i32
      %sign3A_324 = arith.cmpi slt, %add3A_303, %sign3A_323 : i32
      %sign3A_325 = arith.extui %sign3A_324 : i1 to i32
      %sign3A_326 = arith.subi %sign3A_322, %sign3A_325 : i32
      %sign3A_327 = arith.constant 0 : i32
      %sign3A_328 = arith.cmpi sgt, %jit3A_318, %sign3A_327 : i32
      %sign3A_329 = arith.extui %sign3A_328 : i1 to i32
      %sign3A_330 = arith.constant 0 : i32
      %sign3A_331 = arith.cmpi slt, %jit3A_318, %sign3A_330 : i32
      %sign3A_332 = arith.extui %sign3A_331 : i1 to i32
      %sign3A_333 = arith.subi %sign3A_329, %sign3A_332 : i32
      %ne3A_334 = arith.cmpi ne, %sign3A_326, %sign3A_333 : i32
      %rem3A_335 = arith.remsi %add3A_303, %jit3A_318 : i32
      %ne3A_336 = arith.constant 0 : i32
      %ne3A_337 = arith.cmpi ne, %rem3A_335, %ne3A_336 : i32
      %and3A_338 = arith.andi %ne3A_334, %ne3A_337 : i1
      %sub3A_339 = arith.constant 1 : i32
      %sub3A_340 = arith.subi %div3A_319, %sub3A_339 : i32
      %select_n3A_341 = arith.select %and3A_338, %sub3A_340, %div3A_319 : i32
      %jit3A_342 = arith.constant 4 : i32
      %eq3A_343 = arith.constant 0 : i32
      %eq3A_344 = arith.cmpi eq, %jit3A_342, %eq3A_343 : i32
      %jit3A_345 = arith.constant 1 : i32
      %select_n3A_346 = arith.select %eq3A_344, %jit3A_345, %jit3A_342 : i32
      %rem3A_347 = arith.remsi %add3A_303, %select_n3A_346 : i32
      %ne3A_348 = arith.constant 0 : i32
      %ne3A_349 = arith.cmpi ne, %rem3A_347, %ne3A_348 : i32
      %lt3A_350 = arith.constant 0 : i32
      %lt3A_351 = arith.cmpi slt, %rem3A_347, %lt3A_350 : i32
      %lt3A_352 = arith.constant 0 : i32
      %lt3A_353 = arith.cmpi slt, %select_n3A_346, %lt3A_352 : i32
      %ne3A_354 = arith.xori %lt3A_351, %lt3A_353 : i1
      %and3A_355 = arith.andi %ne3A_354, %ne3A_349 : i1
      %add3A_356 = arith.addi %rem3A_347, %select_n3A_346 : i32
      %select_n3A_357 = arith.select %and3A_355, %add3A_356, %rem3A_347 : i32
      %mul3A_358 = arith.constant 32 : i32
      %mul3A_359 = arith.muli %select_n3A_357, %mul3A_358 : i32
      %dma_wait3A_360 = tpu.memref_slice %arg6[%select_n3A_341, %mul3A_359] : memref<77x128xi32, #tpu.memory_space<vmem>> -> memref<1x32xi32, #tpu.memory_space<vmem>>
      %dma_wait3A_361 = tpu.memref_squeeze %dma_wait3A_360 : memref<1x32xi32, #tpu.memory_space<vmem>> -> memref<32xi32, #tpu.memory_space<vmem>>
      %dma_wait3A_362 = arith.constant 0 : i32
      %dma_wait3A_363 = arith.constant 0 : i32
      %dma_wait3A_364 = tpu.memref_slice %arg3[%dma_wait3A_362, %dma_wait3A_363] : memref<49408x512xf32, #tpu.memory_space<hbm>> -> memref<49408x512xf32, #tpu.memory_space<hbm>>
      tpu.wait_indirect_dma semaphore(%arg14 : memref<!tpu.dma_semaphore, #tpu.memory_space<semaphore_mem>>) src(%dma_wait3A_364 : memref<49408x512xf32, #tpu.memory_space<hbm>>) dst(%arg10 : memref<32x512xf32, #tpu.memory_space<vmem>>)
      %jit3A_365 = arith.constant 4 : i32
      %div3A_366 = arith.divsi %add3A_303, %jit3A_365 : i32
      %sign3A_367 = arith.constant 0 : i32
      %sign3A_368 = arith.cmpi sgt, %add3A_303, %sign3A_367 : i32
      %sign3A_369 = arith.extui %sign3A_368 : i1 to i32
      %sign3A_370 = arith.constant 0 : i32
      %sign3A_371 = arith.cmpi slt, %add3A_303, %sign3A_370 : i32
      %sign3A_372 = arith.extui %sign3A_371 : i1 to i32
      %sign3A_373 = arith.subi %sign3A_369, %sign3A_372 : i32
      %sign3A_374 = arith.constant 0 : i32
      %sign3A_375 = arith.cmpi sgt, %jit3A_365, %sign3A_374 : i32
      %sign3A_376 = arith.extui %sign3A_375 : i1 to i32
      %sign3A_377 = arith.constant 0 : i32
      %sign3A_378 = arith.cmpi slt, %jit3A_365, %sign3A_377 : i32
      %sign3A_379 = arith.extui %sign3A_378 : i1 to i32
      %sign3A_380 = arith.subi %sign3A_376, %sign3A_379 : i32
      %ne3A_381 = arith.cmpi ne, %sign3A_373, %sign3A_380 : i32
      %rem3A_382 = arith.remsi %add3A_303, %jit3A_365 : i32
      %ne3A_383 = arith.constant 0 : i32
      %ne3A_384 = arith.cmpi ne, %rem3A_382, %ne3A_383 : i32
      %and3A_385 = arith.andi %ne3A_381, %ne3A_384 : i1
      %sub3A_386 = arith.constant 1 : i32
      %sub3A_387 = arith.subi %div3A_366, %sub3A_386 : i32
      %select_n3A_388 = arith.select %and3A_385, %sub3A_387, %div3A_366 : i32
      %scan3A_389 = arith.constant 0 : i32
      %scan3A_390 = arith.constant 32 : i32
      %scan3A_391 = arith.addi %scan3A_389, %scan3A_390 : i32
      %scan3A_392 = arith.constant 1 : i32
      scf.for %scan3A_580 = %scan3A_389 to %scan3A_391 step %scan3A_392  : i32 {
        %mul3A_581 = arith.constant 16 : i32
        %mul3A_582 = arith.muli %scan3A_580, %mul3A_581 : i32
        %add3A_583 = arith.constant 0 : i32
        %add3A_584 = arith.addi %add3A_583, %mul3A_582 : i32
        %get3A = arith.index_cast %select_n3A_388 : i32 to index
        %get3A_585 = arith.index_cast %add3A_584 : i32 to index
        %get3A_586 = tpu.vector_load %arg7[%get3A, %get3A_585] {strides = array<i32>} : memref<77x512xf32, #tpu.memory_space<vmem>>, vector<1x16xf32>,
        %get3A_587 = vector.shape_cast %get3A_586 : vector<1x16xf32> to vector<16xf32>
        %scan3A_588 = arith.constant 0 : i32
        %scan3A_589 = arith.constant 32 : i32
        %scan3A_590 = arith.addi %scan3A_588, %scan3A_589 : i32
        %scan3A_591 = arith.constant 16 : i32
        scf.for %scan3A_593 = %scan3A_588 to %scan3A_590 step %scan3A_591  : i32 {
          %mul3A_594 = arith.constant 1 : i32
          %mul3A_595 = arith.muli %scan3A_593, %mul3A_594 : i32
          %add3A_596 = arith.constant 0 : i32
          %add3A_597 = arith.addi %add3A_596, %mul3A_595 : i32
          %swap3A = arith.index_cast %add3A_597 : i32 to index
          %swap3A_598 = arith.index_cast %add3A_584 : i32 to index
          %swap3A_599 = tpu.vector_load %arg10[%swap3A, %swap3A_598] {strides = array<i32>} : memref<32x512xf32, #tpu.memory_space<vmem>>, vector<1x16xf32>,
          %swap3A_600 = vector.shape_cast %swap3A_599 : vector<1x16xf32> to vector<16xf32>
          %swap3A_601 = vector.shape_cast %get3A_587 : vector<16xf32> to vector<1x16xf32>
          tpu.vector_store %arg10[%swap3A, %swap3A_598], %swap3A_601 {add = true, strides = array<i32>} : memref<32x512xf32, #tpu.memory_space<vmem>>, vector<1x16xf32>,
          %scan3A_602 = arith.constant 1 : i32
          %scan3A_603 = arith.addi %scan3A_593, %scan3A_602 : i32
          %mul3A_604 = arith.constant 1 : i32
          %mul3A_605 = arith.muli %scan3A_603, %mul3A_604 : i32
          %add3A_606 = arith.constant 0 : i32
          %add3A_607 = arith.addi %add3A_606, %mul3A_605 : i32
          %swap3A_608 = arith.index_cast %add3A_607 : i32 to index
          %swap3A_609 = arith.index_cast %add3A_584 : i32 to index
          %swap3A_610 = tpu.vector_load %arg10[%swap3A_608, %swap3A_609] {strides = array<i32>} : memref<32x512xf32, #tpu.memory_space<vmem>>, vector<1x16xf32>,
          %swap3A_611 = vector.shape_cast %swap3A_610 : vector<1x16xf32> to vector<16xf32>
          %swap3A_612 = vector.shape_cast %get3A_587 : vector<16xf32> to vector<1x16xf32>
          tpu.vector_store %arg10[%swap3A_608, %swap3A_609], %swap3A_612 {add = true, strides = array<i32>} : memref<32x512xf32, #tpu.memory_space<vmem>>, vector<1x16xf32>,
          %scan3A_613 = arith.constant 2 : i32
          %scan3A_614 = arith.addi %scan3A_593, %scan3A_613 : i32
          %mul3A_615 = arith.constant 1 : i32
          %mul3A_616 = arith.muli %scan3A_614, %mul3A_615 : i32
          %add3A_617 = arith.constant 0 : i32
          %add3A_618 = arith.addi %add3A_617, %mul3A_616 : i32
          %swap3A_619 = arith.index_cast %add3A_618 : i32 to index
          %swap3A_620 = arith.index_cast %add3A_584 : i32 to index
          %swap3A_621 = tpu.vector_load %arg10[%swap3A_619, %swap3A_620] {strides = array<i32>} : memref<32x512xf32, #tpu.memory_space<vmem>>, vector<1x16xf32>,
          %swap3A_622 = vector.shape_cast %swap3A_621 : vector<1x16xf32> to vector<16xf32>
          %swap3A_623 = vector.shape_cast %get3A_587 : vector<16xf32> to vector<1x16xf32>
          tpu.vector_store %arg10[%swap3A_619, %swap3A_620], %swap3A_623 {add = true, strides = array<i32>} : memref<32x512xf32, #tpu.memory_space<vmem>>, vector<1x16xf32>,
          %scan3A_624 = arith.constant 3 : i32
          %scan3A_625 = arith.addi %scan3A_593, %scan3A_624 : i32
          %mul3A_626 = arith.constant 1 : i32
          %mul3A_627 = arith.muli %scan3A_625, %mul3A_626 : i32
          %add3A_628 = arith.constant 0 : i32
          %add3A_629 = arith.addi %add3A_628, %mul3A_627 : i32
          %swap3A_630 = arith.index_cast %add3A_629 : i32 to index
          %swap3A_631 = arith.index_cast %add3A_584 : i32 to index
          %swap3A_632 = tpu.vector_load %arg10[%swap3A_630, %swap3A_631] {strides = array<i32>} : memref<32x512xf32, #tpu.memory_space<vmem>>, vector<1x16xf32>,
          %swap3A_633 = vector.shape_cast %swap3A_632 : vector<1x16xf32> to vector<16xf32>
          %swap3A_634 = vector.shape_cast %get3A_587 : vector<16xf32> to vector<1x16xf32>
          tpu.vector_store %arg10[%swap3A_630, %swap3A_631], %swap3A_634 {add = true, strides = array<i32>} : memref<32x512xf32, #tpu.memory_space<vmem>>, vector<1x16xf32>,
          %scan3A_635 = arith.constant 4 : i32
          %scan3A_636 = arith.addi %scan3A_593, %scan3A_635 : i32
          %mul3A_637 = arith.constant 1 : i32
          %mul3A_638 = arith.muli %scan3A_636, %mul3A_637 : i32
          %add3A_639 = arith.constant 0 : i32
          %add3A_640 = arith.addi %add3A_639, %mul3A_638 : i32
          %swap3A_641 = arith.index_cast %add3A_640 : i32 to index
          %swap3A_642 = arith.index_cast %add3A_584 : i32 to index
          %swap3A_643 = tpu.vector_load %arg10[%swap3A_641, %swap3A_642] {strides = array<i32>} : memref<32x512xf32, #tpu.memory_space<vmem>>, vector<1x16xf32>,
          %swap3A_644 = vector.shape_cast %swap3A_643 : vector<1x16xf32> to vector<16xf32>
          %swap3A_645 = vector.shape_cast %get3A_587 : vector<16xf32> to vector<1x16xf32>
          tpu.vector_store %arg10[%swap3A_641, %swap3A_642], %swap3A_645 {add = true, strides = array<i32>} : memref<32x512xf32, #tpu.memory_space<vmem>>, vector<1x16xf32>,
          %scan3A_646 = arith.constant 5 : i32
          %scan3A_647 = arith.addi %scan3A_593, %scan3A_646 : i32
          %mul3A_648 = arith.constant 1 : i32
          %mul3A_649 = arith.muli %scan3A_647, %mul3A_648 : i32
          %add3A_650 = arith.constant 0 : i32
          %add3A_651 = arith.addi %add3A_650, %mul3A_649 : i32
          %swap3A_652 = arith.index_cast %add3A_651 : i32 to index
          %swap3A_653 = arith.index_cast %add3A_584 : i32 to index
          %swap3A_654 = tpu.vector_load %arg10[%swap3A_652, %swap3A_653] {strides = array<i32>} : memref<32x512xf32, #tpu.memory_space<vmem>>, vector<1x16xf32>,
          %swap3A_655 = vector.shape_cast %swap3A_654 : vector<1x16xf32> to vector<16xf32>
          %swap3A_656 = vector.shape_cast %get3A_587 : vector<16xf32> to vector<1x16xf32>
          tpu.vector_store %arg10[%swap3A_652, %swap3A_653], %swap3A_656 {add = true, strides = array<i32>} : memref<32x512xf32, #tpu.memory_space<vmem>>, vector<1x16xf32>,
          %scan3A_657 = arith.constant 6 : i32
          %scan3A_658 = arith.addi %scan3A_593, %scan3A_657 : i32
          %mul3A_659 = arith.constant 1 : i32
          %mul3A_660 = arith.muli %scan3A_658, %mul3A_659 : i32
          %add3A_661 = arith.constant 0 : i32
          %add3A_662 = arith.addi %add3A_661, %mul3A_660 : i32
          %swap3A_663 = arith.index_cast %add3A_662 : i32 to index
          %swap3A_664 = arith.index_cast %add3A_584 : i32 to index
          %swap3A_665 = tpu.vector_load %arg10[%swap3A_663, %swap3A_664] {strides = array<i32>} : memref<32x512xf32, #tpu.memory_space<vmem>>, vector<1x16xf32>,
          %swap3A_666 = vector.shape_cast %swap3A_665 : vector<1x16xf32> to vector<16xf32>
          %swap3A_667 = vector.shape_cast %get3A_587 : vector<16xf32> to vector<1x16xf32>
          tpu.vector_store %arg10[%swap3A_663, %swap3A_664], %swap3A_667 {add = true, strides = array<i32>} : memref<32x512xf32, #tpu.memory_space<vmem>>, vector<1x16xf32>,
          %scan3A_668 = arith.constant 7 : i32
          %scan3A_669 = arith.addi %scan3A_593, %scan3A_668 : i32
          %mul3A_670 = arith.constant 1 : i32
          %mul3A_671 = arith.muli %scan3A_669, %mul3A_670 : i32
          %add3A_672 = arith.constant 0 : i32
          %add3A_673 = arith.addi %add3A_672, %mul3A_671 : i32
          %swap3A_674 = arith.index_cast %add3A_673 : i32 to index
          %swap3A_675 = arith.index_cast %add3A_584 : i32 to index
          %swap3A_676 = tpu.vector_load %arg10[%swap3A_674, %swap3A_675] {strides = array<i32>} : memref<32x512xf32, #tpu.memory_space<vmem>>, vector<1x16xf32>,
          %swap3A_677 = vector.shape_cast %swap3A_676 : vector<1x16xf32> to vector<16xf32>
          %swap3A_678 = vector.shape_cast %get3A_587 : vector<16xf32> to vector<1x16xf32>
          tpu.vector_store %arg10[%swap3A_674, %swap3A_675], %swap3A_678 {add = true, strides = array<i32>} : memref<32x512xf32, #tpu.memory_space<vmem>>, vector<1x16xf32>,
          %scan3A_679 = arith.constant 8 : i32
          %scan3A_680 = arith.addi %scan3A_593, %scan3A_679 : i32
          %mul3A_681 = arith.constant 1 : i32
          %mul3A_682 = arith.muli %scan3A_680, %mul3A_681 : i32
          %add3A_683 = arith.constant 0 : i32
          %add3A_684 = arith.addi %add3A_683, %mul3A_682 : i32
          %swap3A_685 = arith.index_cast %add3A_684 : i32 to index
          %swap3A_686 = arith.index_cast %add3A_584 : i32 to index
          %swap3A_687 = tpu.vector_load %arg10[%swap3A_685, %swap3A_686] {strides = array<i32>} : memref<32x512xf32, #tpu.memory_space<vmem>>, vector<1x16xf32>,
          %swap3A_688 = vector.shape_cast %swap3A_687 : vector<1x16xf32> to vector<16xf32>
          %swap3A_689 = vector.shape_cast %get3A_587 : vector<16xf32> to vector<1x16xf32>
          tpu.vector_store %arg10[%swap3A_685, %swap3A_686], %swap3A_689 {add = true, strides = array<i32>} : memref<32x512xf32, #tpu.memory_space<vmem>>, vector<1x16xf32>,
          %scan3A_690 = arith.constant 9 : i32
          %scan3A_691 = arith.addi %scan3A_593, %scan3A_690 : i32
          %mul3A_692 = arith.constant 1 : i32
          %mul3A_693 = arith.muli %scan3A_691, %mul3A_692 : i32
          %add3A_694 = arith.constant 0 : i32
          %add3A_695 = arith.addi %add3A_694, %mul3A_693 : i32
          %swap3A_696 = arith.index_cast %add3A_695 : i32 to index
          %swap3A_697 = arith.index_cast %add3A_584 : i32 to index
          %swap3A_698 = tpu.vector_load %arg10[%swap3A_696, %swap3A_697] {strides = array<i32>} : memref<32x512xf32, #tpu.memory_space<vmem>>, vector<1x16xf32>,
          %swap3A_699 = vector.shape_cast %swap3A_698 : vector<1x16xf32> to vector<16xf32>
          %swap3A_700 = vector.shape_cast %get3A_587 : vector<16xf32> to vector<1x16xf32>
          tpu.vector_store %arg10[%swap3A_696, %swap3A_697], %swap3A_700 {add = true, strides = array<i32>} : memref<32x512xf32, #tpu.memory_space<vmem>>, vector<1x16xf32>,
          %scan3A_701 = arith.constant 10 : i32
          %scan3A_702 = arith.addi %scan3A_593, %scan3A_701 : i32
          %mul3A_703 = arith.constant 1 : i32
          %mul3A_704 = arith.muli %scan3A_702, %mul3A_703 : i32
          %add3A_705 = arith.constant 0 : i32
          %add3A_706 = arith.addi %add3A_705, %mul3A_704 : i32
          %swap3A_707 = arith.index_cast %add3A_706 : i32 to index
          %swap3A_708 = arith.index_cast %add3A_584 : i32 to index
          %swap3A_709 = tpu.vector_load %arg10[%swap3A_707, %swap3A_708] {strides = array<i32>} : memref<32x512xf32, #tpu.memory_space<vmem>>, vector<1x16xf32>,
          %swap3A_710 = vector.shape_cast %swap3A_709 : vector<1x16xf32> to vector<16xf32>
          %swap3A_711 = vector.shape_cast %get3A_587 : vector<16xf32> to vector<1x16xf32>
          tpu.vector_store %arg10[%swap3A_707, %swap3A_708], %swap3A_711 {add = true, strides = array<i32>} : memref<32x512xf32, #tpu.memory_space<vmem>>, vector<1x16xf32>,
          %scan3A_712 = arith.constant 11 : i32
          %scan3A_713 = arith.addi %scan3A_593, %scan3A_712 : i32
          %mul3A_714 = arith.constant 1 : i32
          %mul3A_715 = arith.muli %scan3A_713, %mul3A_714 : i32
          %add3A_716 = arith.constant 0 : i32
          %add3A_717 = arith.addi %add3A_716, %mul3A_715 : i32
          %swap3A_718 = arith.index_cast %add3A_717 : i32 to index
          %swap3A_719 = arith.index_cast %add3A_584 : i32 to index
          %swap3A_720 = tpu.vector_load %arg10[%swap3A_718, %swap3A_719] {strides = array<i32>} : memref<32x512xf32, #tpu.memory_space<vmem>>, vector<1x16xf32>,
          %swap3A_721 = vector.shape_cast %swap3A_720 : vector<1x16xf32> to vector<16xf32>
          %swap3A_722 = vector.shape_cast %get3A_587 : vector<16xf32> to vector<1x16xf32>
          tpu.vector_store %arg10[%swap3A_718, %swap3A_719], %swap3A_722 {add = true, strides = array<i32>} : memref<32x512xf32, #tpu.memory_space<vmem>>, vector<1x16xf32>,
          %scan3A_723 = arith.constant 12 : i32
          %scan3A_724 = arith.addi %scan3A_593, %scan3A_723 : i32
          %mul3A_725 = arith.constant 1 : i32
          %mul3A_726 = arith.muli %scan3A_724, %mul3A_725 : i32
          %add3A_727 = arith.constant 0 : i32
          %add3A_728 = arith.addi %add3A_727, %mul3A_726 : i32
          %swap3A_729 = arith.index_cast %add3A_728 : i32 to index
          %swap3A_730 = arith.index_cast %add3A_584 : i32 to index
          %swap3A_731 = tpu.vector_load %arg10[%swap3A_729, %swap3A_730] {strides = array<i32>} : memref<32x512xf32, #tpu.memory_space<vmem>>, vector<1x16xf32>,
          %swap3A_732 = vector.shape_cast %swap3A_731 : vector<1x16xf32> to vector<16xf32>
          %swap3A_733 = vector.shape_cast %get3A_587 : vector<16xf32> to vector<1x16xf32>
          tpu.vector_store %arg10[%swap3A_729, %swap3A_730], %swap3A_733 {add = true, strides = array<i32>} : memref<32x512xf32, #tpu.memory_space<vmem>>, vector<1x16xf32>,
          %scan3A_734 = arith.constant 13 : i32
          %scan3A_735 = arith.addi %scan3A_593, %scan3A_734 : i32
          %mul3A_736 = arith.constant 1 : i32
          %mul3A_737 = arith.muli %scan3A_735, %mul3A_736 : i32
          %add3A_738 = arith.constant 0 : i32
          %add3A_739 = arith.addi %add3A_738, %mul3A_737 : i32
          %swap3A_740 = arith.index_cast %add3A_739 : i32 to index
          %swap3A_741 = arith.index_cast %add3A_584 : i32 to index
          %swap3A_742 = tpu.vector_load %arg10[%swap3A_740, %swap3A_741] {strides = array<i32>} : memref<32x512xf32, #tpu.memory_space<vmem>>, vector<1x16xf32>,
          %swap3A_743 = vector.shape_cast %swap3A_742 : vector<1x16xf32> to vector<16xf32>
          %swap3A_744 = vector.shape_cast %get3A_587 : vector<16xf32> to vector<1x16xf32>
          tpu.vector_store %arg10[%swap3A_740, %swap3A_741], %swap3A_744 {add = true, strides = array<i32>} : memref<32x512xf32, #tpu.memory_space<vmem>>, vector<1x16xf32>,
          %scan3A_745 = arith.constant 14 : i32
          %scan3A_746 = arith.addi %scan3A_593, %scan3A_745 : i32
          %mul3A_747 = arith.constant 1 : i32
          %mul3A_748 = arith.muli %scan3A_746, %mul3A_747 : i32
          %add3A_749 = arith.constant 0 : i32
          %add3A_750 = arith.addi %add3A_749, %mul3A_748 : i32
          %swap3A_751 = arith.index_cast %add3A_750 : i32 to index
          %swap3A_752 = arith.index_cast %add3A_584 : i32 to index
          %swap3A_753 = tpu.vector_load %arg10[%swap3A_751, %swap3A_752] {strides = array<i32>} : memref<32x512xf32, #tpu.memory_space<vmem>>, vector<1x16xf32>,
          %swap3A_754 = vector.shape_cast %swap3A_753 : vector<1x16xf32> to vector<16xf32>
          %swap3A_755 = vector.shape_cast %get3A_587 : vector<16xf32> to vector<1x16xf32>
          tpu.vector_store %arg10[%swap3A_751, %swap3A_752], %swap3A_755 {add = true, strides = array<i32>} : memref<32x512xf32, #tpu.memory_space<vmem>>, vector<1x16xf32>,
          %scan3A_756 = arith.constant 15 : i32
          %scan3A_757 = arith.addi %scan3A_593, %scan3A_756 : i32
          %mul3A_758 = arith.constant 1 : i32
          %mul3A_759 = arith.muli %scan3A_757, %mul3A_758 : i32
          %add3A_760 = arith.constant 0 : i32
          %add3A_761 = arith.addi %add3A_760, %mul3A_759 : i32
          %swap3A_762 = arith.index_cast %add3A_761 : i32 to index
          %swap3A_763 = arith.index_cast %add3A_584 : i32 to index
          %swap3A_764 = tpu.vector_load %arg10[%swap3A_762, %swap3A_763] {strides = array<i32>} : memref<32x512xf32, #tpu.memory_space<vmem>>, vector<1x16xf32>,
          %swap3A_765 = vector.shape_cast %swap3A_764 : vector<1x16xf32> to vector<16xf32>
          %swap3A_766 = vector.shape_cast %get3A_587 : vector<16xf32> to vector<1x16xf32>
          tpu.vector_store %arg10[%swap3A_762, %swap3A_763], %swap3A_766 {add = true, strides = array<i32>} : memref<32x512xf32, #tpu.memory_space<vmem>>, vector<1x16xf32>,
        }
        %scan3A_592 = arith.constant 32 : i32
      }
      %scan3A_393 = arith.constant 32 : i32
      %jit3A_394 = arith.constant 4 : i32
      %eq3A_395 = arith.constant 0 : i32
      %eq3A_396 = arith.cmpi eq, %jit3A_394, %eq3A_395 : i32
      %jit3A_397 = arith.constant 1 : i32
      %select_n3A_398 = arith.select %eq3A_396, %jit3A_397, %jit3A_394 : i32
      %rem3A_399 = arith.remsi %add3A_303, %select_n3A_398 : i32
      %ne3A_400 = arith.constant 0 : i32
      %ne3A_401 = arith.cmpi ne, %rem3A_399, %ne3A_400 : i32
      %lt3A_402 = arith.constant 0 : i32
      %lt3A_403 = arith.cmpi slt, %rem3A_399, %lt3A_402 : i32
      %lt3A_404 = arith.constant 0 : i32
      %lt3A_405 = arith.cmpi slt, %select_n3A_398, %lt3A_404 : i32
      %ne3A_406 = arith.xori %lt3A_403, %lt3A_405 : i1
      %and3A_407 = arith.andi %ne3A_406, %ne3A_401 : i1
      %add3A_408 = arith.addi %rem3A_399, %select_n3A_398 : i32
      %select_n3A_409 = arith.select %and3A_407, %add3A_408, %rem3A_399 : i32
      %mul3A_410 = arith.constant 32 : i32
      %mul3A_411 = arith.muli %select_n3A_409, %mul3A_410 : i32
      %add3A_412 = arith.addi %mul3A_2, %mul3A_411 : i32
      %jit3A_413 = arith.constant 4 : i32
      %div3A_414 = arith.divsi %add3A_303, %jit3A_413 : i32
      %sign3A_415 = arith.constant 0 : i32
      %sign3A_416 = arith.cmpi sgt, %add3A_303, %sign3A_415 : i32
      %sign3A_417 = arith.extui %sign3A_416 : i1 to i32
      %sign3A_418 = arith.constant 0 : i32
      %sign3A_419 = arith.cmpi slt, %add3A_303, %sign3A_418 : i32
      %sign3A_420 = arith.extui %sign3A_419 : i1 to i32
      %sign3A_421 = arith.subi %sign3A_417, %sign3A_420 : i32
      %sign3A_422 = arith.constant 0 : i32
      %sign3A_423 = arith.cmpi sgt, %jit3A_413, %sign3A_422 : i32
      %sign3A_424 = arith.extui %sign3A_423 : i1 to i32
      %sign3A_425 = arith.constant 0 : i32
      %sign3A_426 = arith.cmpi slt, %jit3A_413, %sign3A_425 : i32
      %sign3A_427 = arith.extui %sign3A_426 : i1 to i32
      %sign3A_428 = arith.subi %sign3A_424, %sign3A_427 : i32
      %ne3A_429 = arith.cmpi ne, %sign3A_421, %sign3A_428 : i32
      %rem3A_430 = arith.remsi %add3A_303, %jit3A_413 : i32
      %ne3A_431 = arith.constant 0 : i32
      %ne3A_432 = arith.cmpi ne, %rem3A_430, %ne3A_431 : i32
      %and3A_433 = arith.andi %ne3A_429, %ne3A_432 : i1
      %sub3A_434 = arith.constant 1 : i32
      %sub3A_435 = arith.subi %div3A_414, %sub3A_434 : i32
      %select_n3A_436 = arith.select %and3A_433, %sub3A_435, %div3A_414 : i32
      %mul3A_437 = arith.constant 512 : i32
      %mul3A_438 = arith.muli %select_n3A_436, %mul3A_437 : i32
      %dma_start3A_439 = tpu.memref_slice %arg5[%add3A_412, %mul3A_438] : memref<4096x39424xf32, #tpu.memory_space<hbm>> -> memref<32x512xf32, #tpu.memory_space<hbm>>
      %dma_start3A_440 = tpu.memref_slice %arg5[%add3A_412, %mul3A_438] : memref<4096x39424xf32, #tpu.memory_space<hbm>> -> memref<32x512xf32, #tpu.memory_space<hbm>>
      tpu.enqueue_dma source(%arg10 : memref<32x512xf32, #tpu.memory_space<vmem>>) target(%dma_start3A_440 : memref<32x512xf32, #tpu.memory_space<hbm>>) target_semaphore(%arg18 : memref<!tpu.dma_semaphore, #tpu.memory_space<semaphore_mem>>)
      %add3A_441 = arith.constant 3 : i32
      %add3A_442 = arith.addi %add3A_36, %add3A_441 : i32
      %gt3A_443 = arith.constant 0 : i32
      %gt3A_444 = arith.cmpi sgt, %add3A_442, %gt3A_443 : i32
      %convert_element_type3A_445 = arith.extui %gt3A_444 : i1 to i32
      %cond3A_446 = arith.constant 0 : i32
      %cond3A_447 = arith.cmpi ne, %convert_element_type3A_445, %cond3A_446 : i32
      scf.if %cond3A_447 {
        %sub3A_580 = arith.constant 1 : i32
        %sub3A_581 = arith.subi %add3A_442, %sub3A_580 : i32
        %jit3A_582 = arith.constant 4 : i32
        %eq3A_583 = arith.constant 0 : i32
        %eq3A_584 = arith.cmpi eq, %jit3A_582, %eq3A_583 : i32
        %jit3A_585 = arith.constant 1 : i32
        %select_n3A_586 = arith.select %eq3A_584, %jit3A_585, %jit3A_582 : i32
        %rem3A_587 = arith.remsi %sub3A_581, %select_n3A_586 : i32
        %ne3A_588 = arith.constant 0 : i32
        %ne3A_589 = arith.cmpi ne, %rem3A_587, %ne3A_588 : i32
        %lt3A_590 = arith.constant 0 : i32
        %lt3A_591 = arith.cmpi slt, %rem3A_587, %lt3A_590 : i32
        %lt3A_592 = arith.constant 0 : i32
        %lt3A_593 = arith.cmpi slt, %select_n3A_586, %lt3A_592 : i32
        %ne3A_594 = arith.xori %lt3A_591, %lt3A_593 : i1
        %and3A_595 = arith.andi %ne3A_594, %ne3A_589 : i1
        %add3A_596 = arith.addi %rem3A_587, %select_n3A_586 : i32
        %select_n3A_597 = arith.select %and3A_595, %add3A_596, %rem3A_587 : i32
        %mul3A_598 = arith.constant 32 : i32
        %mul3A_599 = arith.muli %select_n3A_597, %mul3A_598 : i32
        %add3A_600 = arith.addi %mul3A_2, %mul3A_599 : i32
        %jit3A_601 = arith.constant 4 : i32
        %div3A_602 = arith.divsi %sub3A_581, %jit3A_601 : i32
        %sign3A_603 = arith.constant 0 : i32
        %sign3A_604 = arith.cmpi sgt, %sub3A_581, %sign3A_603 : i32
        %sign3A_605 = arith.extui %sign3A_604 : i1 to i32
        %sign3A_606 = arith.constant 0 : i32
        %sign3A_607 = arith.cmpi slt, %sub3A_581, %sign3A_606 : i32
        %sign3A_608 = arith.extui %sign3A_607 : i1 to i32
        %sign3A_609 = arith.subi %sign3A_605, %sign3A_608 : i32
        %sign3A_610 = arith.constant 0 : i32
        %sign3A_611 = arith.cmpi sgt, %jit3A_601, %sign3A_610 : i32
        %sign3A_612 = arith.extui %sign3A_611 : i1 to i32
        %sign3A_613 = arith.constant 0 : i32
        %sign3A_614 = arith.cmpi slt, %jit3A_601, %sign3A_613 : i32
        %sign3A_615 = arith.extui %sign3A_614 : i1 to i32
        %sign3A_616 = arith.subi %sign3A_612, %sign3A_615 : i32
        %ne3A_617 = arith.cmpi ne, %sign3A_609, %sign3A_616 : i32
        %rem3A_618 = arith.remsi %sub3A_581, %jit3A_601 : i32
        %ne3A_619 = arith.constant 0 : i32
        %ne3A_620 = arith.cmpi ne, %rem3A_618, %ne3A_619 : i32
        %and3A_621 = arith.andi %ne3A_617, %ne3A_620 : i1
        %sub3A_622 = arith.constant 1 : i32
        %sub3A_623 = arith.subi %div3A_602, %sub3A_622 : i32
        %select_n3A_624 = arith.select %and3A_621, %sub3A_623, %div3A_602 : i32
        %mul3A_625 = arith.constant 512 : i32
        %mul3A_626 = arith.muli %select_n3A_624, %mul3A_625 : i32
        %dma_wait3A_627 = tpu.memref_slice %arg5[%add3A_600, %mul3A_626] : memref<4096x39424xf32, #tpu.memory_space<hbm>> -> memref<32x512xf32, #tpu.memory_space<hbm>>
        %dma_wait3A_628 = tpu.memref_slice %arg5[%add3A_600, %mul3A_626] : memref<4096x39424xf32, #tpu.memory_space<hbm>> -> memref<32x512xf32, #tpu.memory_space<hbm>>
        tpu.wait_dma2 semaphore(%arg18 : memref<!tpu.dma_semaphore, #tpu.memory_space<semaphore_mem>>) src(%arg10 : memref<32x512xf32, #tpu.memory_space<vmem>>) dst(%dma_wait3A_628 : memref<32x512xf32, #tpu.memory_space<hbm>>)
      } else {
      }
      %add3A_448 = arith.constant 4 : i32
      %add3A_449 = arith.addi %add3A_442, %add3A_448 : i32
      %sub3A_450 = arith.constant 1 : i32
      %sub3A_451 = arith.subi %add3A_449, %sub3A_450 : i32
      %lt3A_452 = arith.constant 308 : i32
      %lt3A_453 = arith.cmpi slt, %sub3A_451, %lt3A_452 : i32
      %convert_element_type3A_454 = arith.extui %lt3A_453 : i1 to i32
      %cond3A_455 = arith.constant 0 : i32
      %cond3A_456 = arith.cmpi ne, %convert_element_type3A_454, %cond3A_455 : i32
      scf.if %cond3A_456 {
        %jit3A_580 = arith.constant 4 : i32
        %div3A_581 = arith.divsi %sub3A_451, %jit3A_580 : i32
        %sign3A_582 = arith.constant 0 : i32
        %sign3A_583 = arith.cmpi sgt, %sub3A_451, %sign3A_582 : i32
        %sign3A_584 = arith.extui %sign3A_583 : i1 to i32
        %sign3A_585 = arith.constant 0 : i32
        %sign3A_586 = arith.cmpi slt, %sub3A_451, %sign3A_585 : i32
        %sign3A_587 = arith.extui %sign3A_586 : i1 to i32
        %sign3A_588 = arith.subi %sign3A_584, %sign3A_587 : i32
        %sign3A_589 = arith.constant 0 : i32
        %sign3A_590 = arith.cmpi sgt, %jit3A_580, %sign3A_589 : i32
        %sign3A_591 = arith.extui %sign3A_590 : i1 to i32
        %sign3A_592 = arith.constant 0 : i32
        %sign3A_593 = arith.cmpi slt, %jit3A_580, %sign3A_592 : i32
        %sign3A_594 = arith.extui %sign3A_593 : i1 to i32
        %sign3A_595 = arith.subi %sign3A_591, %sign3A_594 : i32
        %ne3A_596 = arith.cmpi ne, %sign3A_588, %sign3A_595 : i32
        %rem3A_597 = arith.remsi %sub3A_451, %jit3A_580 : i32
        %ne3A_598 = arith.constant 0 : i32
        %ne3A_599 = arith.cmpi ne, %rem3A_597, %ne3A_598 : i32
        %and3A_600 = arith.andi %ne3A_596, %ne3A_599 : i1
        %sub3A_601 = arith.constant 1 : i32
        %sub3A_602 = arith.subi %div3A_581, %sub3A_601 : i32
        %select_n3A_603 = arith.select %and3A_600, %sub3A_602, %div3A_581 : i32
        %jit3A_604 = arith.constant 4 : i32
        %eq3A_605 = arith.constant 0 : i32
        %eq3A_606 = arith.cmpi eq, %jit3A_604, %eq3A_605 : i32
        %jit3A_607 = arith.constant 1 : i32
        %select_n3A_608 = arith.select %eq3A_606, %jit3A_607, %jit3A_604 : i32
        %rem3A_609 = arith.remsi %sub3A_451, %select_n3A_608 : i32
        %ne3A_610 = arith.constant 0 : i32
        %ne3A_611 = arith.cmpi ne, %rem3A_609, %ne3A_610 : i32
        %lt3A_612 = arith.constant 0 : i32
        %lt3A_613 = arith.cmpi slt, %rem3A_609, %lt3A_612 : i32
        %lt3A_614 = arith.constant 0 : i32
        %lt3A_615 = arith.cmpi slt, %select_n3A_608, %lt3A_614 : i32
        %ne3A_616 = arith.xori %lt3A_613, %lt3A_615 : i1
        %and3A_617 = arith.andi %ne3A_616, %ne3A_611 : i1
        %add3A_618 = arith.addi %rem3A_609, %select_n3A_608 : i32
        %select_n3A_619 = arith.select %and3A_617, %add3A_618, %rem3A_609 : i32
        %mul3A_620 = arith.constant 32 : i32
        %mul3A_621 = arith.muli %select_n3A_619, %mul3A_620 : i32
        %dma_start3A_622 = tpu.memref_slice %arg6[%select_n3A_603, %mul3A_621] : memref<77x128xi32, #tpu.memory_space<vmem>> -> memref<1x32xi32, #tpu.memory_space<vmem>>
        %dma_start3A_623 = tpu.memref_squeeze %dma_start3A_622 : memref<1x32xi32, #tpu.memory_space<vmem>> -> memref<32xi32, #tpu.memory_space<vmem>>
        %dma_start3A_624 = arith.constant 0 : i32
        %dma_start3A_625 = arith.constant 0 : i32
        %dma_start3A_626 = tpu.memref_slice %arg3[%dma_start3A_624, %dma_start3A_625] : memref<49408x512xf32, #tpu.memory_space<hbm>> -> memref<49408x512xf32, #tpu.memory_space<hbm>>
        tpu.enqueue_indirect_dma source(%dma_start3A_626 : memref<49408x512xf32, #tpu.memory_space<hbm>>) target(%arg10 : memref<32x512xf32, #tpu.memory_space<vmem>>) offsets(%dma_start3A_623 : memref<32xi32, #tpu.memory_space<vmem>>) semaphore(%arg14 : memref<!tpu.dma_semaphore, #tpu.memory_space<semaphore_mem>>)
      } else {
      }
      %jit3A_457 = arith.constant 4 : i32
      %div3A_458 = arith.divsi %add3A_442, %jit3A_457 : i32
      %sign3A_459 = arith.constant 0 : i32
      %sign3A_460 = arith.cmpi sgt, %add3A_442, %sign3A_459 : i32
      %sign3A_461 = arith.extui %sign3A_460 : i1 to i32
      %sign3A_462 = arith.constant 0 : i32
      %sign3A_463 = arith.cmpi slt, %add3A_442, %sign3A_462 : i32
      %sign3A_464 = arith.extui %sign3A_463 : i1 to i32
      %sign3A_465 = arith.subi %sign3A_461, %sign3A_464 : i32
      %sign3A_466 = arith.constant 0 : i32
      %sign3A_467 = arith.cmpi sgt, %jit3A_457, %sign3A_466 : i32
      %sign3A_468 = arith.extui %sign3A_467 : i1 to i32
      %sign3A_469 = arith.constant 0 : i32
      %sign3A_470 = arith.cmpi slt, %jit3A_457, %sign3A_469 : i32
      %sign3A_471 = arith.extui %sign3A_470 : i1 to i32
      %sign3A_472 = arith.subi %sign3A_468, %sign3A_471 : i32
      %ne3A_473 = arith.cmpi ne, %sign3A_465, %sign3A_472 : i32
      %rem3A_474 = arith.remsi %add3A_442, %jit3A_457 : i32
      %ne3A_475 = arith.constant 0 : i32
      %ne3A_476 = arith.cmpi ne, %rem3A_474, %ne3A_475 : i32
      %and3A_477 = arith.andi %ne3A_473, %ne3A_476 : i1
      %sub3A_478 = arith.constant 1 : i32
      %sub3A_479 = arith.subi %div3A_458, %sub3A_478 : i32
      %select_n3A_480 = arith.select %and3A_477, %sub3A_479, %div3A_458 : i32
      %jit3A_481 = arith.constant 4 : i32
      %eq3A_482 = arith.constant 0 : i32
      %eq3A_483 = arith.cmpi eq, %jit3A_481, %eq3A_482 : i32
      %jit3A_484 = arith.constant 1 : i32
      %select_n3A_485 = arith.select %eq3A_483, %jit3A_484, %jit3A_481 : i32
      %rem3A_486 = arith.remsi %add3A_442, %select_n3A_485 : i32
      %ne3A_487 = arith.constant 0 : i32
      %ne3A_488 = arith.cmpi ne, %rem3A_486, %ne3A_487 : i32
      %lt3A_489 = arith.constant 0 : i32
      %lt3A_490 = arith.cmpi slt, %rem3A_486, %lt3A_489 : i32
      %lt3A_491 = arith.constant 0 : i32
      %lt3A_492 = arith.cmpi slt, %select_n3A_485, %lt3A_491 : i32
      %ne3A_493 = arith.xori %lt3A_490, %lt3A_492 : i1
      %and3A_494 = arith.andi %ne3A_493, %ne3A_488 : i1
      %add3A_495 = arith.addi %rem3A_486, %select_n3A_485 : i32
      %select_n3A_496 = arith.select %and3A_494, %add3A_495, %rem3A_486 : i32
      %mul3A_497 = arith.constant 32 : i32
      %mul3A_498 = arith.muli %select_n3A_496, %mul3A_497 : i32
      %dma_wait3A_499 = tpu.memref_slice %arg6[%select_n3A_480, %mul3A_498] : memref<77x128xi32, #tpu.memory_space<vmem>> -> memref<1x32xi32, #tpu.memory_space<vmem>>
      %dma_wait3A_500 = tpu.memref_squeeze %dma_wait3A_499 : memref<1x32xi32, #tpu.memory_space<vmem>> -> memref<32xi32, #tpu.memory_space<vmem>>
      %dma_wait3A_501 = arith.constant 0 : i32
      %dma_wait3A_502 = arith.constant 0 : i32
      %dma_wait3A_503 = tpu.memref_slice %arg3[%dma_wait3A_501, %dma_wait3A_502] : memref<49408x512xf32, #tpu.memory_space<hbm>> -> memref<49408x512xf32, #tpu.memory_space<hbm>>
      tpu.wait_indirect_dma semaphore(%arg15 : memref<!tpu.dma_semaphore, #tpu.memory_space<semaphore_mem>>) src(%dma_wait3A_503 : memref<49408x512xf32, #tpu.memory_space<hbm>>) dst(%arg11 : memref<32x512xf32, #tpu.memory_space<vmem>>)
      %jit3A_504 = arith.constant 4 : i32
      %div3A_505 = arith.divsi %add3A_442, %jit3A_504 : i32
      %sign3A_506 = arith.constant 0 : i32
      %sign3A_507 = arith.cmpi sgt, %add3A_442, %sign3A_506 : i32
      %sign3A_508 = arith.extui %sign3A_507 : i1 to i32
      %sign3A_509 = arith.constant 0 : i32
      %sign3A_510 = arith.cmpi slt, %add3A_442, %sign3A_509 : i32
      %sign3A_511 = arith.extui %sign3A_510 : i1 to i32
      %sign3A_512 = arith.subi %sign3A_508, %sign3A_511 : i32
      %sign3A_513 = arith.constant 0 : i32
      %sign3A_514 = arith.cmpi sgt, %jit3A_504, %sign3A_513 : i32
      %sign3A_515 = arith.extui %sign3A_514 : i1 to i32
      %sign3A_516 = arith.constant 0 : i32
      %sign3A_517 = arith.cmpi slt, %jit3A_504, %sign3A_516 : i32
      %sign3A_518 = arith.extui %sign3A_517 : i1 to i32
      %sign3A_519 = arith.subi %sign3A_515, %sign3A_518 : i32
      %ne3A_520 = arith.cmpi ne, %sign3A_512, %sign3A_519 : i32
      %rem3A_521 = arith.remsi %add3A_442, %jit3A_504 : i32
      %ne3A_522 = arith.constant 0 : i32
      %ne3A_523 = arith.cmpi ne, %rem3A_521, %ne3A_522 : i32
      %and3A_524 = arith.andi %ne3A_520, %ne3A_523 : i1
      %sub3A_525 = arith.constant 1 : i32
      %sub3A_526 = arith.subi %div3A_505, %sub3A_525 : i32
      %select_n3A_527 = arith.select %and3A_524, %sub3A_526, %div3A_505 : i32
      %scan3A_528 = arith.constant 0 : i32
      %scan3A_529 = arith.constant 32 : i32
      %scan3A_530 = arith.addi %scan3A_528, %scan3A_529 : i32
      %scan3A_531 = arith.constant 1 : i32
      scf.for %scan3A_580 = %scan3A_528 to %scan3A_530 step %scan3A_531  : i32 {
        %mul3A_581 = arith.constant 16 : i32
        %mul3A_582 = arith.muli %scan3A_580, %mul3A_581 : i32
        %add3A_583 = arith.constant 0 : i32
        %add3A_584 = arith.addi %add3A_583, %mul3A_582 : i32
        %get3A = arith.index_cast %select_n3A_527 : i32 to index
        %get3A_585 = arith.index_cast %add3A_584 : i32 to index
        %get3A_586 = tpu.vector_load %arg7[%get3A, %get3A_585] {strides = array<i32>} : memref<77x512xf32, #tpu.memory_space<vmem>>, vector<1x16xf32>,
        %get3A_587 = vector.shape_cast %get3A_586 : vector<1x16xf32> to vector<16xf32>
        %scan3A_588 = arith.constant 0 : i32
        %scan3A_589 = arith.constant 32 : i32
        %scan3A_590 = arith.addi %scan3A_588, %scan3A_589 : i32
        %scan3A_591 = arith.constant 16 : i32
        scf.for %scan3A_593 = %scan3A_588 to %scan3A_590 step %scan3A_591  : i32 {
          %mul3A_594 = arith.constant 1 : i32
          %mul3A_595 = arith.muli %scan3A_593, %mul3A_594 : i32
          %add3A_596 = arith.constant 0 : i32
          %add3A_597 = arith.addi %add3A_596, %mul3A_595 : i32
          %swap3A = arith.index_cast %add3A_597 : i32 to index
          %swap3A_598 = arith.index_cast %add3A_584 : i32 to index
          %swap3A_599 = tpu.vector_load %arg11[%swap3A, %swap3A_598] {strides = array<i32>} : memref<32x512xf32, #tpu.memory_space<vmem>>, vector<1x16xf32>,
          %swap3A_600 = vector.shape_cast %swap3A_599 : vector<1x16xf32> to vector<16xf32>
          %swap3A_601 = vector.shape_cast %get3A_587 : vector<16xf32> to vector<1x16xf32>
          tpu.vector_store %arg11[%swap3A, %swap3A_598], %swap3A_601 {add = true, strides = array<i32>} : memref<32x512xf32, #tpu.memory_space<vmem>>, vector<1x16xf32>,
          %scan3A_602 = arith.constant 1 : i32
          %scan3A_603 = arith.addi %scan3A_593, %scan3A_602 : i32
          %mul3A_604 = arith.constant 1 : i32
          %mul3A_605 = arith.muli %scan3A_603, %mul3A_604 : i32
          %add3A_606 = arith.constant 0 : i32
          %add3A_607 = arith.addi %add3A_606, %mul3A_605 : i32
          %swap3A_608 = arith.index_cast %add3A_607 : i32 to index
          %swap3A_609 = arith.index_cast %add3A_584 : i32 to index
          %swap3A_610 = tpu.vector_load %arg11[%swap3A_608, %swap3A_609] {strides = array<i32>} : memref<32x512xf32, #tpu.memory_space<vmem>>, vector<1x16xf32>,
          %swap3A_611 = vector.shape_cast %swap3A_610 : vector<1x16xf32> to vector<16xf32>
          %swap3A_612 = vector.shape_cast %get3A_587 : vector<16xf32> to vector<1x16xf32>
          tpu.vector_store %arg11[%swap3A_608, %swap3A_609], %swap3A_612 {add = true, strides = array<i32>} : memref<32x512xf32, #tpu.memory_space<vmem>>, vector<1x16xf32>,
          %scan3A_613 = arith.constant 2 : i32
          %scan3A_614 = arith.addi %scan3A_593, %scan3A_613 : i32
          %mul3A_615 = arith.constant 1 : i32
          %mul3A_616 = arith.muli %scan3A_614, %mul3A_615 : i32
          %add3A_617 = arith.constant 0 : i32
          %add3A_618 = arith.addi %add3A_617, %mul3A_616 : i32
          %swap3A_619 = arith.index_cast %add3A_618 : i32 to index
          %swap3A_620 = arith.index_cast %add3A_584 : i32 to index
          %swap3A_621 = tpu.vector_load %arg11[%swap3A_619, %swap3A_620] {strides = array<i32>} : memref<32x512xf32, #tpu.memory_space<vmem>>, vector<1x16xf32>,
          %swap3A_622 = vector.shape_cast %swap3A_621 : vector<1x16xf32> to vector<16xf32>
          %swap3A_623 = vector.shape_cast %get3A_587 : vector<16xf32> to vector<1x16xf32>
          tpu.vector_store %arg11[%swap3A_619, %swap3A_620], %swap3A_623 {add = true, strides = array<i32>} : memref<32x512xf32, #tpu.memory_space<vmem>>, vector<1x16xf32>,
          %scan3A_624 = arith.constant 3 : i32
          %scan3A_625 = arith.addi %scan3A_593, %scan3A_624 : i32
          %mul3A_626 = arith.constant 1 : i32
          %mul3A_627 = arith.muli %scan3A_625, %mul3A_626 : i32
          %add3A_628 = arith.constant 0 : i32
          %add3A_629 = arith.addi %add3A_628, %mul3A_627 : i32
          %swap3A_630 = arith.index_cast %add3A_629 : i32 to index
          %swap3A_631 = arith.index_cast %add3A_584 : i32 to index
          %swap3A_632 = tpu.vector_load %arg11[%swap3A_630, %swap3A_631] {strides = array<i32>} : memref<32x512xf32, #tpu.memory_space<vmem>>, vector<1x16xf32>,
          %swap3A_633 = vector.shape_cast %swap3A_632 : vector<1x16xf32> to vector<16xf32>
          %swap3A_634 = vector.shape_cast %get3A_587 : vector<16xf32> to vector<1x16xf32>
          tpu.vector_store %arg11[%swap3A_630, %swap3A_631], %swap3A_634 {add = true, strides = array<i32>} : memref<32x512xf32, #tpu.memory_space<vmem>>, vector<1x16xf32>,
          %scan3A_635 = arith.constant 4 : i32
          %scan3A_636 = arith.addi %scan3A_593, %scan3A_635 : i32
          %mul3A_637 = arith.constant 1 : i32
          %mul3A_638 = arith.muli %scan3A_636, %mul3A_637 : i32
          %add3A_639 = arith.constant 0 : i32
          %add3A_640 = arith.addi %add3A_639, %mul3A_638 : i32
          %swap3A_641 = arith.index_cast %add3A_640 : i32 to index
          %swap3A_642 = arith.index_cast %add3A_584 : i32 to index
          %swap3A_643 = tpu.vector_load %arg11[%swap3A_641, %swap3A_642] {strides = array<i32>} : memref<32x512xf32, #tpu.memory_space<vmem>>, vector<1x16xf32>,
          %swap3A_644 = vector.shape_cast %swap3A_643 : vector<1x16xf32> to vector<16xf32>
          %swap3A_645 = vector.shape_cast %get3A_587 : vector<16xf32> to vector<1x16xf32>
          tpu.vector_store %arg11[%swap3A_641, %swap3A_642], %swap3A_645 {add = true, strides = array<i32>} : memref<32x512xf32, #tpu.memory_space<vmem>>, vector<1x16xf32>,
          %scan3A_646 = arith.constant 5 : i32
          %scan3A_647 = arith.addi %scan3A_593, %scan3A_646 : i32
          %mul3A_648 = arith.constant 1 : i32
          %mul3A_649 = arith.muli %scan3A_647, %mul3A_648 : i32
          %add3A_650 = arith.constant 0 : i32
          %add3A_651 = arith.addi %add3A_650, %mul3A_649 : i32
          %swap3A_652 = arith.index_cast %add3A_651 : i32 to index
          %swap3A_653 = arith.index_cast %add3A_584 : i32 to index
          %swap3A_654 = tpu.vector_load %arg11[%swap3A_652, %swap3A_653] {strides = array<i32>} : memref<32x512xf32, #tpu.memory_space<vmem>>, vector<1x16xf32>,
          %swap3A_655 = vector.shape_cast %swap3A_654 : vector<1x16xf32> to vector<16xf32>
          %swap3A_656 = vector.shape_cast %get3A_587 : vector<16xf32> to vector<1x16xf32>
          tpu.vector_store %arg11[%swap3A_652, %swap3A_653], %swap3A_656 {add = true, strides = array<i32>} : memref<32x512xf32, #tpu.memory_space<vmem>>, vector<1x16xf32>,
          %scan3A_657 = arith.constant 6 : i32
          %scan3A_658 = arith.addi %scan3A_593, %scan3A_657 : i32
          %mul3A_659 = arith.constant 1 : i32
          %mul3A_660 = arith.muli %scan3A_658, %mul3A_659 : i32
          %add3A_661 = arith.constant 0 : i32
          %add3A_662 = arith.addi %add3A_661, %mul3A_660 : i32
          %swap3A_663 = arith.index_cast %add3A_662 : i32 to index
          %swap3A_664 = arith.index_cast %add3A_584 : i32 to index
          %swap3A_665 = tpu.vector_load %arg11[%swap3A_663, %swap3A_664] {strides = array<i32>} : memref<32x512xf32, #tpu.memory_space<vmem>>, vector<1x16xf32>,
          %swap3A_666 = vector.shape_cast %swap3A_665 : vector<1x16xf32> to vector<16xf32>
          %swap3A_667 = vector.shape_cast %get3A_587 : vector<16xf32> to vector<1x16xf32>
          tpu.vector_store %arg11[%swap3A_663, %swap3A_664], %swap3A_667 {add = true, strides = array<i32>} : memref<32x512xf32, #tpu.memory_space<vmem>>, vector<1x16xf32>,
          %scan3A_668 = arith.constant 7 : i32
          %scan3A_669 = arith.addi %scan3A_593, %scan3A_668 : i32
          %mul3A_670 = arith.constant 1 : i32
          %mul3A_671 = arith.muli %scan3A_669, %mul3A_670 : i32
          %add3A_672 = arith.constant 0 : i32
          %add3A_673 = arith.addi %add3A_672, %mul3A_671 : i32
          %swap3A_674 = arith.index_cast %add3A_673 : i32 to index
          %swap3A_675 = arith.index_cast %add3A_584 : i32 to index
          %swap3A_676 = tpu.vector_load %arg11[%swap3A_674, %swap3A_675] {strides = array<i32>} : memref<32x512xf32, #tpu.memory_space<vmem>>, vector<1x16xf32>,
          %swap3A_677 = vector.shape_cast %swap3A_676 : vector<1x16xf32> to vector<16xf32>
          %swap3A_678 = vector.shape_cast %get3A_587 : vector<16xf32> to vector<1x16xf32>
          tpu.vector_store %arg11[%swap3A_674, %swap3A_675], %swap3A_678 {add = true, strides = array<i32>} : memref<32x512xf32, #tpu.memory_space<vmem>>, vector<1x16xf32>,
          %scan3A_679 = arith.constant 8 : i32
          %scan3A_680 = arith.addi %scan3A_593, %scan3A_679 : i32
          %mul3A_681 = arith.constant 1 : i32
          %mul3A_682 = arith.muli %scan3A_680, %mul3A_681 : i32
          %add3A_683 = arith.constant 0 : i32
          %add3A_684 = arith.addi %add3A_683, %mul3A_682 : i32
          %swap3A_685 = arith.index_cast %add3A_684 : i32 to index
          %swap3A_686 = arith.index_cast %add3A_584 : i32 to index
          %swap3A_687 = tpu.vector_load %arg11[%swap3A_685, %swap3A_686] {strides = array<i32>} : memref<32x512xf32, #tpu.memory_space<vmem>>, vector<1x16xf32>,
          %swap3A_688 = vector.shape_cast %swap3A_687 : vector<1x16xf32> to vector<16xf32>
          %swap3A_689 = vector.shape_cast %get3A_587 : vector<16xf32> to vector<1x16xf32>
          tpu.vector_store %arg11[%swap3A_685, %swap3A_686], %swap3A_689 {add = true, strides = array<i32>} : memref<32x512xf32, #tpu.memory_space<vmem>>, vector<1x16xf32>,
          %scan3A_690 = arith.constant 9 : i32
          %scan3A_691 = arith.addi %scan3A_593, %scan3A_690 : i32
          %mul3A_692 = arith.constant 1 : i32
          %mul3A_693 = arith.muli %scan3A_691, %mul3A_692 : i32
          %add3A_694 = arith.constant 0 : i32
          %add3A_695 = arith.addi %add3A_694, %mul3A_693 : i32
          %swap3A_696 = arith.index_cast %add3A_695 : i32 to index
          %swap3A_697 = arith.index_cast %add3A_584 : i32 to index
          %swap3A_698 = tpu.vector_load %arg11[%swap3A_696, %swap3A_697] {strides = array<i32>} : memref<32x512xf32, #tpu.memory_space<vmem>>, vector<1x16xf32>,
          %swap3A_699 = vector.shape_cast %swap3A_698 : vector<1x16xf32> to vector<16xf32>
          %swap3A_700 = vector.shape_cast %get3A_587 : vector<16xf32> to vector<1x16xf32>
          tpu.vector_store %arg11[%swap3A_696, %swap3A_697], %swap3A_700 {add = true, strides = array<i32>} : memref<32x512xf32, #tpu.memory_space<vmem>>, vector<1x16xf32>,
          %scan3A_701 = arith.constant 10 : i32
          %scan3A_702 = arith.addi %scan3A_593, %scan3A_701 : i32
          %mul3A_703 = arith.constant 1 : i32
          %mul3A_704 = arith.muli %scan3A_702, %mul3A_703 : i32
          %add3A_705 = arith.constant 0 : i32
          %add3A_706 = arith.addi %add3A_705, %mul3A_704 : i32
          %swap3A_707 = arith.index_cast %add3A_706 : i32 to index
          %swap3A_708 = arith.index_cast %add3A_584 : i32 to index
          %swap3A_709 = tpu.vector_load %arg11[%swap3A_707, %swap3A_708] {strides = array<i32>} : memref<32x512xf32, #tpu.memory_space<vmem>>, vector<1x16xf32>,
          %swap3A_710 = vector.shape_cast %swap3A_709 : vector<1x16xf32> to vector<16xf32>
          %swap3A_711 = vector.shape_cast %get3A_587 : vector<16xf32> to vector<1x16xf32>
          tpu.vector_store %arg11[%swap3A_707, %swap3A_708], %swap3A_711 {add = true, strides = array<i32>} : memref<32x512xf32, #tpu.memory_space<vmem>>, vector<1x16xf32>,
          %scan3A_712 = arith.constant 11 : i32
          %scan3A_713 = arith.addi %scan3A_593, %scan3A_712 : i32
          %mul3A_714 = arith.constant 1 : i32
          %mul3A_715 = arith.muli %scan3A_713, %mul3A_714 : i32
          %add3A_716 = arith.constant 0 : i32
          %add3A_717 = arith.addi %add3A_716, %mul3A_715 : i32
          %swap3A_718 = arith.index_cast %add3A_717 : i32 to index
          %swap3A_719 = arith.index_cast %add3A_584 : i32 to index
          %swap3A_720 = tpu.vector_load %arg11[%swap3A_718, %swap3A_719] {strides = array<i32>} : memref<32x512xf32, #tpu.memory_space<vmem>>, vector<1x16xf32>,
          %swap3A_721 = vector.shape_cast %swap3A_720 : vector<1x16xf32> to vector<16xf32>
          %swap3A_722 = vector.shape_cast %get3A_587 : vector<16xf32> to vector<1x16xf32>
          tpu.vector_store %arg11[%swap3A_718, %swap3A_719], %swap3A_722 {add = true, strides = array<i32>} : memref<32x512xf32, #tpu.memory_space<vmem>>, vector<1x16xf32>,
          %scan3A_723 = arith.constant 12 : i32
          %scan3A_724 = arith.addi %scan3A_593, %scan3A_723 : i32
          %mul3A_725 = arith.constant 1 : i32
          %mul3A_726 = arith.muli %scan3A_724, %mul3A_725 : i32
          %add3A_727 = arith.constant 0 : i32
          %add3A_728 = arith.addi %add3A_727, %mul3A_726 : i32
          %swap3A_729 = arith.index_cast %add3A_728 : i32 to index
          %swap3A_730 = arith.index_cast %add3A_584 : i32 to index
          %swap3A_731 = tpu.vector_load %arg11[%swap3A_729, %swap3A_730] {strides = array<i32>} : memref<32x512xf32, #tpu.memory_space<vmem>>, vector<1x16xf32>,
          %swap3A_732 = vector.shape_cast %swap3A_731 : vector<1x16xf32> to vector<16xf32>
          %swap3A_733 = vector.shape_cast %get3A_587 : vector<16xf32> to vector<1x16xf32>
          tpu.vector_store %arg11[%swap3A_729, %swap3A_730], %swap3A_733 {add = true, strides = array<i32>} : memref<32x512xf32, #tpu.memory_space<vmem>>, vector<1x16xf32>,
          %scan3A_734 = arith.constant 13 : i32
          %scan3A_735 = arith.addi %scan3A_593, %scan3A_734 : i32
          %mul3A_736 = arith.constant 1 : i32
          %mul3A_737 = arith.muli %scan3A_735, %mul3A_736 : i32
          %add3A_738 = arith.constant 0 : i32
          %add3A_739 = arith.addi %add3A_738, %mul3A_737 : i32
          %swap3A_740 = arith.index_cast %add3A_739 : i32 to index
          %swap3A_741 = arith.index_cast %add3A_584 : i32 to index
          %swap3A_742 = tpu.vector_load %arg11[%swap3A_740, %swap3A_741] {strides = array<i32>} : memref<32x512xf32, #tpu.memory_space<vmem>>, vector<1x16xf32>,
          %swap3A_743 = vector.shape_cast %swap3A_742 : vector<1x16xf32> to vector<16xf32>
          %swap3A_744 = vector.shape_cast %get3A_587 : vector<16xf32> to vector<1x16xf32>
          tpu.vector_store %arg11[%swap3A_740, %swap3A_741], %swap3A_744 {add = true, strides = array<i32>} : memref<32x512xf32, #tpu.memory_space<vmem>>, vector<1x16xf32>,
          %scan3A_745 = arith.constant 14 : i32
          %scan3A_746 = arith.addi %scan3A_593, %scan3A_745 : i32
          %mul3A_747 = arith.constant 1 : i32
          %mul3A_748 = arith.muli %scan3A_746, %mul3A_747 : i32
          %add3A_749 = arith.constant 0 : i32
          %add3A_750 = arith.addi %add3A_749, %mul3A_748 : i32
          %swap3A_751 = arith.index_cast %add3A_750 : i32 to index
          %swap3A_752 = arith.index_cast %add3A_584 : i32 to index
          %swap3A_753 = tpu.vector_load %arg11[%swap3A_751, %swap3A_752] {strides = array<i32>} : memref<32x512xf32, #tpu.memory_space<vmem>>, vector<1x16xf32>,
          %swap3A_754 = vector.shape_cast %swap3A_753 : vector<1x16xf32> to vector<16xf32>
          %swap3A_755 = vector.shape_cast %get3A_587 : vector<16xf32> to vector<1x16xf32>
          tpu.vector_store %arg11[%swap3A_751, %swap3A_752], %swap3A_755 {add = true, strides = array<i32>} : memref<32x512xf32, #tpu.memory_space<vmem>>, vector<1x16xf32>,
          %scan3A_756 = arith.constant 15 : i32
          %scan3A_757 = arith.addi %scan3A_593, %scan3A_756 : i32
          %mul3A_758 = arith.constant 1 : i32
          %mul3A_759 = arith.muli %scan3A_757, %mul3A_758 : i32
          %add3A_760 = arith.constant 0 : i32
          %add3A_761 = arith.addi %add3A_760, %mul3A_759 : i32
          %swap3A_762 = arith.index_cast %add3A_761 : i32 to index
          %swap3A_763 = arith.index_cast %add3A_584 : i32 to index
          %swap3A_764 = tpu.vector_load %arg11[%swap3A_762, %swap3A_763] {strides = array<i32>} : memref<32x512xf32, #tpu.memory_space<vmem>>, vector<1x16xf32>,
          %swap3A_765 = vector.shape_cast %swap3A_764 : vector<1x16xf32> to vector<16xf32>
          %swap3A_766 = vector.shape_cast %get3A_587 : vector<16xf32> to vector<1x16xf32>
          tpu.vector_store %arg11[%swap3A_762, %swap3A_763], %swap3A_766 {add = true, strides = array<i32>} : memref<32x512xf32, #tpu.memory_space<vmem>>, vector<1x16xf32>,
        }
        %scan3A_592 = arith.constant 32 : i32
      }
      %scan3A_532 = arith.constant 32 : i32
      %jit3A_533 = arith.constant 4 : i32
      %eq3A_534 = arith.constant 0 : i32
      %eq3A_535 = arith.cmpi eq, %jit3A_533, %eq3A_534 : i32
      %jit3A_536 = arith.constant 1 : i32
      %select_n3A_537 = arith.select %eq3A_535, %jit3A_536, %jit3A_533 : i32
      %rem3A_538 = arith.remsi %add3A_442, %select_n3A_537 : i32
      %ne3A_539 = arith.constant 0 : i32
      %ne3A_540 = arith.cmpi ne, %rem3A_538, %ne3A_539 : i32
      %lt3A_541 = arith.constant 0 : i32
      %lt3A_542 = arith.cmpi slt, %rem3A_538, %lt3A_541 : i32
      %lt3A_543 = arith.constant 0 : i32
      %lt3A_544 = arith.cmpi slt, %select_n3A_537, %lt3A_543 : i32
      %ne3A_545 = arith.xori %lt3A_542, %lt3A_544 : i1
      %and3A_546 = arith.andi %ne3A_545, %ne3A_540 : i1
      %add3A_547 = arith.addi %rem3A_538, %select_n3A_537 : i32
      %select_n3A_548 = arith.select %and3A_546, %add3A_547, %rem3A_538 : i32
      %mul3A_549 = arith.constant 32 : i32
      %mul3A_550 = arith.muli %select_n3A_548, %mul3A_549 : i32
      %add3A_551 = arith.addi %mul3A_2, %mul3A_550 : i32
      %jit3A_552 = arith.constant 4 : i32
      %div3A_553 = arith.divsi %add3A_442, %jit3A_552 : i32
      %sign3A_554 = arith.constant 0 : i32
      %sign3A_555 = arith.cmpi sgt, %add3A_442, %sign3A_554 : i32
      %sign3A_556 = arith.extui %sign3A_555 : i1 to i32
      %sign3A_557 = arith.constant 0 : i32
      %sign3A_558 = arith.cmpi slt, %add3A_442, %sign3A_557 : i32
      %sign3A_559 = arith.extui %sign3A_558 : i1 to i32
      %sign3A_560 = arith.subi %sign3A_556, %sign3A_559 : i32
      %sign3A_561 = arith.constant 0 : i32
      %sign3A_562 = arith.cmpi sgt, %jit3A_552, %sign3A_561 : i32
      %sign3A_563 = arith.extui %sign3A_562 : i1 to i32
      %sign3A_564 = arith.constant 0 : i32
      %sign3A_565 = arith.cmpi slt, %jit3A_552, %sign3A_564 : i32
      %sign3A_566 = arith.extui %sign3A_565 : i1 to i32
      %sign3A_567 = arith.subi %sign3A_563, %sign3A_566 : i32
      %ne3A_568 = arith.cmpi ne, %sign3A_560, %sign3A_567 : i32
      %rem3A_569 = arith.remsi %add3A_442, %jit3A_552 : i32
      %ne3A_570 = arith.constant 0 : i32
      %ne3A_571 = arith.cmpi ne, %rem3A_569, %ne3A_570 : i32
      %and3A_572 = arith.andi %ne3A_568, %ne3A_571 : i1
      %sub3A_573 = arith.constant 1 : i32
      %sub3A_574 = arith.subi %div3A_553, %sub3A_573 : i32
      %select_n3A_575 = arith.select %and3A_572, %sub3A_574, %div3A_553 : i32
      %mul3A_576 = arith.constant 512 : i32
      %mul3A_577 = arith.muli %select_n3A_575, %mul3A_576 : i32
      %dma_start3A_578 = tpu.memref_slice %arg5[%add3A_551, %mul3A_577] : memref<4096x39424xf32, #tpu.memory_space<hbm>> -> memref<32x512xf32, #tpu.memory_space<hbm>>
      %dma_start3A_579 = tpu.memref_slice %arg5[%add3A_551, %mul3A_577] : memref<4096x39424xf32, #tpu.memory_space<hbm>> -> memref<32x512xf32, #tpu.memory_space<hbm>>
      tpu.enqueue_dma source(%arg11 : memref<32x512xf32, #tpu.memory_space<vmem>>) target(%dma_start3A_579 : memref<32x512xf32, #tpu.memory_space<hbm>>) target_semaphore(%arg19 : memref<!tpu.dma_semaphore, #tpu.memory_space<semaphore_mem>>)
    }
    %scan3A_26 = arith.constant 77 : i32
    %add3A_27 = arith.constant 96 : i32
    %add3A_28 = arith.addi %mul3A_2, %add3A_27 : i32
    %dma_wait3A = arith.constant 38912 : i32
    %dma_wait3A_29 = tpu.memref_slice %arg5[%add3A_28, %dma_wait3A] : memref<4096x39424xf32, #tpu.memory_space<hbm>> -> memref<32x512xf32, #tpu.memory_space<hbm>>
    %dma_wait3A_30 = arith.constant 38912 : i32
    %dma_wait3A_31 = tpu.memref_slice %arg5[%add3A_28, %dma_wait3A_30] : memref<4096x39424xf32, #tpu.memory_space<hbm>> -> memref<32x512xf32, #tpu.memory_space<hbm>>
    tpu.wait_dma2 semaphore(%arg19 : memref<!tpu.dma_semaphore, #tpu.memory_space<semaphore_mem>>) src(%arg11 : memref<32x512xf32, #tpu.memory_space<vmem>>) dst(%dma_wait3A_31 : memref<32x512xf32, #tpu.memory_space<hbm>>)
    return
  }
}

</mosaic_0001>

<sc_bundles>
// kernel: kernel.3.cloned.1.call-start
scs
__scs_entry_jumppad:
0x0: {  	(pc) =	sbr.rel $0x88, $3  }
0x1: {  	(tag) =	ssettag $0x0;
	lr =	simm.s32 $0x1  }
0x2: {  	[smem:$0x3F9E] =	sst lr;
	_ =	strace $0xD0000000  }
0x3: {  	_ = 	snop  }
0x4: {  	_ = 	snop  }
0x5: {  	_ = 	snop  }
0x6: {  	_ = 	snop  }
0x7: {  	_ = 	snop  }
__scs_overlays_trampoline_lowered:
0x8: {  	[smem:$0x3FAD] =	sst s0  }
0x9: {  	[smem:$0x3FAE] =	sst s1  }
0xa: {  	[smem:$0x3FAF] =	sst s2  }
0xb: {  	[smem:$0x3FB0] =	sst s3  }
0xc: {  	[smem:$0x3FB1] =	sst s4  }
0xd: {  	[smem:$0x3FB2] =	sst s5  }
0xe: {  	[smem:$0x3FB3] =	sst s6  }
0xf: {  	[smem:$0x3FB4] =	sst s7  }
0x10: {  	[smem:$0x3FB5] =	sst s8  }
0x11: {  	[smem:$0x3FB6] =	sst s9;
	s0 =	simm.s32 @!p0 $0x0  }
0x12: {  	s1 =	sld [smem:$0x3F9C];
	s0 =	simm.s32 @p0 $0x1  }
0x13: {  	[smem:$0x3FB7] =	sst s0;
	s0 =	simm.s32 @!p1 $0x0  }
0x14: {  	s2 =	sld [smem:$0x3F9B];
	s0 =	simm.s32 @p1 $0x1  }
0x15: {  	[smem:$0x3FB8] =	sst s0;
	s0 =	simm.s32 @!p2 $0x0  }
0x16: {  	s3 =	sld [smem:$0x3FDB];
	s0 =	simm.s32 @p2 $0x1  }
0x17: {  	s4 =	simm.s32 $0x1BF5;
	[smem:$0x3FBA] =	sst s0  }
0x18: {  	s0 =	sld [smem:$0x3F9D];
	_ =	swait.ge [sflag:s4], $0x0  }
0x19: {  	s7 =	sld [smem:$0x3F9E]  }
0x1a: {  	s8 =	sadd.s32 $0xFFFFE003, lr  }
0x1b: {  	s9 =	sadd.s32 $0xFFFFFEF7, lr;
	s5 =	simm.s32 $0xFFFFFFFF;
	p2 =	slt.u32 s8, $0xFFFFF086  }
0x1c: {  	p1 =	slt.u32 s9, $0xF7A;
	s5 =	simm.s32 @!p2 $0x0  }
0x1d: {  	s5 =	simm.s32 @p1 $0x1;
	p0 =	seq.s32 s7, s2  }
0x1e: {  	s7 =	smul.u32 @!p0 $0xF7A, s2;
	p2 =	seq.s32 @!p0 s5, $0x0  }
0x1f: {  	s9 =	smul.u32 $0xF7A, s1;
	s8 =	simm.s32 @!p0 $0x1BF5;
	p2 =	por !p2, p0  }
0x20: {  	[sflag:s8] =	ssyncset.s32 @!p0 $0xFFFFF086;
	s6 =	sadd.s32 @!p0 s3, s7;
	s7 =	simm.s32 @!p0 $0x108  }
0x21: {  	s3 =	sadd.s32 s3, s9;
	s6 =	sadd.s32 @!p0 $0x88, s6;
	s7 =	simm.s32 @p2 $0x1082  }
0x22: {  	[simem:s7], [sflag:s8] =	dma.local @!p0 [hbm:s6], $0xF7A  }
0x23: {  	s9 =	sor.u32 $0xD0000000, s2;
	s6 =	simm.s32 $0x108;
	_ =	swait.ge @!p0 [sflag:s8], $0x0  }
0x24: {  	s3 =	sadd.s32 $0x88, s3;
	s6 =	simm.s32 @!p1 $0x1082;
	[sflag:s4] =	ssyncset.s32 $0xFFFFF086  }
0x25: {  	[simem:s6], [sflag:s4] =	dma.local [hbm:s3], $0xF7A  }
0x26: {  	[smem:$0x3F9E] =	sst s1;
	(tag) =	ssettag s2;
	_ =	strace s9  }
0x27: {  	s1 =	sld [smem:$0x3FAE]  }
0x28: {  	s2 =	sld [smem:$0x3FAF]  }
0x29: {  	s4 =	sld [smem:$0x3FB1]  }
0x2a: {  	p0 =	seq.s32 s5, $0x0;
	s5 =	sld [smem:$0x3FB2]  }
0x2b: {  	s6 =	sld [smem:$0x3FB3]  }
0x2c: {  	s7 =	sld [smem:$0x3FB4]  }
0x2d: {  	s3 =	simm.s32 $0x108;
	s8 =	sld [smem:$0x3FB5]  }
0x2e: {  	s3 =	simm.s32 @!p0 $0x1082;
	s9 =	sld [smem:$0x3FB6]  }
0x2f: {  	lr =	sadd.s32 s0, s3;
	s0 =	sld [smem:$0x3FAD]  }
0x30: {  	s3 =	sld [smem:$0x3FB0]  }
0x31: {  	[smem:$0x3FB9] =	sst s10  }
0x32: {  	s10 =	sld [smem:$0x3FB7];
	_ =	sdelay $0x3  }
0x33: {  	p0 =	seq.s32 s10, $0x1;
	s10 =	sld [smem:$0x3FB9];
	_ =	sdelay $0x3  }
0x34: {  	[smem:$0x3FB9] =	sst s10  }
0x35: {  	s10 =	sld [smem:$0x3FB8];
	_ =	sdelay $0x3  }
0x36: {  	p1 =	seq.s32 s10, $0x1;
	s10 =	sld [smem:$0x3FB9];
	_ =	sdelay $0x3  }
0x37: {  	[smem:$0x3FB9] =	sst s10  }
0x38: {  	s10 =	sld [smem:$0x3FBA]  }
0x39: {  	_ = 	snop;
	(pc) =	sbr.ind lr, $3  }
0x3a: {  	_ = 	snop  }
0x3b: {  	_ = 	snop  }
0x3c: {  	p2 =	seq.s32 s10, $0x1;
	s10 =	sld [smem:$0x3FB9]  }
0x3d: {  	_ =	shalt  }
0x3e: {  	_ =	shalt  }
0x3f: {  	_ =	shalt  }
0x40: {  	_ =	shalt  }
0x41: {  	_ =	shalt  }
0x42: {  	_ =	shalt  }
0x43: {  	_ =	shalt  }
0x44: {  	_ =	shalt  }
0x45: {  	_ =	shalt  }
0x46: {  	_ =	shalt  }
0x47: {  	_ =	shalt  }
0x48: {  	_ =	shalt  }
0x49: {  	_ =	shalt  }
0x4a: {  	_ =	shalt  }
0x4b: {  	_ =	shalt  }
0x4c: {  	_ =	shalt  }
0x4d: {  	_ =	shalt  }
0x4e: {  	_ =	shalt  }
0x4f: {  	_ =	shalt  }
0x50: {  	_ =	shalt  }
0x51: {  	_ =	shalt  }
0x52: {  	_ =	shalt  }
0x53: {  	_ =	shalt  }
0x54: {  	_ =	shalt  }
0x55: {  	_ =	shalt  }
0x56: {  	_ =	shalt  }
0x57: {  	_ =	shalt  }
0x58: {  	_ =	shalt  }
0x59: {  	_ =	shalt  }
0x5a: {  	_ =	shalt  }
0x5b: {  	_ =	shalt  }
0x5c: {  	_ =	shalt  }
0x5d: {  	_ =	shalt  }
0x5e: {  	_ =	shalt  }
0x5f: {  	_ =	shalt  }
0x60: {  	_ =	shalt  }
0x61: {  	_ =	shalt  }
0x62: {  	_ =	shalt  }
0x63: {  	_ =	shalt  }
0x64: {  	_ =	shalt  }
0x65: {  	_ =	shalt  }
0x66: {  	_ =	shalt  }
0x67: {  	_ =	shalt  }
0x68: {  	_ =	shalt  }
0x69: {  	_ =	shalt  }
0x6a: {  	_ =	shalt  }
0x6b: {  	_ =	shalt  }
0x6c: {  	_ =	shalt  }
0x6d: {  	_ =	shalt  }
0x6e: {  	_ =	shalt  }
0x6f: {  	_ =	shalt  }
0x70: {  	_ =	shalt  }
0x71: {  	_ =	shalt  }
0x72: {  	_ =	shalt  }
0x73: {  	_ =	shalt  }
0x74: {  	_ =	shalt  }
0x75: {  	_ =	shalt  }
0x76: {  	_ =	shalt  }
0x77: {  	_ =	shalt  }
0x78: {  	_ =	shalt  }
0x79: {  	_ =	shalt  }
0x7a: {  	_ =	shalt  }
0x7b: {  	_ =	shalt  }
0x7c: {  	_ =	shalt  }
0x7d: {  	_ =	shalt  }
0x7e: {  	_ =	shalt  }
0x7f: {  	_ =	shalt  }
0x80: {  	_ =	shalt  }
0x81: {  	_ =	shalt  }
0x82: {  	_ =	shalt  }
0x83: {  	_ =	shalt  }
0x84: {  	_ =	shalt  }
0x85: {  	_ =	shalt  }
0x86: {  	_ =	shalt  }
0x87: {  	_ =	shalt  }
.Lfunc_end0:
.L_simem_size_0:
called_computation.1_lowered:
.L_overlay_start_0:
0x88: {  	s2 =	sld [smem:$0x3FD9]  }
0x89: {  	s3 =	sld [smem:$0x3FFE];
	_ =	sdelay $0x1  }
0x8a: {  	s1 =	srdreg.scid  }
0x8b: {  	s0 =	sand.u32 $0x1, s1  }
0x8c: {  	s18 =	sshll.u32 s0, $0xA;
	s2 =	sadd.s32 s3, s2  }
0x8d: {  	s2 =	sadd.s32 s2, s18  }
0x8e: {  	[smem:$0x3FC5] =	sst s2  }
0x8f: {  	_ = 	snop  }
0x90: {  	s2 =	sld [smem:$0x3FC9]  }
0x91: {  	s19 =	sld [smem:$0x3FC8]  }
0x92: {  	s4 =	sld [smem:$0x3FC7]  }
0x93: {  	s5 =	sld [smem:$0x3FD0];
	(tm) =	ssettm $0x1  }
0x94: {  	s6 =	sld [smem:$0x3FFB];
	_ =	sdelay $0x3  }
0x95: {  	_ =	strace s6  }
0x96: {  	s6 =	sld [smem:$0x3FFC];
	_ =	sdelay $0x3  }
0x97: {  	_ =	strace s6  }
0x98: {  	s6 =	sld [smem:$0x3FFD];
	_ =	sdelay $0x3  }
0x99: {  	_ =	strace s6  }
0x9a: {  	_ =	strace $0x8FFFFFFF  }
0x9b: {  	s20 =	sld [smem:$0x3FDB];
	_ =	sdelay $0x1  }
0x9c: {  	s7 =	simm.s32 $_scs_section_size  }
0x9d: {  	s8 =	simm.s32 $_size__tile_overlayer_lowered;
	s9 =	simm.s32 $_tile_overlayer_lowered  }
0x9e: {  	s23 =	simm.s32 $0x1BFF;
	s22 =	sshll.u32 s9, $0x1;
	s6 =	sadd.s32 s7, s20  }
0x9f: {  	s10 =	simm.s32 $0x0;
	s21 =	sshll.u32 s8, $0x1;
	s8 =	sadd.s32 s22, s6  }
0xa0: {  	[timem:s10], [sflag:s23] =	dma.local [hbm:s8], s21  }
0xa1: {  	_ =	swait.ge [sflag:s23], s21  }
0xa2: {  	s7 =	ssub.s32 $0x0, s21;
	[sflag:s23] =	ssyncset.done $0x0  }
0xa3: {  	[sflag:s23] =	ssyncadd.s32 s7;
	_ =	sdelay $0x1  }
0xa4: {  	s24 =	simm.s32 $0x1B8B  }
0xa5: {  	_ =	swait.ge [sflag:s24], $0x1  }
0xa6: {  	[sflag:s24] =	ssyncset.done $0x0  }
0xa7: {  	s25 =	simm.s32 $0x1B8E;
	[sflag:s24] =	ssyncadd.s32 $0xFFFFFFFF  }
0xa8: {  	s26 =	simm.s32 $execute0_lowered;
	[smem:$0x3FD2] =	sst s25  }
0xa9: {  	s7 =	sshll.u32 s26, $0x1;
	_ =	strace $0x80000046;
	[dreg:$0x1] =	wrdreg $0xFFFFFFFF  }
0xaa: {  	s28 =	simm.s32 $_size_execute0_lowered;
	s6 =	sadd.s32 s6, s7;
	[dreg:$0x0] =	wrdreg $0x0  }
0xab: {  	s7 =	sshll.u32 s28, $0x1;
	[dreg:$0x2] =	wrdreg s6  }
0xac: {  	[dreg:$0x3] =	wrdreg s7  }
0xad: {  	[dreg:$0x4] =	wrdreg $0xC0  }
0xae: {  	_ =	task [dreg:s10], $0x5FFFF  }
0xaf: {  	[dreg:$0x1] =	wrdreg $0xFFFFFFFF  }
0xb0: {  	[dreg:$0x0] =	wrdreg $0x60  }
0xb1: {  	[dreg:$0x2] =	wrdreg s2  }
0xb2: {  	[dreg:$0x3] =	wrdreg s19  }
0xb3: {  	[dreg:$0x4] =	wrdreg s4  }
0xb4: {  	[dreg:$0x5] =	wrdreg s5  }
0xb5: {  	[dreg:$0x6] =	wrdreg $0x9  }
0xb6: {  	_ =	task.clear_ibuf [dreg:s10], $0x7FFFF;
	_ =	strace $0x90000046  }
0xb7: {  	s29 =	simm.s32 $0x9;
	_ =	strace $0x80000048  }
0xb8: {  	_ =	swait.ge [sflag:s29], $0x1  }
0xb9: {  	[sflag:s29] =	ssyncadd.s32 $0xFFFFFFFF  }
0xba: {  	_ =	strace $0x90000048  }
0xbb: {  	_ =	sfence  }
0xbc: {  	s30 =	sld [smem:$0x0];
	_ =	sdelay $0x2  }
0xbd: {  	s31 =	sshll.u32 s1, $0xD;
	s1 =	sshrl.u32 s1, $0x2  }
0xbe: {  	s3 =	sand.u32 $0x4000, s31;
	s1 =	sadd.s32 s1, s30  }
0xbf: {  	s0 =	sor.u32 s3, s0;
	s1 =	sshll.u32 s1, $0x11  }
0xc0: {  	s0 =	sor.u32 s1, s0  }
0xc1: {  	s0 =	sadd.s32 $0x8F2B, s0  }
0xc2: {  	[sflag:s0] =	ssyncadd.remote.s32 $0x1  }
0xc3: {  	_ =	sfence.sel $0xFFFF  }
0xc4: {  	[dreg:$0x0] =	wrdreg $0xFFFFFFFF;
	(pc) =	sbr.abs _section_cstart, $3  }
0xc5: {  	[dreg:$0x1] =	wrdreg $0xFFFFFFFF  }
0xc6: {  	_ =	task.clear_ibuf [dreg:s10], $0x2FFFF;
	_ =	strace $0x9FFFFFFF  }
0xc7: {  	(tm) =	ssettm $0x7FFFFFFF  }
tec
execute0_lowered:
.L_overlay_start_1:
0x0: {  	(tag) =	ssettag $0x1  }
0x1: {  	s0 =	rddreg [dreg:$0x0]  }
0x2: {  	s1 =	rddreg [dreg:$0x1];
	s2 =	srdreg.scid  }
0x3: {  	s3 =	stileid.u32;
	s4 =	rddreg [dreg:$0x3]  }
0x4: {  	s6 =	simm.s32 $0x0;
	s25 =	simm.s32 $0x18800;
	s14 =	simm.s32 $0x1  }
0x5: {  	s16 =	simm.s32 $0x1000;
	s18 =	simm.s32 $0x4D000;
	s20 =	simm.s32 $0x5  }
0x6: {  	s21 =	simm.s32 $0x2;
	s22 =	simm.s32 $0x6;
	s23 =	simm.s32 $0x3  }
0x7: {  	s24 =	simm.s32 $0x7;
	s8 =	simm.s32 $0x4;
	s2 =	sand.u32 $0x1, s2  }
0x8: {  	s3 =	sshll.u32 s3, $0x8;
	[smem:$0x7FF] =	sst s6;
	s5 =	sshll.u32 s2, $0x7  }
0x9: {  	s2 =	ssub.s32 $0x2, s2;
	_ =	strace $0x80000047;
	s3 =	sor.u32 s5, s3  }
0xa: {  	s7 =	sshrl.u32 s2, $0x1;
	s5 =	sshrl.u32 s3, $0x3;
	s0 =	sadd.s32 s0, s3  }
0xb: {  	s2 =	ssub.s32 s2, s7;
	[dreg:$0x5] =	wrdreg s0;
	s0 =	sadd.s32 $0x9000, s0  }
0xc: {  	v2 =	vlaneseq.u32;
	s6 =	smul.u32 $0x4D000, s5;
	s31 =	smax.u32 s2, $0x1;
	[dreg:$0x6] =	wrdreg s0  }
0xd: {  	vm0 =	vmmov $0xffff;
	s9 =	sadd.s32 $0x100, s1;
	v1 =	vshrl.u32 v2, $0x3;
	s3 =	simm.s32 $0x0;
	[dreg:$0x7] =	wrdreg s31  }
0xe: {  	v0 =	vand.u32 $0x7, v2;
	v2 =	vor.u32 $0x8, v2;
	v1 =	vmul.u32 $0x8, v1;
	s10 =	sadd.s32 $0x134000, s6;
	s11 =	sadd.s32 $0x268000, s6;
	s12 =	sadd.s32 $0x39C000, s6  }
.LBB2_1:
0xf: {  	[dreg:$0x8] =	wrdreg s3;
	s2 =	simm.s32 $0x0  }
0x10: {  	s0 =	rddreg [dreg:$0x5];
	s19 =	simm.s32 $0x400;
	s5 =	simm.s32 $0x8000  }
0x11: {  	[tilespmem:s2], [sflag:$0x9] =	stream.strided.gather [hbm4b:s0+s19], $0x2400, s5, s19, $0x38;
	[tilespmem:$0x1C800] =	vst v63  }
0x12: {  	s26 =	rddreg [dreg:$0x6];
	s28 =	simm.s32 $0x2400;
	s29 =	simm.s32 $0x9  }
0x13: {  	[tilespmem:s28], [sflag:$0x9] =	stream.linear.gather [hbm4b:s26+s2], $0x280, $0x38;
	[tilespmem:$0x1C800] =	vst v63  }
0x14: {  	_ =	swait.ge [sflag:s29], $0x2680  }
0x15: {  	[sflag:s29] =	ssyncset.done $0x0  }
0x16: {  	[sflag:s29] =	ssyncadd.s32 $0xFFFFD980  }
0x17: {  	s31 =	simm.s32 $0x2800;
	s30 =	rddreg [dreg:$0x2]  }
0x18: {  	[tilespmem:s31], [sflag:$0x9] =	stream.linear.gather [hbm4b:s30+s2], $0xA000, $0x38;
	[tilespmem:$0x1C800] =	vst v63  }
0x19: {  	_ =	swait.ge [sflag:s29], $0xA000  }
0x1a: {  	[sflag:s29] =	ssyncset.done $0x0  }
0x1b: {  	[sflag:s29] =	ssyncadd.s32 $0xFFFF6000  }
0x1c: {  	v3 =	vld [tilespmem:$0x0];
	_ =	sdelay $0x4  }
0x1d: {  	v4 =	vshll.u32 v3, $0x2  }
0x1e: {  	v3 =	vand.u32 $0x7, v3;
	v4 =	vand.u32 $0xFFFFFFE0, v4  }
0x1f: {  	v3 =	vor.u32 v3, v4  }
0x20: {  	v4 =	vperm.xlane v3, v0;
	_ =	sdelay $0x1  }
0x21: {  	v4 =	vadd.s32 v1, v4;
	_ =	sdelay $0x1  }
0x22: {  	v3 =	vperm.xlane v3, v2;
	_ =	sdelay $0x1  }
0x23: {  	s3 =	simm.s32 $0xC800;
	v3 =	vadd.s32 v1, v3  }
0x24: {  	[tilespmem:s3], [sflag:$0x1] =	stream.indirect_vreg.gather [hbm4b:s1+s2], $0x80, v4, vm0, $0xb8;
	[tilespmem:$0x1C800] =	vst v63  }
0x25: {  	s5 =	simm.s32 $0xD000  }
0x26: {  	[tilespmem:s5], [sflag:$0x1] =	stream.indirect_vreg.gather [hbm4b:s9+s2], $0x80, v4, vm0, $0xb8;
	[tilespmem:$0x1C800] =	vst v63  }
0x27: {  	s7 =	simm.s32 $0xD800  }
0x28: {  	[tilespmem:s7], [sflag:$0x1] =	stream.indirect_vreg.gather [hbm4b:s1+s2], $0x80, v3, vm0, $0xb8;
	[tilespmem:$0x1C800] =	vst v63  }
0x29: {  	s13 =	simm.s32 $0xE000  }
0x2a: {  	[tilespmem:s13], [sflag:$0x1] =	stream.indirect_vreg.gather [hbm4b:s9+s2], $0x80, v3, vm0, $0xb8;
	[tilespmem:$0x1C800] =	vst v63  }
0x2b: {  	v3 =	vld [tilespmem:$0x10];
	_ =	sdelay $0x4  }
0x2c: {  	v59 =	vshll.u32 v3, $0x2  }
0x2d: {  	v3 =	vand.u32 $0x7, v3;
	v4 =	vand.u32 $0xFFFFFFE0, v59  }
0x2e: {  	v3 =	vor.u32 v3, v4  }
0x2f: {  	v4 =	vperm.xlane v3, v0;
	_ =	sdelay $0x1  }
0x30: {  	v4 =	vadd.s32 v1, v4;
	_ =	sdelay $0x1  }
0x31: {  	v3 =	vperm.xlane v3, v2;
	_ =	sdelay $0x1  }
0x32: {  	s15 =	simm.s32 $0xE800;
	v3 =	vadd.s32 v1, v3  }
0x33: {  	[tilespmem:s15], [sflag:$0x1] =	stream.indirect_vreg.gather [hbm4b:s1+s2], $0x80, v4, vm0, $0xb8;
	[tilespmem:$0x1C800] =	vst v63  }
0x34: {  	s17 =	simm.s32 $0xF000  }
0x35: {  	[tilespmem:s17], [sflag:$0x1] =	stream.indirect_vreg.gather [hbm4b:s9+s2], $0x80, v4, vm0, $0xb8;
	[tilespmem:$0x1C800] =	vst v63  }
0x36: {  	s19 =	simm.s32 $0xF800  }
0x37: {  	[tilespmem:s19], [sflag:$0x1] =	stream.indirect_vreg.gather [hbm4b:s1+s2], $0x80, v3, vm0, $0xb8;
	[tilespmem:$0x1C800] =	vst v63  }
0x38: {  	s26 =	simm.s32 $0x10000  }
0x39: {  	[tilespmem:s26], [sflag:$0x1] =	stream.indirect_vreg.gather [hbm4b:s9+s2], $0x80, v3, vm0, $0xb8;
	[tilespmem:$0x1C800] =	vst v63  }
0x3a: {  	v3 =	vld [tilespmem:$0x20];
	_ =	sdelay $0x4  }
0x3b: {  	v60 =	vshll.u32 v3, $0x2  }
0x3c: {  	v3 =	vand.u32 $0x7, v3;
	v4 =	vand.u32 $0xFFFFFFE0, v60  }
0x3d: {  	v3 =	vor.u32 v3, v4  }
0x3e: {  	v4 =	vperm.xlane v3, v0;
	_ =	sdelay $0x1  }
0x3f: {  	v4 =	vadd.s32 v1, v4;
	_ =	sdelay $0x1  }
0x40: {  	v3 =	vperm.xlane v3, v2;
	_ =	sdelay $0x1  }
0x41: {  	s28 =	simm.s32 $0x10800;
	v3 =	vadd.s32 v1, v3  }
0x42: {  	[tilespmem:s28], [sflag:$0x2] =	stream.indirect_vreg.gather [hbm4b:s1+s2], $0x80, v4, vm0, $0xb8;
	[tilespmem:$0x1C800] =	vst v63  }
0x43: {  	s29 =	simm.s32 $0x11000  }
0x44: {  	[tilespmem:s29], [sflag:$0x2] =	stream.indirect_vreg.gather [hbm4b:s9+s2], $0x80, v4, vm0, $0xb8;
	[tilespmem:$0x1C800] =	vst v63  }
0x45: {  	s30 =	simm.s32 $0x11800  }
0x46: {  	[tilespmem:s30], [sflag:$0x2] =	stream.indirect_vreg.gather [hbm4b:s1+s2], $0x80, v3, vm0, $0xb8;
	[tilespmem:$0x1C800] =	vst v63  }
0x47: {  	s31 =	simm.s32 $0x12000  }
0x48: {  	[tilespmem:s31], [sflag:$0x2] =	stream.indirect_vreg.gather [hbm4b:s9+s2], $0x80, v3, vm0, $0xb8;
	[tilespmem:$0x1C800] =	vst v63  }
0x49: {  	v3 =	vld [tilespmem:$0x30];
	_ =	sdelay $0x4  }
0x4a: {  	v61 =	vshll.u32 v3, $0x2  }
0x4b: {  	v3 =	vand.u32 $0x7, v3;
	v4 =	vand.u32 $0xFFFFFFE0, v61  }
0x4c: {  	v3 =	vor.u32 v3, v4  }
0x4d: {  	v4 =	vperm.xlane v3, v0;
	_ =	sdelay $0x1  }
0x4e: {  	v4 =	vadd.s32 v1, v4;
	_ =	sdelay $0x1  }
0x4f: {  	v3 =	vperm.xlane v3, v2;
	_ =	sdelay $0x1  }
0x50: {  	s3 =	simm.s32 $0x12800;
	v3 =	vadd.s32 v1, v3  }
0x51: {  	[tilespmem:s3], [sflag:$0x2] =	stream.indirect_vreg.gather [hbm4b:s1+s2], $0x80, v4, vm0, $0xb8;
	[tilespmem:$0x1C800] =	vst v63  }
0x52: {  	s5 =	simm.s32 $0x13000  }
0x53: {  	[tilespmem:s5], [sflag:$0x2] =	stream.indirect_vreg.gather [hbm4b:s9+s2], $0x80, v4, vm0, $0xb8;
	[tilespmem:$0x1C800] =	vst v63  }
0x54: {  	s7 =	simm.s32 $0x13800  }
0x55: {  	[tilespmem:s7], [sflag:$0x2] =	stream.indirect_vreg.gather [hbm4b:s1+s2], $0x80, v3, vm0, $0xb8;
	[tilespmem:$0x1C800] =	vst v63  }
0x56: {  	s13 =	simm.s32 $0x14000  }
0x57: {  	[tilespmem:s13], [sflag:$0x2] =	stream.indirect_vreg.gather [hbm4b:s9+s2], $0x80, v3, vm0, $0xb8;
	[tilespmem:$0x1C800] =	vst v63  }
0x58: {  	v3 =	vld [tilespmem:$0x40];
	_ =	sdelay $0x4  }
0x59: {  	v62 =	vshll.u32 v3, $0x2  }
0x5a: {  	v3 =	vand.u32 $0x7, v3;
	v4 =	vand.u32 $0xFFFFFFE0, v62  }
0x5b: {  	v3 =	vor.u32 v3, v4  }
0x5c: {  	v4 =	vperm.xlane v3, v0;
	_ =	sdelay $0x1  }
0x5d: {  	v4 =	vadd.s32 v1, v4;
	_ =	sdelay $0x1  }
0x5e: {  	v3 =	vperm.xlane v3, v2;
	_ =	sdelay $0x1  }
0x5f: {  	s15 =	simm.s32 $0x14800;
	v3 =	vadd.s32 v1, v3  }
0x60: {  	[tilespmem:s15], [sflag:$0x3] =	stream.indirect_vreg.gather [hbm4b:s1+s2], $0x80, v4, vm0, $0xb8;
	[tilespmem:$0x1C800] =	vst v63  }
0x61: {  	s17 =	simm.s32 $0x15000  }
0x62: {  	[tilespmem:s17], [sflag:$0x3] =	stream.indirect_vreg.gather [hbm4b:s9+s2], $0x80, v4, vm0, $0xb8;
	[tilespmem:$0x1C800] =	vst v63  }
0x63: {  	s19 =	simm.s32 $0x15800  }
0x64: {  	[tilespmem:s19], [sflag:$0x3] =	stream.indirect_vreg.gather [hbm4b:s1+s2], $0x80, v3, vm0, $0xb8;
	[tilespmem:$0x1C800] =	vst v63  }
0x65: {  	s26 =	simm.s32 $0x16000  }
0x66: {  	[tilespmem:s26], [sflag:$0x3] =	stream.indirect_vreg.gather [hbm4b:s9+s2], $0x80, v3, vm0, $0xb8;
	[tilespmem:$0x1C800] =	vst v63  }
0x67: {  	v3 =	vld [tilespmem:$0x50];
	_ =	sdelay $0x4  }
0x68: {  	v63 =	vshll.u32 v3, $0x2  }
0x69: {  	v3 =	vand.u32 $0x7, v3;
	v4 =	vand.u32 $0xFFFFFFE0, v63  }
0x6a: {  	v3 =	vor.u32 v3, v4  }
0x6b: {  	v4 =	vperm.xlane v3, v0;
	_ =	sdelay $0x1  }
0x6c: {  	v4 =	vadd.s32 v1, v4;
	_ =	sdelay $0x1  }
0x6d: {  	v3 =	vperm.xlane v3, v2;
	_ =	sdelay $0x1  }
0x6e: {  	s28 =	simm.s32 $0x16800;
	v3 =	vadd.s32 v1, v3  }
0x6f: {  	[tilespmem:s28], [sflag:$0x3] =	stream.indirect_vreg.gather [hbm4b:s1+s2], $0x80, v4, vm0, $0xb8;
	[tilespmem:$0x1C800] =	vst v63  }
0x70: {  	s29 =	simm.s32 $0x17000  }
0x71: {  	[tilespmem:s29], [sflag:$0x3] =	stream.indirect_vreg.gather [hbm4b:s9+s2], $0x80, v4, vm0, $0xb8;
	[tilespmem:$0x1C800] =	vst v63  }
0x72: {  	s30 =	simm.s32 $0x17800  }
0x73: {  	[tilespmem:s30], [sflag:$0x3] =	stream.indirect_vreg.gather [hbm4b:s1+s2], $0x80, v3, vm0, $0xb8;
	[tilespmem:$0x1C800] =	vst v63  }
0x74: {  	s31 =	simm.s32 $0x18000;
	s13 =	simm.s32 $0x0  }
0x75: {  	[tilespmem:s31], [sflag:$0x3] =	stream.indirect_vreg.gather [hbm4b:s9+s2], $0x80, v3, vm0, $0xb8;
	[tilespmem:$0x1C800] =	vst v63  }
.LBB2_2:
0x76: {  	p0 =	seq.s32 s13, $0x0  }
0x77: {  	s5 =	simm.s32 @!p0 $0x8  }
0x78: {  	_ =	swait.ge @!p0 [sflag:s5], $0x4000  }
0x79: {  	s17 =	sshll.u32 s13, $0x9;
	[sflag:s5] =	ssyncset.done @!p0 $0x0  }
0x7a: {  	s7 =	sshrl.u32 s17, $0x2;
	[sflag:s5] =	ssyncadd.s32 @!p0 $0xFFFFC000  }
0x7b: {  	v3 =	vld [tilespmem:s7+$0x60];
	_ =	sdelay $0x4  }
0x7c: {  	v4 =	vshll.u32 v3, $0x2  }
0x7d: {  	v3 =	vand.u32 $0x7, v3;
	v4 =	vand.u32 $0xFFFFFFE0, v4  }
0x7e: {  	v3 =	vor.u32 v3, v4  }
0x7f: {  	v4 =	vperm.xlane v3, v0;
	_ =	sdelay $0x1  }
0x80: {  	v4 =	vadd.s32 v1, v4;
	_ =	sdelay $0x1  }
0x81: {  	v3 =	vperm.xlane v3, v2;
	_ =	sdelay $0x1  }
0x82: {  	s5 =	simm.s32 $0x0;
	v3 =	vadd.s32 v1, v3  }
0x83: {  	[tilespmem:s25], [sflag:$0x4] =	stream.indirect_vreg.gather [hbm4b:s1+s5], $0x80, v4, vm0, $0xb8;
	[tilespmem:$0x1C800] =	vst v63  }
0x84: {  	s0 =	simm.s32 $0x19000  }
0x85: {  	[tilespmem:s0], [sflag:$0x4] =	stream.indirect_vreg.gather [hbm4b:s9+s5], $0x80, v4, vm0, $0xb8;
	[tilespmem:$0x1C800] =	vst v63  }
0x86: {  	s28 =	simm.s32 $0x19800  }
0x87: {  	[tilespmem:s28], [sflag:$0x4] =	stream.indirect_vreg.gather [hbm4b:s1+s5], $0x80, v3, vm0, $0xb8;
	[tilespmem:$0x1C800] =	vst v63  }
0x88: {  	s2 =	simm.s32 $0x1A000  }
0x89: {  	[tilespmem:s2], [sflag:$0x4] =	stream.indirect_vreg.gather [hbm4b:s9+s5], $0x80, v3, vm0, $0xb8;
	[tilespmem:$0x1C800] =	vst v63  }
0x8a: {  	v3 =	vld [tilespmem:s7+$0x70];
	_ =	sdelay $0x4  }
0x8b: {  	v4 =	vshll.u32 v3, $0x2  }
0x8c: {  	v3 =	vand.u32 $0x7, v3;
	v4 =	vand.u32 $0xFFFFFFE0, v4  }
0x8d: {  	v3 =	vor.u32 v3, v4  }
0x8e: {  	v4 =	vperm.xlane v3, v0;
	_ =	sdelay $0x1  }
0x8f: {  	v4 =	vadd.s32 v1, v4;
	_ =	sdelay $0x1  }
0x90: {  	v3 =	vperm.xlane v3, v2;
	_ =	sdelay $0x1  }
0x91: {  	s3 =	simm.s32 $0x1A800;
	v3 =	vadd.s32 v1, v3  }
0x92: {  	[tilespmem:s3], [sflag:$0x4] =	stream.indirect_vreg.gather [hbm4b:s1+s5], $0x80, v4, vm0, $0xb8;
	[tilespmem:$0x1C800] =	vst v63  }
0x93: {  	s15 =	simm.s32 $0x1B000  }
0x94: {  	[tilespmem:s15], [sflag:$0x4] =	stream.indirect_vreg.gather [hbm4b:s9+s5], $0x80, v4, vm0, $0xb8;
	[tilespmem:$0x1C800] =	vst v63  }
0x95: {  	s19 =	simm.s32 $0x1B800  }
0x96: {  	[tilespmem:s19], [sflag:$0x4] =	stream.indirect_vreg.gather [hbm4b:s1+s5], $0x80, v3, vm0, $0xb8;
	[tilespmem:$0x1C800] =	vst v63  }
0x97: {  	s26 =	simm.s32 $0x1C000  }
0x98: {  	[tilespmem:s26], [sflag:$0x4] =	stream.indirect_vreg.gather [hbm4b:s9+s5], $0x80, v3, vm0, $0xb8;
	[tilespmem:$0x1C800] =	vst v63  }
0x99: {  	s26 =	sshll.u32 s13, $0x7  }
0x9a: {  	s17 =	sand.u32 $0xF000, s17;
	s26 =	sand.u32 $0x380, s26  }
0x9b: {  	s17 =	sor.u32 s26, s17  }
0x9c: {  	s28 =	sand.u32 $0xC00, s5;
	_ =	swait.ge [sflag:s14], $0x4000;
	s17 =	sadd.s32 $0x2800, s17  }
0x9d: {  	s5 =	sand.u32 $0x70, s5;
	[sflag:s14] =	ssyncset.done $0x0;
	s29 =	sadd.s32 s28, s17  }
0x9e: {  	[sflag:s14] =	ssyncadd.s32 $0xFFFFC000;
	s29 =	sadd.s32 s5, s29  }
0x9f: {  	v3 =	vld [tilespmem:s29+$0x0];
	_ =	sdelay $0x3  }
0xa0: {  	s5 =	sor.u32 s5, s28  }
0xa1: {  	[tilespmem:s5+$0xC800] =	vst.add.f32.msk $0xffff, v3  }
0xa2: {  	[tilespmem:s5+$0xC880] =	vst.add.f32.msk $0xffff, v3  }
0xa3: {  	[tilespmem:s5+$0xC900] =	vst.add.f32.msk $0xffff, v3  }
0xa4: {  	[tilespmem:s5+$0xC980] =	vst.add.f32.msk $0xffff, v3  }
0xa5: {  	[tilespmem:s5+$0xCA00] =	vst.add.f32.msk $0xffff, v3  }
0xa6: {  	[tilespmem:s5+$0xCA80] =	vst.add.f32.msk $0xffff, v3  }
0xa7: {  	[tilespmem:s5+$0xCB00] =	vst.add.f32.msk $0xffff, v3  }
0xa8: {  	[tilespmem:s5+$0xCB80] =	vst.add.f32.msk $0xffff, v3  }
0xa9: {  	[tilespmem:s5+$0xD800] =	vst.add.f32.msk $0xffff, v3  }
0xaa: {  	[tilespmem:s5+$0xD880] =	vst.add.f32.msk $0xffff, v3  }
0xab: {  	[tilespmem:s5+$0xD900] =	vst.add.f32.msk $0xffff, v3  }
0xac: {  	[tilespmem:s5+$0xD980] =	vst.add.f32.msk $0xffff, v3  }
0xad: {  	[tilespmem:s5+$0xDA00] =	vst.add.f32.msk $0xffff, v3  }
0xae: {  	[tilespmem:s5+$0xDA80] =	vst.add.f32.msk $0xffff, v3  }
0xaf: {  	[tilespmem:s5+$0xDB00] =	vst.add.f32.msk $0xffff, v3  }
0xb0: {  	[tilespmem:s5+$0xDB80] =	vst.add.f32.msk $0xffff, v3  }
0xb1: {  	[tilespmem:s5+$0xE800] =	vst.add.f32.msk $0xffff, v3  }
0xb2: {  	[tilespmem:s5+$0xE880] =	vst.add.f32.msk $0xffff, v3  }
0xb3: {  	[tilespmem:s5+$0xE900] =	vst.add.f32.msk $0xffff, v3  }
0xb4: {  	[tilespmem:s5+$0xE980] =	vst.add.f32.msk $0xffff, v3  }
0xb5: {  	[tilespmem:s5+$0xEA00] =	vst.add.f32.msk $0xffff, v3  }
0xb6: {  	[tilespmem:s5+$0xEA80] =	vst.add.f32.msk $0xffff, v3  }
0xb7: {  	[tilespmem:s5+$0xEB00] =	vst.add.f32.msk $0xffff, v3  }
0xb8: {  	[tilespmem:s5+$0xEB80] =	vst.add.f32.msk $0xffff, v3  }
0xb9: {  	[tilespmem:s5+$0xF800] =	vst.add.f32.msk $0xffff, v3  }
0xba: {  	[tilespmem:s5+$0xF880] =	vst.add.f32.msk $0xffff, v3  }
0xbb: {  	[tilespmem:s5+$0xF900] =	vst.add.f32.msk $0xffff, v3  }
0xbc: {  	[tilespmem:s5+$0xF980] =	vst.add.f32.msk $0xffff, v3  }
0xbd: {  	s26 =	simm.s32 $0x80;
	[tilespmem:s5+$0xFA00] =	vst.add.f32.msk $0xffff, v3  }
0xbe: {  	s30 =	simm.s32 $0x10;
	s31 =	sand.u32 $0xC00, s26;
	s29 =	simm.s32 $0x20;
	[tilespmem:s5+$0xFA80] =	vst.add.f32.msk $0xffff, v3  }
.LBB2_3:
0xbf: {  	p0 =	sne.s32 s29, $0x1F0;
	s2 =	sand.u32 $0x70, s30;
	s30 =	sadd.s32 s31, s17;
	[tilespmem:s5+$0xFB00] =	vst.add.f32.msk $0xffff, v3  }
0xc0: {  	s0 =	sadd.s32 s2, s30;
	[tilespmem:s5+$0xFB80] =	vst.add.f32.msk $0xffff, v3;
	s30 =	smov.u32 s29  }
0xc1: {  	v3 =	vld [tilespmem:s0+$0x0];
	_ =	sdelay $0x3  }
0xc2: {  	s5 =	sor.u32 s2, s31  }
0xc3: {  	[tilespmem:s5+$0xC800] =	vst.add.f32.msk $0xffff, v3  }
0xc4: {  	[tilespmem:s5+$0xC880] =	vst.add.f32.msk $0xffff, v3  }
0xc5: {  	[tilespmem:s5+$0xC900] =	vst.add.f32.msk $0xffff, v3  }
0xc6: {  	[tilespmem:s5+$0xC980] =	vst.add.f32.msk $0xffff, v3  }
0xc7: {  	[tilespmem:s5+$0xCA00] =	vst.add.f32.msk $0xffff, v3  }
0xc8: {  	[tilespmem:s5+$0xCA80] =	vst.add.f32.msk $0xffff, v3  }
0xc9: {  	[tilespmem:s5+$0xCB00] =	vst.add.f32.msk $0xffff, v3  }
0xca: {  	[tilespmem:s5+$0xCB80] =	vst.add.f32.msk $0xffff, v3  }
0xcb: {  	[tilespmem:s5+$0xD800] =	vst.add.f32.msk $0xffff, v3  }
0xcc: {  	[tilespmem:s5+$0xD880] =	vst.add.f32.msk $0xffff, v3  }
0xcd: {  	[tilespmem:s5+$0xD900] =	vst.add.f32.msk $0xffff, v3  }
0xce: {  	[tilespmem:s5+$0xD980] =	vst.add.f32.msk $0xffff, v3  }
0xcf: {  	[tilespmem:s5+$0xDA00] =	vst.add.f32.msk $0xffff, v3  }
0xd0: {  	[tilespmem:s5+$0xDA80] =	vst.add.f32.msk $0xffff, v3  }
0xd1: {  	[tilespmem:s5+$0xDB00] =	vst.add.f32.msk $0xffff, v3  }
0xd2: {  	[tilespmem:s5+$0xDB80] =	vst.add.f32.msk $0xffff, v3  }
0xd3: {  	[tilespmem:s5+$0xE800] =	vst.add.f32.msk $0xffff, v3  }
0xd4: {  	[tilespmem:s5+$0xE880] =	vst.add.f32.msk $0xffff, v3  }
0xd5: {  	[tilespmem:s5+$0xE900] =	vst.add.f32.msk $0xffff, v3  }
0xd6: {  	[tilespmem:s5+$0xE980] =	vst.add.f32.msk $0xffff, v3  }
0xd7: {  	[tilespmem:s5+$0xEA00] =	vst.add.f32.msk $0xffff, v3  }
0xd8: {  	[tilespmem:s5+$0xEA80] =	vst.add.f32.msk $0xffff, v3  }
0xd9: {  	[tilespmem:s5+$0xEB00] =	vst.add.f32.msk $0xffff, v3  }
0xda: {  	[tilespmem:s5+$0xEB80] =	vst.add.f32.msk $0xffff, v3  }
0xdb: {  	[tilespmem:s5+$0xF800] =	vst.add.f32.msk $0xffff, v3  }
.Ltmp0:
0xdc: {  	[tilespmem:s5+$0xF880] =	vst.add.f32.msk $0xffff, v3;
	(pc) =	sbr.rel @p0 .LBB2_3-.Ltmp0, $4  }
0xdd: {  	[tilespmem:s5+$0xF900] =	vst.add.f32.msk $0xffff, v3  }
0xde: {  	[tilespmem:s5+$0xF980] =	vst.add.f32.msk $0xffff, v3  }
0xdf: {  	s26 =	sadd.s32 $0x80, s26;
	[tilespmem:s5+$0xFA00] =	vst.add.f32.msk $0xffff, v3  }
0xe0: {  	s31 =	sand.u32 $0xC00, s26;
	s29 =	sadd.s32 $0x10, s29;
	[tilespmem:s5+$0xFA80] =	vst.add.f32.msk $0xffff, v3  }
0xe1: {  	s0 =	sand.u32 $0x70, s30;
	s2 =	sadd.s32 s31, s17;
	[tilespmem:s5+$0xFB00] =	vst.add.f32.msk $0xffff, v3  }
0xe2: {  	[tilespmem:s5+$0xFB80] =	vst.add.f32.msk $0xffff, v3;
	s2 =	sadd.s32 s0, s2  }
0xe3: {  	v3 =	vld [tilespmem:s2+$0x0];
	_ =	sdelay $0x3  }
0xe4: {  	s0 =	sor.u32 s0, s31  }
0xe5: {  	[tilespmem:s0+$0xC800] =	vst.add.f32.msk $0xffff, v3  }
0xe6: {  	[tilespmem:s0+$0xC880] =	vst.add.f32.msk $0xffff, v3  }
0xe7: {  	[tilespmem:s0+$0xC900] =	vst.add.f32.msk $0xffff, v3  }
0xe8: {  	[tilespmem:s0+$0xC980] =	vst.add.f32.msk $0xffff, v3  }
0xe9: {  	[tilespmem:s0+$0xCA00] =	vst.add.f32.msk $0xffff, v3  }
0xea: {  	[tilespmem:s0+$0xCA80] =	vst.add.f32.msk $0xffff, v3  }
0xeb: {  	[tilespmem:s0+$0xCB00] =	vst.add.f32.msk $0xffff, v3  }
0xec: {  	[tilespmem:s0+$0xCB80] =	vst.add.f32.msk $0xffff, v3  }
0xed: {  	[tilespmem:s0+$0xD800] =	vst.add.f32.msk $0xffff, v3  }
0xee: {  	[tilespmem:s0+$0xD880] =	vst.add.f32.msk $0xffff, v3  }
0xef: {  	[tilespmem:s0+$0xD900] =	vst.add.f32.msk $0xffff, v3  }
0xf0: {  	[tilespmem:s0+$0xD980] =	vst.add.f32.msk $0xffff, v3  }
0xf1: {  	[tilespmem:s0+$0xDA00] =	vst.add.f32.msk $0xffff, v3  }
0xf2: {  	[tilespmem:s0+$0xDA80] =	vst.add.f32.msk $0xffff, v3  }
0xf3: {  	[tilespmem:s0+$0xDB00] =	vst.add.f32.msk $0xffff, v3  }
0xf4: {  	[tilespmem:s0+$0xDB80] =	vst.add.f32.msk $0xffff, v3  }
0xf5: {  	[tilespmem:s0+$0xE800] =	vst.add.f32.msk $0xffff, v3  }
0xf6: {  	[tilespmem:s0+$0xE880] =	vst.add.f32.msk $0xffff, v3  }
0xf7: {  	[tilespmem:s0+$0xE900] =	vst.add.f32.msk $0xffff, v3  }
0xf8: {  	[tilespmem:s0+$0xE980] =	vst.add.f32.msk $0xffff, v3  }
0xf9: {  	[tilespmem:s0+$0xEA00] =	vst.add.f32.msk $0xffff, v3  }
0xfa: {  	[tilespmem:s0+$0xEA80] =	vst.add.f32.msk $0xffff, v3  }
0xfb: {  	[tilespmem:s0+$0xEB00] =	vst.add.f32.msk $0xffff, v3  }
0xfc: {  	[tilespmem:s0+$0xEB80] =	vst.add.f32.msk $0xffff, v3  }
0xfd: {  	[tilespmem:s0+$0xF800] =	vst.add.f32.msk $0xffff, v3  }
0xfe: {  	[tilespmem:s0+$0xF880] =	vst.add.f32.msk $0xffff, v3  }
0xff: {  	[tilespmem:s0+$0xF900] =	vst.add.f32.msk $0xffff, v3  }
0x100: {  	[tilespmem:s0+$0xF980] =	vst.add.f32.msk $0xffff, v3  }
0x101: {  	s5 =	sshll.u32 s13, $0xC;
	[tilespmem:s0+$0xFA00] =	vst.add.f32.msk $0xffff, v3  }
0x102: {  	s19 =	sadd.s32 s6, s5;
	[tilespmem:s0+$0xFA80] =	vst.add.f32.msk $0xffff, v3  }
0x103: {  	s2 =	sshrl.u32 s19, $0x3;
	[tilespmem:s0+$0xFB00] =	vst.add.f32.msk $0xffff, v3  }
0x104: {  	s28 =	simm.s32 $0xC800;
	s26 =	sadd.s32 s4, s2;
	[tilespmem:s0+$0xFB80] =	vst.add.f32.msk $0xffff, v3  }
0x105: {  	[hbm4b:s26+s16] =	stream.strided.scatter [tilespmem:s28], [sflag:$0x5], $0x4000, s18, s16, $0x38;
	[tilespmem:$0x1C800] =	vst v63  }
0x106: {  	_ =	swait.ge [sflag:s20], $0x4000  }
0x107: {  	[sflag:s20] =	ssyncset.done $0x0  }
0x108: {  	p0 =	seq.s32 s13, $0x4C;
	[sflag:s20] =	ssyncadd.s32 $0xFFFFC000  }
0x109: {  	v3 =	vld @!p0 [tilespmem:s7+$0x80];
	_ =	sdelay $0x4  }
0x10a: {  	v4 =	vshll.u32 @!p0 v3, $0x2  }
0x10b: {  	v5 =	vlaneseq.u32 @!p0;
	v3 =	vand.u32 @!p0 $0x7, v3;
	v4 =	vand.u32 @!p0 $0xFFFFFFE0, v4  }
0x10c: {  	v6 =	vshrl.u32 @!p0 v5, $0x3;
	v3 =	vor.u32 @!p0 v3, v4;
	v4 =	vand.u32 @!p0 $0x7, v5  }
0x10d: {  	v6 =	vmul.u32 @!p0 $0x8, v6;
	v7 =	vperm.xlane @!p0 v3, v4;
	_ =	sdelay $0x1  }
0x10e: {  	v7 =	vadd.s32 @!p0 v6, v7  }
0x10f: {  	v5 =	vor.u32 @!p0 $0x8, v5  }
0x110: {  	v3 =	vperm.xlane @!p0 v3, v5;
	_ =	sdelay $0x1  }
0x111: {  	vm1 =	vmmov @!p0 $0xffff;
	s2 =	simm.s32 @!p0 $0xC800;
	s0 =	simm.s32 @!p0 $0x0;
	v3 =	vadd.s32 @!p0 v6, v3  }
0x112: {  	[tilespmem:s2], [sflag:$0x1] =	stream.indirect_vreg.gather @!p0 [hbm4b:s1+s0], $0x80, v7, vm1, $0xb8;
	[tilespmem:$0x1C800] =	vst v63  }
0x113: {  	s2 =	simm.s32 @!p0 $0xD000  }
0x114: {  	[tilespmem:s2], [sflag:$0x1] =	stream.indirect_vreg.gather @!p0 [hbm4b:s9+s0], $0x80, v7, vm1, $0xb8;
	[tilespmem:$0x1C800] =	vst v63  }
0x115: {  	s2 =	simm.s32 @!p0 $0xD800  }
0x116: {  	[tilespmem:s2], [sflag:$0x1] =	stream.indirect_vreg.gather @!p0 [hbm4b:s1+s0], $0x80, v3, vm1, $0xb8;
	[tilespmem:$0x1C800] =	vst v63  }
0x117: {  	s2 =	simm.s32 @!p0 $0xE000  }
0x118: {  	[tilespmem:s2], [sflag:$0x1] =	stream.indirect_vreg.gather @!p0 [hbm4b:s9+s0], $0x80, v3, vm1, $0xb8;
	[tilespmem:$0x1C800] =	vst v63  }
0x119: {  	v3 =	vld @!p0 [tilespmem:s7+$0x90];
	_ =	sdelay $0x4  }
0x11a: {  	v7 =	vshll.u32 @!p0 v3, $0x2  }
0x11b: {  	v3 =	vand.u32 @!p0 $0x7, v3;
	v7 =	vand.u32 @!p0 $0xFFFFFFE0, v7  }
0x11c: {  	v3 =	vor.u32 @!p0 v3, v7  }
0x11d: {  	v4 =	vperm.xlane @!p0 v3, v4;
	_ =	sdelay $0x1  }
0x11e: {  	v4 =	vadd.s32 @!p0 v6, v4;
	_ =	sdelay $0x1  }
0x11f: {  	v3 =	vperm.xlane @!p0 v3, v5;
	_ =	sdelay $0x1  }
0x120: {  	s2 =	simm.s32 @!p0 $0xE800;
	v3 =	vadd.s32 @!p0 v6, v3  }
0x121: {  	[tilespmem:s2], [sflag:$0x1] =	stream.indirect_vreg.gather @!p0 [hbm4b:s1+s0], $0x80, v4, vm1, $0xb8;
	[tilespmem:$0x1C800] =	vst v63  }
0x122: {  	s2 =	simm.s32 @!p0 $0xF000  }
0x123: {  	[tilespmem:s2], [sflag:$0x1] =	stream.indirect_vreg.gather @!p0 [hbm4b:s9+s0], $0x80, v4, vm1, $0xb8;
	[tilespmem:$0x1C800] =	vst v63  }
0x124: {  	s2 =	simm.s32 @!p0 $0xF800  }
0x125: {  	[tilespmem:s2], [sflag:$0x1] =	stream.indirect_vreg.gather @!p0 [hbm4b:s1+s0], $0x80, v3, vm1, $0xb8;
	[tilespmem:$0x1C800] =	vst v63  }
0x126: {  	s29 =	simm.s32 $0x0;
	s2 =	simm.s32 @!p0 $0x10000  }
0x127: {  	[tilespmem:s2], [sflag:$0x1] =	stream.indirect_vreg.gather @!p0 [hbm4b:s9+s0], $0x80, v3, vm1, $0xb8;
	[tilespmem:$0x1C800] =	vst v63  }
0x128: {  	s2 =	sand.u32 $0xC00, s29;
	_ =	swait.ge [sflag:s21], $0x4000  }
0x129: {  	s3 =	sand.u32 $0x70, s29;
	s26 =	sadd.s32 s2, s17;
	[sflag:s21] =	ssyncset.done $0x0  }
0x12a: {  	s26 =	sadd.s32 s3, s26;
	[sflag:s21] =	ssyncadd.s32 $0xFFFFC000  }
0x12b: {  	v3 =	vld [tilespmem:s26+$0x0];
	_ =	sdelay $0x2  }
0x12c: {  	s26 =	sor.u32 s3, s2  }
0x12d: {  	s31 =	sadd.s32 $0x10800, s26  }
0x12e: {  	s15 =	sor.u32 $0x80, s31;
	[tilespmem:s26+$0x10800] =	vst.add.f32.msk $0xffff, v3  }
0x12f: {  	s19 =	sor.u32 $0x100, s31;
	[tilespmem:s15+$0x0] =	vst.add.f32.msk $0xffff, v3  }
0x130: {  	s28 =	sor.u32 $0x180, s31;
	[tilespmem:s19+$0x0] =	vst.add.f32.msk $0xffff, v3  }
0x131: {  	s3 =	sor.u32 $0x200, s31;
	[tilespmem:s28+$0x0] =	vst.add.f32.msk $0xffff, v3  }
0x132: {  	s15 =	sor.u32 $0x280, s31;
	[tilespmem:s3+$0x0] =	vst.add.f32.msk $0xffff, v3  }
0x133: {  	s19 =	sor.u32 $0x300, s31;
	[tilespmem:s15+$0x0] =	vst.add.f32.msk $0xffff, v3  }
0x134: {  	s28 =	sor.u32 $0x380, s31;
	[tilespmem:s19+$0x0] =	vst.add.f32.msk $0xffff, v3  }
0x135: {  	[tilespmem:s28+$0x0] =	vst.add.f32.msk $0xffff, v3  }
0x136: {  	[tilespmem:s26+$0x11800] =	vst.add.f32.msk $0xffff, v3  }
0x137: {  	[tilespmem:s31+$0x1300] =	vst.add.f32.msk $0xffff, v3  }
0x138: {  	[tilespmem:s31+$0x1380] =	vst.add.f32.msk $0xffff, v3  }
0x139: {  	[tilespmem:s31+$0x1280] =	vst.add.f32.msk $0xffff, v3  }
0x13a: {  	s30 =	simm.s32 $0x10;
	[tilespmem:s31+$0x1200] =	vst.add.f32.msk $0xffff, v3  }
.LBB2_5:
0x13b: {  	p1 =	sne.s32 s30, $0x1F0  }
0x13c: {  	[tilespmem:s31+$0x1180] =	vst.add.f32.msk $0xffff, v3;
	s29 =	sadd.s32 $0x80, s29;
	s0 =	smov.u32 s30;
	s30 =	sadd.s32 $0x10, s30  }
0x13d: {  	[tilespmem:s31+$0x1080] =	vst.add.f32.msk $0xffff, v3  }
0x13e: {  	s2 =	sadd.s32 $0x12800, s26;
	[tilespmem:s31+$0x1100] =	vst.add.f32.msk $0xffff, v3  }
0x13f: {  	s31 =	sor.u32 $0x80, s2;
	[tilespmem:s26+$0x12800] =	vst.add.f32.msk $0xffff, v3  }
0x140: {  	[tilespmem:s31+$0x0] =	vst.add.f32.msk $0xffff, v3;
	s31 =	sor.u32 $0x100, s2  }
0x141: {  	[tilespmem:s31+$0x0] =	vst.add.f32.msk $0xffff, v3;
	s31 =	sor.u32 $0x180, s2  }
0x142: {  	[tilespmem:s31+$0x0] =	vst.add.f32.msk $0xffff, v3;
	s31 =	sor.u32 $0x200, s2  }
0x143: {  	[tilespmem:s31+$0x0] =	vst.add.f32.msk $0xffff, v3;
	s31 =	sor.u32 $0x280, s2  }
0x144: {  	[tilespmem:s31+$0x0] =	vst.add.f32.msk $0xffff, v3;
	s31 =	sor.u32 $0x300, s2  }
0x145: {  	[tilespmem:s31+$0x0] =	vst.add.f32.msk $0xffff, v3;
	s31 =	sor.u32 $0x380, s2  }
0x146: {  	s19 =	sand.u32 $0xC00, s29;
	[tilespmem:s31+$0x0] =	vst.add.f32.msk $0xffff, v3  }
0x147: {  	s0 =	sand.u32 $0x70, s0;
	s31 =	sadd.s32 s19, s17;
	[tilespmem:s26+$0x13800] =	vst.add.f32.msk $0xffff, v3  }
0x148: {  	s3 =	sadd.s32 s0, s31;
	[tilespmem:s2+$0x1080] =	vst.add.f32.msk $0xffff, v3  }
0x149: {  	[tilespmem:s2+$0x1100] =	vst.add.f32.msk $0xffff, v3  }
0x14a: {  	[tilespmem:s2+$0x1180] =	vst.add.f32.msk $0xffff, v3  }
0x14b: {  	[tilespmem:s2+$0x1200] =	vst.add.f32.msk $0xffff, v3  }
0x14c: {  	s26 =	sor.u32 s0, s19;
	[tilespmem:s2+$0x1280] =	vst.add.f32.msk $0xffff, v3  }
0x14d: {  	s31 =	sadd.s32 $0x10800, s26;
	[tilespmem:s2+$0x1300] =	vst.add.f32.msk $0xffff, v3  }
0x14e: {  	s0 =	sor.u32 $0x80, s31;
	[tilespmem:s2+$0x1380] =	vst.add.f32.msk $0xffff, v3  }
0x14f: {  	s2 =	sor.u32 $0x100, s31;
	v3 =	vld [tilespmem:s3+$0x0];
	_ =	sdelay $0x1  }
0x150: {  	s3 =	sor.u32 $0x200, s31  }
0x151: {  	s19 =	sor.u32 $0x180, s31;
	s28 =	sor.u32 $0x280, s31  }
0x152: {  	s15 =	sor.u32 $0x300, s31  }
0x153: {  	[tilespmem:s26+$0x10800] =	vst.add.f32.msk $0xffff, v3  }
0x154: {  	[tilespmem:s0+$0x0] =	vst.add.f32.msk $0xffff, v3  }
0x155: {  	s0 =	sor.u32 $0x380, s31;
	[tilespmem:s2+$0x0] =	vst.add.f32.msk $0xffff, v3  }
0x156: {  	[tilespmem:s19+$0x0] =	vst.add.f32.msk $0xffff, v3  }
0x157: {  	[tilespmem:s3+$0x0] =	vst.add.f32.msk $0xffff, v3  }
0x158: {  	[tilespmem:s28+$0x0] =	vst.add.f32.msk $0xffff, v3  }
0x159: {  	[tilespmem:s15+$0x0] =	vst.add.f32.msk $0xffff, v3  }
0x15a: {  	[tilespmem:s0+$0x0] =	vst.add.f32.msk $0xffff, v3  }
.Ltmp1:
0x15b: {  	[tilespmem:s26+$0x11800] =	vst.add.f32.msk $0xffff, v3;
	(pc) =	sbr.rel @p1 .LBB2_5-.Ltmp1, $4  }
0x15c: {  	[tilespmem:s31+$0x1300] =	vst.add.f32.msk $0xffff, v3  }
0x15d: {  	[tilespmem:s31+$0x1380] =	vst.add.f32.msk $0xffff, v3  }
0x15e: {  	[tilespmem:s31+$0x1280] =	vst.add.f32.msk $0xffff, v3  }
0x15f: {  	[tilespmem:s31+$0x1200] =	vst.add.f32.msk $0xffff, v3  }
0x160: {  	[tilespmem:s31+$0x1180] =	vst.add.f32.msk $0xffff, v3  }
0x161: {  	[tilespmem:s31+$0x1080] =	vst.add.f32.msk $0xffff, v3  }
0x162: {  	[tilespmem:s31+$0x1100] =	vst.add.f32.msk $0xffff, v3;
	s0 =	sadd.s32 $0x12800, s26  }
0x163: {  	[tilespmem:s26+$0x12800] =	vst.add.f32.msk $0xffff, v3;
	s2 =	sor.u32 $0x80, s0  }
0x164: {  	s19 =	sor.u32 $0x100, s0;
	[tilespmem:s2+$0x0] =	vst.add.f32.msk $0xffff, v3  }
0x165: {  	s28 =	sor.u32 $0x180, s0;
	[tilespmem:s19+$0x0] =	vst.add.f32.msk $0xffff, v3  }
0x166: {  	s3 =	sor.u32 $0x200, s0;
	[tilespmem:s28+$0x0] =	vst.add.f32.msk $0xffff, v3  }
0x167: {  	s15 =	sor.u32 $0x280, s0;
	[tilespmem:s3+$0x0] =	vst.add.f32.msk $0xffff, v3  }
0x168: {  	s19 =	sor.u32 $0x300, s0;
	[tilespmem:s15+$0x0] =	vst.add.f32.msk $0xffff, v3  }
0x169: {  	s28 =	sor.u32 $0x380, s0;
	[tilespmem:s19+$0x0] =	vst.add.f32.msk $0xffff, v3  }
0x16a: {  	[tilespmem:s28+$0x0] =	vst.add.f32.msk $0xffff, v3  }
0x16b: {  	[tilespmem:s26+$0x13800] =	vst.add.f32.msk $0xffff, v3  }
0x16c: {  	[tilespmem:s0+$0x1080] =	vst.add.f32.msk $0xffff, v3  }
0x16d: {  	[tilespmem:s0+$0x1100] =	vst.add.f32.msk $0xffff, v3  }
0x16e: {  	[tilespmem:s0+$0x1180] =	vst.add.f32.msk $0xffff, v3  }
0x16f: {  	[tilespmem:s0+$0x1200] =	vst.add.f32.msk $0xffff, v3  }
0x170: {  	s3 =	sadd.s32 s10, s5;
	[tilespmem:s0+$0x1280] =	vst.add.f32.msk $0xffff, v3  }
0x171: {  	s2 =	sshrl.u32 s3, $0x3;
	[tilespmem:s0+$0x1300] =	vst.add.f32.msk $0xffff, v3  }
0x172: {  	s15 =	sadd.s32 s4, s2;
	s19 =	simm.s32 $0x10800;
	[tilespmem:s0+$0x1380] =	vst.add.f32.msk $0xffff, v3  }
0x173: {  	[hbm4b:s15+s16] =	stream.strided.scatter [tilespmem:s19], [sflag:$0x6], $0x4000, s18, s16, $0x38;
	[tilespmem:$0x1C800] =	vst v63  }
0x174: {  	_ =	swait.ge [sflag:s22], $0x4000  }
0x175: {  	[sflag:s22] =	ssyncset.done $0x0  }
0x176: {  	[sflag:s22] =	ssyncadd.s32 $0xFFFFC000  }
0x177: {  	v3 =	vld @!p0 [tilespmem:s7+$0xA0];
	_ =	sdelay $0x4  }
0x178: {  	v4 =	vshll.u32 @!p0 v3, $0x2  }
0x179: {  	v5 =	vlaneseq.u32 @!p0;
	v3 =	vand.u32 @!p0 $0x7, v3;
	v4 =	vand.u32 @!p0 $0xFFFFFFE0, v4  }
0x17a: {  	v6 =	vshrl.u32 @!p0 v5, $0x3;
	v3 =	vor.u32 @!p0 v3, v4;
	v4 =	vand.u32 @!p0 $0x7, v5  }
0x17b: {  	v6 =	vmul.u32 @!p0 $0x8, v6;
	v7 =	vperm.xlane @!p0 v3, v4;
	_ =	sdelay $0x1  }
0x17c: {  	v7 =	vadd.s32 @!p0 v6, v7  }
0x17d: {  	v5 =	vor.u32 @!p0 $0x8, v5  }
0x17e: {  	v3 =	vperm.xlane @!p0 v3, v5;
	_ =	sdelay $0x1  }
0x17f: {  	s2 =	simm.s32 @!p0 $0x10800;
	s0 =	simm.s32 @!p0 $0x0;
	v3 =	vadd.s32 @!p0 v6, v3  }
0x180: {  	[tilespmem:s2], [sflag:$0x2] =	stream.indirect_vreg.gather @!p0 [hbm4b:s1+s0], $0x80, v7, vm1, $0xb8;
	[tilespmem:$0x1C800] =	vst v63  }
0x181: {  	s2 =	simm.s32 @!p0 $0x11000  }
0x182: {  	[tilespmem:s2], [sflag:$0x2] =	stream.indirect_vreg.gather @!p0 [hbm4b:s9+s0], $0x80, v7, vm1, $0xb8;
	[tilespmem:$0x1C800] =	vst v63  }
0x183: {  	s2 =	simm.s32 @!p0 $0x11800  }
0x184: {  	[tilespmem:s2], [sflag:$0x2] =	stream.indirect_vreg.gather @!p0 [hbm4b:s1+s0], $0x80, v3, vm1, $0xb8;
	[tilespmem:$0x1C800] =	vst v63  }
0x185: {  	s2 =	simm.s32 @!p0 $0x12000  }
0x186: {  	[tilespmem:s2], [sflag:$0x2] =	stream.indirect_vreg.gather @!p0 [hbm4b:s9+s0], $0x80, v3, vm1, $0xb8;
	[tilespmem:$0x1C800] =	vst v63  }
0x187: {  	v3 =	vld @!p0 [tilespmem:s7+$0xB0];
	_ =	sdelay $0x4  }
0x188: {  	v7 =	vshll.u32 @!p0 v3, $0x2  }
0x189: {  	v3 =	vand.u32 @!p0 $0x7, v3;
	v7 =	vand.u32 @!p0 $0xFFFFFFE0, v7  }
0x18a: {  	v3 =	vor.u32 @!p0 v3, v7  }
0x18b: {  	v4 =	vperm.xlane @!p0 v3, v4;
	_ =	sdelay $0x1  }
0x18c: {  	v4 =	vadd.s32 @!p0 v6, v4;
	_ =	sdelay $0x1  }
0x18d: {  	v3 =	vperm.xlane @!p0 v3, v5;
	_ =	sdelay $0x1  }
0x18e: {  	s2 =	simm.s32 @!p0 $0x12800;
	v3 =	vadd.s32 @!p0 v6, v3  }
0x18f: {  	[tilespmem:s2], [sflag:$0x2] =	stream.indirect_vreg.gather @!p0 [hbm4b:s1+s0], $0x80, v4, vm1, $0xb8;
	[tilespmem:$0x1C800] =	vst v63  }
0x190: {  	s2 =	simm.s32 @!p0 $0x13000  }
0x191: {  	[tilespmem:s2], [sflag:$0x2] =	stream.indirect_vreg.gather @!p0 [hbm4b:s9+s0], $0x80, v4, vm1, $0xb8;
	[tilespmem:$0x1C800] =	vst v63  }
0x192: {  	s2 =	simm.s32 @!p0 $0x13800  }
0x193: {  	[tilespmem:s2], [sflag:$0x2] =	stream.indirect_vreg.gather @!p0 [hbm4b:s1+s0], $0x80, v3, vm1, $0xb8;
	[tilespmem:$0x1C800] =	vst v63  }
0x194: {  	s29 =	simm.s32 $0x0;
	s2 =	simm.s32 @!p0 $0x14000  }
0x195: {  	[tilespmem:s2], [sflag:$0x2] =	stream.indirect_vreg.gather @!p0 [hbm4b:s9+s0], $0x80, v3, vm1, $0xb8;
	[tilespmem:$0x1C800] =	vst v63  }
0x196: {  	s26 =	sand.u32 $0xC00, s29;
	_ =	swait.ge [sflag:s23], $0x4000  }
0x197: {  	s28 =	sand.u32 $0x70, s29;
	s3 =	sadd.s32 s26, s17;
	[sflag:s23] =	ssyncset.done $0x0  }
0x198: {  	s3 =	sadd.s32 s28, s3;
	[sflag:s23] =	ssyncadd.s32 $0xFFFFC000  }
0x199: {  	v3 =	vld [tilespmem:s3+$0x0];
	_ =	sdelay $0x2  }
0x19a: {  	s26 =	sor.u32 s28, s26  }
0x19b: {  	s31 =	sadd.s32 $0x14800, s26  }
0x19c: {  	s15 =	sor.u32 $0x80, s31;
	[tilespmem:s26+$0x14800] =	vst.add.f32.msk $0xffff, v3  }
0x19d: {  	s19 =	sor.u32 $0x100, s31;
	[tilespmem:s15+$0x0] =	vst.add.f32.msk $0xffff, v3  }
0x19e: {  	s28 =	sor.u32 $0x180, s31;
	[tilespmem:s19+$0x0] =	vst.add.f32.msk $0xffff, v3  }
0x19f: {  	s3 =	sor.u32 $0x200, s31;
	[tilespmem:s28+$0x0] =	vst.add.f32.msk $0xffff, v3  }
0x1a0: {  	s15 =	sor.u32 $0x280, s31;
	[tilespmem:s3+$0x0] =	vst.add.f32.msk $0xffff, v3  }
0x1a1: {  	s19 =	sor.u32 $0x300, s31;
	[tilespmem:s15+$0x0] =	vst.add.f32.msk $0xffff, v3  }
0x1a2: {  	s28 =	sor.u32 $0x380, s31;
	[tilespmem:s19+$0x0] =	vst.add.f32.msk $0xffff, v3  }
0x1a3: {  	[tilespmem:s28+$0x0] =	vst.add.f32.msk $0xffff, v3  }
0x1a4: {  	[tilespmem:s26+$0x15800] =	vst.add.f32.msk $0xffff, v3  }
0x1a5: {  	[tilespmem:s31+$0x1300] =	vst.add.f32.msk $0xffff, v3  }
0x1a6: {  	[tilespmem:s31+$0x1380] =	vst.add.f32.msk $0xffff, v3  }
0x1a7: {  	[tilespmem:s31+$0x1280] =	vst.add.f32.msk $0xffff, v3  }
0x1a8: {  	s30 =	simm.s32 $0x10;
	[tilespmem:s31+$0x1200] =	vst.add.f32.msk $0xffff, v3  }
.LBB2_7:
0x1a9: {  	p1 =	sne.s32 s30, $0x1F0  }
0x1aa: {  	[tilespmem:s31+$0x1180] =	vst.add.f32.msk $0xffff, v3;
	s29 =	sadd.s32 $0x80, s29;
	s0 =	smov.u32 s30;
	s30 =	sadd.s32 $0x10, s30  }
0x1ab: {  	[tilespmem:s31+$0x1080] =	vst.add.f32.msk $0xffff, v3  }
0x1ac: {  	s2 =	sadd.s32 $0x16800, s26;
	[tilespmem:s31+$0x1100] =	vst.add.f32.msk $0xffff, v3  }
0x1ad: {  	s3 =	sor.u32 $0x80, s2;
	[tilespmem:s26+$0x16800] =	vst.add.f32.msk $0xffff, v3  }
0x1ae: {  	[tilespmem:s3+$0x0] =	vst.add.f32.msk $0xffff, v3;
	s3 =	sor.u32 $0x100, s2  }
0x1af: {  	[tilespmem:s3+$0x0] =	vst.add.f32.msk $0xffff, v3;
	s3 =	sor.u32 $0x180, s2  }
0x1b0: {  	[tilespmem:s3+$0x0] =	vst.add.f32.msk $0xffff, v3;
	s3 =	sor.u32 $0x200, s2  }
0x1b1: {  	[tilespmem:s3+$0x0] =	vst.add.f32.msk $0xffff, v3;
	s3 =	sor.u32 $0x280, s2  }
0x1b2: {  	[tilespmem:s3+$0x0] =	vst.add.f32.msk $0xffff, v3;
	s3 =	sor.u32 $0x300, s2  }
0x1b3: {  	[tilespmem:s3+$0x0] =	vst.add.f32.msk $0xffff, v3;
	s3 =	sor.u32 $0x380, s2  }
0x1b4: {  	s15 =	sand.u32 $0xC00, s29;
	[tilespmem:s3+$0x0] =	vst.add.f32.msk $0xffff, v3  }
0x1b5: {  	s0 =	sand.u32 $0x70, s0;
	s3 =	sadd.s32 s15, s17;
	[tilespmem:s26+$0x17800] =	vst.add.f32.msk $0xffff, v3  }
0x1b6: {  	s3 =	sadd.s32 s0, s3;
	[tilespmem:s2+$0x1080] =	vst.add.f32.msk $0xffff, v3  }
0x1b7: {  	[tilespmem:s2+$0x1100] =	vst.add.f32.msk $0xffff, v3  }
0x1b8: {  	[tilespmem:s2+$0x1180] =	vst.add.f32.msk $0xffff, v3  }
0x1b9: {  	[tilespmem:s2+$0x1200] =	vst.add.f32.msk $0xffff, v3  }
0x1ba: {  	s26 =	sor.u32 s0, s15;
	[tilespmem:s2+$0x1280] =	vst.add.f32.msk $0xffff, v3  }
0x1bb: {  	s31 =	sadd.s32 $0x14800, s26;
	[tilespmem:s2+$0x1300] =	vst.add.f32.msk $0xffff, v3  }
0x1bc: {  	s0 =	sor.u32 $0x80, s31;
	[tilespmem:s2+$0x1380] =	vst.add.f32.msk $0xffff, v3  }
0x1bd: {  	s2 =	sor.u32 $0x100, s31;
	v3 =	vld [tilespmem:s3+$0x0];
	_ =	sdelay $0x1  }
0x1be: {  	s3 =	sor.u32 $0x200, s31  }
0x1bf: {  	s15 =	sor.u32 $0x180, s31;
	s19 =	sor.u32 $0x280, s31  }
0x1c0: {  	s28 =	sor.u32 $0x300, s31  }
0x1c1: {  	[tilespmem:s26+$0x14800] =	vst.add.f32.msk $0xffff, v3  }
0x1c2: {  	[tilespmem:s0+$0x0] =	vst.add.f32.msk $0xffff, v3  }
0x1c3: {  	s0 =	sor.u32 $0x380, s31;
	[tilespmem:s2+$0x0] =	vst.add.f32.msk $0xffff, v3  }
0x1c4: {  	[tilespmem:s15+$0x0] =	vst.add.f32.msk $0xffff, v3  }
0x1c5: {  	[tilespmem:s3+$0x0] =	vst.add.f32.msk $0xffff, v3  }
0x1c6: {  	[tilespmem:s19+$0x0] =	vst.add.f32.msk $0xffff, v3  }
0x1c7: {  	[tilespmem:s28+$0x0] =	vst.add.f32.msk $0xffff, v3  }
0x1c8: {  	[tilespmem:s0+$0x0] =	vst.add.f32.msk $0xffff, v3  }
.Ltmp2:
0x1c9: {  	[tilespmem:s26+$0x15800] =	vst.add.f32.msk $0xffff, v3;
	(pc) =	sbr.rel @p1 .LBB2_7-.Ltmp2, $4  }
0x1ca: {  	[tilespmem:s31+$0x1300] =	vst.add.f32.msk $0xffff, v3  }
0x1cb: {  	[tilespmem:s31+$0x1380] =	vst.add.f32.msk $0xffff, v3  }
0x1cc: {  	[tilespmem:s31+$0x1280] =	vst.add.f32.msk $0xffff, v3  }
0x1cd: {  	[tilespmem:s31+$0x1200] =	vst.add.f32.msk $0xffff, v3  }
0x1ce: {  	[tilespmem:s31+$0x1180] =	vst.add.f32.msk $0xffff, v3  }
0x1cf: {  	[tilespmem:s31+$0x1080] =	vst.add.f32.msk $0xffff, v3  }
0x1d0: {  	[tilespmem:s31+$0x1100] =	vst.add.f32.msk $0xffff, v3;
	s0 =	sadd.s32 $0x16800, s26  }
0x1d1: {  	[tilespmem:s26+$0x16800] =	vst.add.f32.msk $0xffff, v3;
	s2 =	sor.u32 $0x80, s0  }
0x1d2: {  	s28 =	sor.u32 $0x100, s0;
	[tilespmem:s2+$0x0] =	vst.add.f32.msk $0xffff, v3  }
0x1d3: {  	s31 =	sor.u32 $0x180, s0;
	[tilespmem:s28+$0x0] =	vst.add.f32.msk $0xffff, v3  }
0x1d4: {  	s3 =	sor.u32 $0x200, s0;
	[tilespmem:s31+$0x0] =	vst.add.f32.msk $0xffff, v3  }
0x1d5: {  	s15 =	sor.u32 $0x280, s0;
	[tilespmem:s3+$0x0] =	vst.add.f32.msk $0xffff, v3  }
0x1d6: {  	s19 =	sor.u32 $0x300, s0;
	[tilespmem:s15+$0x0] =	vst.add.f32.msk $0xffff, v3  }
0x1d7: {  	s28 =	sor.u32 $0x380, s0;
	[tilespmem:s19+$0x0] =	vst.add.f32.msk $0xffff, v3  }
0x1d8: {  	[tilespmem:s28+$0x0] =	vst.add.f32.msk $0xffff, v3  }
0x1d9: {  	[tilespmem:s26+$0x17800] =	vst.add.f32.msk $0xffff, v3  }
0x1da: {  	[tilespmem:s0+$0x1080] =	vst.add.f32.msk $0xffff, v3  }
0x1db: {  	[tilespmem:s0+$0x1100] =	vst.add.f32.msk $0xffff, v3  }
0x1dc: {  	[tilespmem:s0+$0x1180] =	vst.add.f32.msk $0xffff, v3  }
0x1dd: {  	[tilespmem:s0+$0x1200] =	vst.add.f32.msk $0xffff, v3  }
0x1de: {  	s31 =	sadd.s32 s11, s5;
	[tilespmem:s0+$0x1280] =	vst.add.f32.msk $0xffff, v3  }
0x1df: {  	s2 =	sshrl.u32 s31, $0x3;
	[tilespmem:s0+$0x1300] =	vst.add.f32.msk $0xffff, v3  }
0x1e0: {  	s3 =	simm.s32 $0x14800;
	s2 =	sadd.s32 s4, s2;
	[tilespmem:s0+$0x1380] =	vst.add.f32.msk $0xffff, v3  }
0x1e1: {  	[hbm4b:s2+s16] =	stream.strided.scatter [tilespmem:s3], [sflag:$0x7], $0x4000, s18, s16, $0x38;
	[tilespmem:$0x1C800] =	vst v63  }
0x1e2: {  	_ =	swait.ge [sflag:s24], $0x4000  }
0x1e3: {  	[sflag:s24] =	ssyncset.done $0x0  }
0x1e4: {  	[sflag:s24] =	ssyncadd.s32 $0xFFFFC000  }
0x1e5: {  	v3 =	vld @!p0 [tilespmem:s7+$0xC0];
	_ =	sdelay $0x4  }
0x1e6: {  	v4 =	vshll.u32 @!p0 v3, $0x2  }
0x1e7: {  	v5 =	vlaneseq.u32 @!p0;
	v3 =	vand.u32 @!p0 $0x7, v3;
	v4 =	vand.u32 @!p0 $0xFFFFFFE0, v4  }
0x1e8: {  	v6 =	vshrl.u32 @!p0 v5, $0x3;
	v3 =	vor.u32 @!p0 v3, v4;
	v4 =	vand.u32 @!p0 $0x7, v5  }
0x1e9: {  	v6 =	vmul.u32 @!p0 $0x8, v6;
	v7 =	vperm.xlane @!p0 v3, v4;
	_ =	sdelay $0x1  }
0x1ea: {  	v7 =	vadd.s32 @!p0 v6, v7  }
0x1eb: {  	v5 =	vor.u32 @!p0 $0x8, v5  }
0x1ec: {  	v3 =	vperm.xlane @!p0 v3, v5;
	_ =	sdelay $0x1  }
0x1ed: {  	s0 =	simm.s32 @!p0 $0x0;
	s2 =	simm.s32 @!p0 $0x14800;
	v3 =	vadd.s32 @!p0 v6, v3  }
0x1ee: {  	[tilespmem:s2], [sflag:$0x3] =	stream.indirect_vreg.gather @!p0 [hbm4b:s1+s0], $0x80, v7, vm1, $0xb8;
	[tilespmem:$0x1C800] =	vst v63  }
0x1ef: {  	s2 =	simm.s32 @!p0 $0x15000  }
0x1f0: {  	[tilespmem:s2], [sflag:$0x3] =	stream.indirect_vreg.gather @!p0 [hbm4b:s9+s0], $0x80, v7, vm1, $0xb8;
	[tilespmem:$0x1C800] =	vst v63  }
0x1f1: {  	s2 =	simm.s32 @!p0 $0x15800  }
0x1f2: {  	[tilespmem:s2], [sflag:$0x3] =	stream.indirect_vreg.gather @!p0 [hbm4b:s1+s0], $0x80, v3, vm1, $0xb8;
	[tilespmem:$0x1C800] =	vst v63  }
0x1f3: {  	s2 =	simm.s32 @!p0 $0x16000  }
0x1f4: {  	[tilespmem:s2], [sflag:$0x3] =	stream.indirect_vreg.gather @!p0 [hbm4b:s9+s0], $0x80, v3, vm1, $0xb8;
	[tilespmem:$0x1C800] =	vst v63  }
0x1f5: {  	v3 =	vld @!p0 [tilespmem:s7+$0xD0];
	_ =	sdelay $0x4  }
0x1f6: {  	v7 =	vshll.u32 @!p0 v3, $0x2  }
0x1f7: {  	v3 =	vand.u32 @!p0 $0x7, v3;
	v7 =	vand.u32 @!p0 $0xFFFFFFE0, v7  }
0x1f8: {  	v3 =	vor.u32 @!p0 v3, v7  }
0x1f9: {  	v4 =	vperm.xlane @!p0 v3, v4;
	_ =	sdelay $0x1  }
0x1fa: {  	v4 =	vadd.s32 @!p0 v6, v4;
	_ =	sdelay $0x1  }
0x1fb: {  	v3 =	vperm.xlane @!p0 v3, v5;
	_ =	sdelay $0x1  }
0x1fc: {  	s2 =	simm.s32 @!p0 $0x16800;
	v3 =	vadd.s32 @!p0 v6, v3  }
0x1fd: {  	[tilespmem:s2], [sflag:$0x3] =	stream.indirect_vreg.gather @!p0 [hbm4b:s1+s0], $0x80, v4, vm1, $0xb8;
	[tilespmem:$0x1C800] =	vst v63  }
0x1fe: {  	s2 =	simm.s32 @!p0 $0x17000  }
0x1ff: {  	[tilespmem:s2], [sflag:$0x3] =	stream.indirect_vreg.gather @!p0 [hbm4b:s9+s0], $0x80, v4, vm1, $0xb8;
	[tilespmem:$0x1C800] =	vst v63  }
0x200: {  	s2 =	simm.s32 @!p0 $0x17800  }
0x201: {  	[tilespmem:s2], [sflag:$0x3] =	stream.indirect_vreg.gather @!p0 [hbm4b:s1+s0], $0x80, v3, vm1, $0xb8;
	[tilespmem:$0x1C800] =	vst v63  }
0x202: {  	s26 =	simm.s32 $0x0;
	s2 =	simm.s32 @!p0 $0x18000  }
0x203: {  	[tilespmem:s2], [sflag:$0x3] =	stream.indirect_vreg.gather @!p0 [hbm4b:s9+s0], $0x80, v3, vm1, $0xb8;
	[tilespmem:$0x1C800] =	vst v63  }
0x204: {  	s15 =	sand.u32 $0xC00, s26;
	_ =	swait.ge [sflag:s8], $0x4000  }
0x205: {  	s19 =	sand.u32 $0x70, s26;
	s3 =	sadd.s32 s15, s17;
	[sflag:s8] =	ssyncset.done $0x0  }
0x206: {  	s3 =	sadd.s32 s19, s3;
	[sflag:s8] =	ssyncadd.s32 $0xFFFFC000  }
0x207: {  	v3 =	vld [tilespmem:s3+$0x0];
	_ =	sdelay $0x2  }
0x208: {  	s7 =	sor.u32 s19, s15  }
0x209: {  	s30 =	sadd.s32 $0x18800, s7  }
0x20a: {  	s28 =	sor.u32 $0x80, s30;
	[tilespmem:s7+$0x18800] =	vst.add.f32.msk $0xffff, v3  }
0x20b: {  	s31 =	sor.u32 $0x100, s30;
	[tilespmem:s28+$0x0] =	vst.add.f32.msk $0xffff, v3  }
0x20c: {  	s3 =	sor.u32 $0x180, s30;
	[tilespmem:s31+$0x0] =	vst.add.f32.msk $0xffff, v3  }
0x20d: {  	s15 =	sor.u32 $0x200, s30;
	[tilespmem:s3+$0x0] =	vst.add.f32.msk $0xffff, v3  }
0x20e: {  	s19 =	sor.u32 $0x280, s30;
	[tilespmem:s15+$0x0] =	vst.add.f32.msk $0xffff, v3  }
0x20f: {  	s28 =	sor.u32 $0x300, s30;
	[tilespmem:s19+$0x0] =	vst.add.f32.msk $0xffff, v3  }
0x210: {  	s31 =	sor.u32 $0x380, s30;
	[tilespmem:s28+$0x0] =	vst.add.f32.msk $0xffff, v3  }
0x211: {  	[tilespmem:s31+$0x0] =	vst.add.f32.msk $0xffff, v3  }
0x212: {  	[tilespmem:s7+$0x19800] =	vst.add.f32.msk $0xffff, v3  }
0x213: {  	[tilespmem:s30+$0x1300] =	vst.add.f32.msk $0xffff, v3  }
0x214: {  	[tilespmem:s30+$0x1380] =	vst.add.f32.msk $0xffff, v3  }
0x215: {  	[tilespmem:s30+$0x1280] =	vst.add.f32.msk $0xffff, v3  }
0x216: {  	s29 =	simm.s32 $0x10;
	[tilespmem:s30+$0x1200] =	vst.add.f32.msk $0xffff, v3  }
.LBB2_9:
0x217: {  	p0 =	sne.s32 s29, $0x1F0  }
0x218: {  	[tilespmem:s30+$0x1180] =	vst.add.f32.msk $0xffff, v3;
	s26 =	sadd.s32 $0x80, s26;
	s0 =	smov.u32 s29;
	s29 =	sadd.s32 $0x10, s29  }
0x219: {  	[tilespmem:s30+$0x1080] =	vst.add.f32.msk $0xffff, v3  }
0x21a: {  	s2 =	sadd.s32 $0x1A800, s7;
	[tilespmem:s30+$0x1100] =	vst.add.f32.msk $0xffff, v3  }
0x21b: {  	s3 =	sor.u32 $0x80, s2;
	[tilespmem:s7+$0x1A800] =	vst.add.f32.msk $0xffff, v3  }
0x21c: {  	[tilespmem:s3+$0x0] =	vst.add.f32.msk $0xffff, v3;
	s3 =	sor.u32 $0x100, s2  }
0x21d: {  	[tilespmem:s3+$0x0] =	vst.add.f32.msk $0xffff, v3;
	s3 =	sor.u32 $0x180, s2  }
0x21e: {  	[tilespmem:s3+$0x0] =	vst.add.f32.msk $0xffff, v3;
	s3 =	sor.u32 $0x200, s2  }
0x21f: {  	[tilespmem:s3+$0x0] =	vst.add.f32.msk $0xffff, v3;
	s3 =	sor.u32 $0x280, s2  }
0x220: {  	[tilespmem:s3+$0x0] =	vst.add.f32.msk $0xffff, v3;
	s3 =	sor.u32 $0x300, s2  }
0x221: {  	[tilespmem:s3+$0x0] =	vst.add.f32.msk $0xffff, v3;
	s3 =	sor.u32 $0x380, s2  }
0x222: {  	s15 =	sand.u32 $0xC00, s26;
	[tilespmem:s3+$0x0] =	vst.add.f32.msk $0xffff, v3  }
0x223: {  	s0 =	sand.u32 $0x70, s0;
	s3 =	sadd.s32 s15, s17;
	[tilespmem:s7+$0x1B800] =	vst.add.f32.msk $0xffff, v3  }
0x224: {  	s3 =	sadd.s32 s0, s3;
	[tilespmem:s2+$0x1080] =	vst.add.f32.msk $0xffff, v3  }
0x225: {  	[tilespmem:s2+$0x1100] =	vst.add.f32.msk $0xffff, v3  }
0x226: {  	[tilespmem:s2+$0x1180] =	vst.add.f32.msk $0xffff, v3  }
0x227: {  	[tilespmem:s2+$0x1200] =	vst.add.f32.msk $0xffff, v3  }
0x228: {  	s7 =	sor.u32 s0, s15;
	[tilespmem:s2+$0x1280] =	vst.add.f32.msk $0xffff, v3  }
0x229: {  	s30 =	sadd.s32 $0x18800, s7;
	[tilespmem:s2+$0x1300] =	vst.add.f32.msk $0xffff, v3  }
0x22a: {  	s0 =	sor.u32 $0x80, s30;
	[tilespmem:s2+$0x1380] =	vst.add.f32.msk $0xffff, v3  }
0x22b: {  	s2 =	sor.u32 $0x100, s30;
	v3 =	vld [tilespmem:s3+$0x0];
	_ =	sdelay $0x1  }
0x22c: {  	s3 =	sor.u32 $0x200, s30  }
0x22d: {  	s15 =	sor.u32 $0x180, s30;
	s19 =	sor.u32 $0x280, s30  }
0x22e: {  	s28 =	sor.u32 $0x300, s30  }
0x22f: {  	[tilespmem:s7+$0x18800] =	vst.add.f32.msk $0xffff, v3  }
0x230: {  	[tilespmem:s0+$0x0] =	vst.add.f32.msk $0xffff, v3  }
0x231: {  	s0 =	sor.u32 $0x380, s30;
	[tilespmem:s2+$0x0] =	vst.add.f32.msk $0xffff, v3  }
0x232: {  	[tilespmem:s15+$0x0] =	vst.add.f32.msk $0xffff, v3  }
0x233: {  	[tilespmem:s3+$0x0] =	vst.add.f32.msk $0xffff, v3  }
0x234: {  	[tilespmem:s19+$0x0] =	vst.add.f32.msk $0xffff, v3  }
0x235: {  	[tilespmem:s28+$0x0] =	vst.add.f32.msk $0xffff, v3  }
0x236: {  	[tilespmem:s0+$0x0] =	vst.add.f32.msk $0xffff, v3  }
.Ltmp3:
0x237: {  	[tilespmem:s7+$0x19800] =	vst.add.f32.msk $0xffff, v3;
	(pc) =	sbr.rel @p0 .LBB2_9-.Ltmp3, $4  }
0x238: {  	[tilespmem:s30+$0x1300] =	vst.add.f32.msk $0xffff, v3  }
0x239: {  	[tilespmem:s30+$0x1380] =	vst.add.f32.msk $0xffff, v3  }
0x23a: {  	[tilespmem:s30+$0x1280] =	vst.add.f32.msk $0xffff, v3  }
0x23b: {  	[tilespmem:s30+$0x1200] =	vst.add.f32.msk $0xffff, v3  }
0x23c: {  	[tilespmem:s30+$0x1180] =	vst.add.f32.msk $0xffff, v3  }
0x23d: {  	[tilespmem:s30+$0x1080] =	vst.add.f32.msk $0xffff, v3  }
0x23e: {  	[tilespmem:s30+$0x1100] =	vst.add.f32.msk $0xffff, v3;
	s0 =	sadd.s32 $0x1A800, s7  }
0x23f: {  	[tilespmem:s7+$0x1A800] =	vst.add.f32.msk $0xffff, v3;
	s2 =	sor.u32 $0x80, s0  }
0x240: {  	s15 =	sor.u32 $0x100, s0;
	[tilespmem:s2+$0x0] =	vst.add.f32.msk $0xffff, v3  }
0x241: {  	s17 =	sor.u32 $0x180, s0;
	[tilespmem:s15+$0x0] =	vst.add.f32.msk $0xffff, v3  }
0x242: {  	s19 =	sor.u32 $0x200, s0;
	[tilespmem:s17+$0x0] =	vst.add.f32.msk $0xffff, v3  }
0x243: {  	s26 =	sor.u32 $0x280, s0;
	[tilespmem:s19+$0x0] =	vst.add.f32.msk $0xffff, v3  }
0x244: {  	s28 =	sor.u32 $0x300, s0;
	[tilespmem:s26+$0x0] =	vst.add.f32.msk $0xffff, v3  }
0x245: {  	s29 =	sor.u32 $0x380, s0;
	[tilespmem:s28+$0x0] =	vst.add.f32.msk $0xffff, v3  }
0x246: {  	[tilespmem:s29+$0x0] =	vst.add.f32.msk $0xffff, v3  }
0x247: {  	[tilespmem:s7+$0x1B800] =	vst.add.f32.msk $0xffff, v3  }
0x248: {  	[tilespmem:s0+$0x1080] =	vst.add.f32.msk $0xffff, v3  }
0x249: {  	s13 =	sadd.s32 $0x1, s13;
	[tilespmem:s0+$0x1100] =	vst.add.f32.msk $0xffff, v3  }
0x24a: {  	p0 =	sne.s32 s13, $0x4D;
	[tilespmem:s0+$0x1180] =	vst.add.f32.msk $0xffff, v3  }
.Ltmp4:
0x24b: {  	[tilespmem:s0+$0x1200] =	vst.add.f32.msk $0xffff, v3;
	(pc) =	sbr.rel @p0 .LBB2_2-.Ltmp4, $4  }
0x24c: {  	s30 =	sadd.s32 s12, s5;
	[tilespmem:s0+$0x1280] =	vst.add.f32.msk $0xffff, v3  }
0x24d: {  	s2 =	sshrl.u32 s30, $0x3;
	[tilespmem:s0+$0x1300] =	vst.add.f32.msk $0xffff, v3  }
0x24e: {  	s31 =	sadd.s32 s4, s2;
	[tilespmem:s0+$0x1380] =	vst.add.f32.msk $0xffff, v3  }
0x24f: {  	[hbm4b:s31+s16] =	stream.strided.scatter [tilespmem:s25], [sflag:$0x8], $0x4000, s18, s16, $0x38;
	[tilespmem:$0x1C800] =	vst v63  }
0x250: {  	s2 =	simm.s32 $0x8  }
0x251: {  	_ =	swait.ge [sflag:s2], $0x4000  }
0x252: {  	s3 =	rddreg [dreg:$0x8]  }
0x253: {  	s0 =	rddreg [dreg:$0x7];
	s3 =	sadd.s32 $0x1, s3  }
0x254: {  	p0 =	sne.s32 s3, s0  }
.Ltmp5:
0x255: {  	_ = 	snop;
	(pc) =	sbr.rel @p0 .LBB2_1-.Ltmp5, $3  }
0x256: {  	_ =	sdelay $0x1  }
0x257: {  	[sflag:s2] =	ssyncset.done $0x0  }
0x258: {  	[sflag:s2] =	ssyncadd.s32 $0xFFFFC000  }
0x259: {  	_ =	sfence.sel $0x180000  }
0x25a: {  	[bflag:$0x0] =	sbarrier.arrive $0xFFFF  }
0x25b: {  	_ =	strace $0x90000047  }
0x25c: {  	s0 =	stileid.u32;
	[bflag:$0x2] =	sbarrier.arrive $0xFFFF  }
0x25d: {  	p0 =	sne.s32 s0, $0x0;
	s0 =	rddreg [dreg:$0x4]  }
0x25e: {  	s0 =	sadd.s32 @!p0 $0x100000, s0  }
0x25f: {  	[sflag:s0] =	ssyncadd.tile.s32 @!p0 $0x1;
	_ =	shalt  }
.Lfunc_end2:
_tile_overlayer_lowered:
.L_overlay_start_2:
0x260: {  	(tag) =	ssettag $0x2  }
0x261: {  	s0 =	rddreg [dreg:$0x0];
	s2 =	stileid.u32  }
0x262: {  	s1 =	rddreg [dreg:$0x1];
	p0 =	sne.s32 s2, $0x0  }
0x263: {  	s3 =	rddreg [dreg:$0x2];
	[bflag:$0x3] =	sbarrier.arrive $0xFFFF;
	s2 =	simm.s32 @!p0 $0x1C09  }
0x264: {  	[timem:s3], [sflag:s2] =	dma.local @!p0 [hbm:s0], s1  }
0x265: {  	s0 =	simm.s32 @!p0 $0x9  }
0x266: {  	_ =	swait.ge @!p0 [sflag:s0], s1  }
0x267: {  	s1 =	ssub.s32 @!p0 $0x0, s1;
	[sflag:s0] =	ssyncset.done @!p0 $0x0  }
0x268: {  	[sflag:s0] =	ssyncadd.s32 @!p0 s1  }
0x269: {  	[bflag:$0x3] =	sbarrier.arrive $0xFFFF  }
0x26a: {  	_ =	shalt  }

// kernel: sparse-core-data-format-call.cloned.1.call-start
scs
called_computation_lowered:
.L_overlay_start_0:
0x0: {  	s2 =	sld [smem:$0x3FD9]  }
0x1: {  	s3 =	sld [smem:$0x3FFE];
	_ =	sdelay $0x1  }
0x2: {  	s1 =	srdreg.scid  }
0x3: {  	s0 =	sand.u32 $0x1, s1  }
0x4: {  	s18 =	sshll.u32 s0, $0xA;
	s2 =	sadd.s32 s3, s2  }
0x5: {  	s2 =	sadd.s32 s2, s18  }
0x6: {  	[smem:$0x3FC5] =	sst s2  }
0x7: {  	_ = 	snop  }
0x8: {  	s2 =	sld [smem:$0x3FD0];
	(tm) =	ssettm $0x1  }
0x9: {  	s19 =	sld [smem:$0x3FFB];
	_ =	sdelay $0x3  }
0xa: {  	_ =	strace s19  }
0xb: {  	s3 =	sld [smem:$0x3FFC];
	_ =	sdelay $0x3  }
0xc: {  	_ =	strace s3  }
0xd: {  	s3 =	sld [smem:$0x3FFD];
	_ =	sdelay $0x3  }
0xe: {  	_ =	strace s3  }
0xf: {  	_ =	strace $0x8FFFFFFF  }
0x10: {  	s20 =	sld [smem:$0x3FDB];
	_ =	sdelay $0x1  }
0x11: {  	s4 =	simm.s32 $_scs_section_size  }
0x12: {  	s5 =	simm.s32 $_size__tile_overlayer_lowered;
	s6 =	simm.s32 $_tile_overlayer_lowered  }
0x13: {  	s23 =	simm.s32 $0x1BFF;
	s22 =	sshll.u32 s6, $0x1;
	s3 =	sadd.s32 s4, s20  }
0x14: {  	s7 =	simm.s32 $0x0;
	s21 =	sshll.u32 s5, $0x1;
	s5 =	sadd.s32 s22, s3  }
0x15: {  	[timem:s7], [sflag:s23] =	dma.local [hbm:s5], s21  }
0x16: {  	_ =	swait.ge [sflag:s23], s21  }
0x17: {  	s4 =	ssub.s32 $0x0, s21;
	[sflag:s23] =	ssyncset.done $0x0  }
0x18: {  	[sflag:s23] =	ssyncadd.s32 s4;
	_ =	sdelay $0x1  }
0x19: {  	s24 =	simm.s32 $0x1B8B  }
0x1a: {  	_ =	swait.ge [sflag:s24], $0x1  }
0x1b: {  	[sflag:s24] =	ssyncset.done $0x0  }
0x1c: {  	s26 =	simm.s32 $0x1B8E;
	s25 =	sld [smem:$0x3FFE];
	[sflag:s24] =	ssyncadd.s32 $0xFFFFFFFF  }
0x1d: {  	s27 =	simm.s32 $execute0_lowered;
	[smem:$0x3FD2] =	sst s26  }
0x1e: {  	s5 =	sshll.u32 s27, $0x1;
	_ =	strace $0x80000049;
	[dreg:$0x1] =	wrdreg $0xFFFFFFFF  }
0x1f: {  	s28 =	simm.s32 $_size_execute0_lowered;
	s3 =	sadd.s32 s3, s5;
	[dreg:$0x0] =	wrdreg $0x0  }
0x20: {  	s5 =	sshll.u32 s28, $0x1;
	[dreg:$0x2] =	wrdreg s3  }
0x21: {  	[dreg:$0x3] =	wrdreg s5  }
0x22: {  	[dreg:$0x4] =	wrdreg $0xC0  }
0x23: {  	_ =	task [dreg:s7], $0x5FFFF  }
0x24: {  	[dreg:$0x1] =	wrdreg $0xFFFFFFFF  }
0x25: {  	[dreg:$0x0] =	wrdreg $0x60  }
0x26: {  	[dreg:$0x2] =	wrdreg s25  }
0x27: {  	[dreg:$0x3] =	wrdreg s2  }
0x28: {  	[dreg:$0x4] =	wrdreg $0x9  }
0x29: {  	_ =	task.clear_ibuf [dreg:s7], $0x5FFFF;
	_ =	strace $0x90000049  }
0x2a: {  	s29 =	simm.s32 $0x9;
	_ =	strace $0x8000004B  }
0x2b: {  	_ =	swait.ge [sflag:s29], $0x1  }
0x2c: {  	[sflag:s29] =	ssyncadd.s32 $0xFFFFFFFF  }
0x2d: {  	_ =	strace $0x9000004B  }
0x2e: {  	_ =	sfence  }
0x2f: {  	s30 =	sld [smem:$0x0];
	_ =	sdelay $0x2  }
0x30: {  	s31 =	sshll.u32 s1, $0xD;
	s1 =	sshrl.u32 s1, $0x2  }
0x31: {  	s3 =	sand.u32 $0x4000, s31;
	s1 =	sadd.s32 s1, s30  }
0x32: {  	s0 =	sor.u32 s3, s0;
	s1 =	sshll.u32 s1, $0x11  }
0x33: {  	s0 =	sor.u32 s1, s0  }
0x34: {  	s0 =	sadd.s32 $0x8F2B, s0  }
0x35: {  	[sflag:s0] =	ssyncadd.remote.s32 $0x1  }
0x36: {  	_ =	sfence.sel $0xFFFF  }
0x37: {  	[dreg:$0x0] =	wrdreg $0xFFFFFFFF;
	(pc) =	sbr.abs _section_cstart, $3  }
0x38: {  	[dreg:$0x1] =	wrdreg $0xFFFFFFFF  }
0x39: {  	_ =	task.clear_ibuf [dreg:s7], $0x2FFFF;
	_ =	strace $0x9FFFFFFF  }
0x3a: {  	(tm) =	ssettm $0x7FFFFFFF  }
0x3b: {  	_ =	shalt  }
tec
execute0_lowered:
.L_overlay_start_1:
0x0: {  	(tag) =	ssettag $0x1  }
0x1: {  	s0 =	stileid.u32;
	s1 =	srdreg.scid  }
0x2: {  	s2 =	sshll.u32 s0, $0x7;
	s3 =	sshll.u32 s0, $0x5;
	s4 =	sshll.u32 s1, $0x9  }
0x3: {  	s7 =	rddreg [dreg:$0x0];
	s1 =	sand.u32 $0x180, s2;
	s29 =	sor.u32 s3, s4  }
0x4: {  	s8 =	simm.s32 $0x2;
	s2 =	sand.u32 $0x380, s29;
	s30 =	ssub.s32 $0x200, s1  }
0x5: {  	s16 =	simm.s32 $0x0;
	s31 =	sand.u32 $0x180, s30;
	s5 =	ssub.s32 $0x1000, s2  }
0x6: {  	s4 =	simm.s32 $0x1;
	p0 =	sne.s32 s31, $0x0;
	s6 =	sand.u32 $0x380, s5  }
0x7: {  	s4 =	simm.s32 @!p0 $0x0;
	p0 =	sne.s32 s6, $0x0;
	s6 =	simm.s32 $0x1  }
0x8: {  	s3 =	sshrl.u32 s30, $0x9;
	s5 =	sshrl.u32 s5, $0xA;
	s6 =	simm.s32 @!p0 $0x0  }
0x9: {  	s9 =	simm.s32 $0x1000;
	s3 =	sadd.s32 s4, s3;
	s5 =	sadd.s32 s6, s5  }
0xa: {  	s14 =	simm.s32 $0x0;
	s15 =	simm.s32 $0x0;
	s6 =	smul.u32 s5, s3  }
.Ltmp0:
0xb: {  	s12 =	simm.s32 $0x0;
	s4 =	rddreg [dreg:$0x1];
	(pc) =	sbr.rel .LBB1_1-.Ltmp0, $4  }
0xc: {  	s13 =	simm.s32 $0x0;
	s7 =	sadd.s32 $0x800, s7;
	s3 =	rddreg [dreg:$0x2]  }
0xd: {  	_ =	strace $0x8000004A;
	s5 =	simm.s32 $0x1;
	s6 =	smul.u32 $0x4D, s6  }
0xe: {  	s11 =	smov.u32 s1;
	s10 =	smov.u32 s2;
	[sflag:s5] =	ssyncpa.u1 $0x0  }
0xf: {  	p0 =	por $0x0, $0x0;
	[sflag:s8] =	ssyncpa.u1 $0x0;
	s8 =	sadd.s32 $0x1, s6  }
.LBB1_4:
0x10: {  	v5 =	vld [tilespmem:s19+$0xFFFFFFD0]  }
0x11: {  	[tilespmem:s20+$0x2040 ss:$0x81] =	vst.msk $0xffff, v1;
	v58 =	vld [tilespmem:s19+$0xFFFFFFE0]  }
0x12: {  	[tilespmem:s20+$0x2850 ss:$0x81] =	vst.msk $0xffff, v2;
	v59 =	vld [tilespmem:s19+$0xFFFFFFF0]  }
0x13: {  	s21 =	sshra.s32 s21, $0x2;
	[tilespmem:s20+$0x3060 ss:$0x81] =	vst.msk $0xffff, v3;
	v60 =	vld [tilespmem:s19+$0x0]  }
0x14: {  	[tilespmem:s20+$0x0 ss:$0x81] =	vst.msk $0xffff, v0;
	v61 =	vld [tilespmem:s19+$0x10];
	s18 =	sadd.s32 s21, s18  }
0x15: {  	s25 =	sshll.u32 s16, $0x9;
	v62 =	vld [tilespmem:s19+$0x20];
	[tilespmem:s18+$0x3870 ss:$0x81] =	vst.msk $0xffff, v4  }
0x16: {  	s26 =	sshll.u32 s14, $0x3;
	s27 =	sshll.u32 s16, $0x7;
	v63 =	vld [tilespmem:s19+$0xFFFFFFC0];
	s30 =	sand.u32 $0x78, s14;
	[tilespmem:s18+$0x810 ss:$0x81] =	vst.msk $0xffff, v5  }
0x17: {  	s15 =	sshll.u32 s15, $0x12;
	s20 =	sand.u32 $0x1FF000, s25;
	s21 =	sand.u32 $0x1FFC00, s26;
	[tilespmem:s18+$0x1020 ss:$0x81] =	vst.msk $0xffff, v58  }
0x18: {  	s29 =	sand.u32 $0x200, s27;
	s16 =	sand.u32 $0x180, s27;
	s28 =	sadd.s32 s21, s20;
	[tilespmem:s18+$0x1830 ss:$0x81] =	vst.msk $0xffff, v59  }
0x19: {  	s31 =	sand.u32 $0x7, s14;
	s16 =	sor.u32 s30, s16;
	s19 =	sor.u32 s29, s28;
	[tilespmem:s18+$0x2040 ss:$0x81] =	vst.msk $0xffff, v60  }
0x1a: {  	s15 =	sadd.s32 s4, s15;
	s16 =	sshrl.u32 s16, $0x3;
	s19 =	sshrl.u32 s19, $0x3;
	[tilespmem:s18+$0x2850 ss:$0x81] =	vst.msk $0xffff, v61  }
0x1b: {  	s14 =	sshll.u32 s31, $0x12;
	s15 =	sadd.s32 s16, s15;
	[tilespmem:s18+$0x3060 ss:$0x81] =	vst.msk $0xffff, v62;
	s19 =	sand.u32 $0x3FFC0, s19  }
0x1c: {  	s14 =	sor.u32 $0x400, s14;
	[tilespmem:s18+$0x0 ss:$0x81] =	vst.msk $0xffff, v63;
	s15 =	sadd.s32 s19, s15  }
0x1d: {  	[hbm4b:s15+s14] =	stream.strided.scatter [tilespmem:s17], [sflag:$0x2], $0x4000, s9, s14, $0x20;
	[tilespmem:$0x10100] =	vst v63  }
.LBB1_5:
0x1e: {  	s17 =	sadd.s32 $0x400, s10  }
0x1f: {  	s14 =	sadd.s32 $0x200, s11;
	s18 =	smov.u32 s11;
	p2 =	sgt.s32 s17, $0xFFF  }
0x20: {  	s18 =	smov.u32 @p2 s14  }
0x21: {  	s14 =	simm.s32 $0x1;
	p3 =	sgt.s32 s18, $0x1FF  }
0x22: {  	s14 =	simm.s32 @!p3 $0x0  }
0x23: {  	s20 =	sadd.s32 s14, s12  }
0x24: {  	s17 =	smov.u32 @p2 s2;
	p2 =	sgt.s32 s20, $0x4C  }
0x25: {  	p1 =	slt.u32 s13, $0x2;
	s20 =	simm.s32 @p2 $0x0;
	p2 =	sne.s32 s13, s8  }
.Ltmp1:
0x26: {  	s19 =	simm.s32 @!p1 $0x2;
	(pc) =	sbr.rel @!p2 .LBB1_6-.Ltmp1, $4  }
0x27: {  	s16 =	smov.u32 s10;
	s15 =	smov.u32 s12;
	_ =	swait.ge @!p1 [sflag:s19], $0x4000  }
0x28: {  	p0 =	por !p0, !p0;
	[sflag:s19] =	ssyncset.done @!p1 $0x0;
	s10 =	smov.u32 s17  }
0x29: {  	s18 =	smov.u32 @p3 s1;
	[sflag:s19] =	ssyncadd.s32 @!p1 $0xFFFFC000;
	s14 =	smov.u32 s11  }
0x2a: {  	s11 =	smov.u32 s18;
	s13 =	sadd.s32 $0x1, s13;
	s12 =	smov.u32 s20  }
.LBB1_1:
0x2b: {  	p1 =	sge.u32 s13, s6;
	s31 =	sadd.s32 $0xFFFFFFFF, s13  }
0x2c: {  	s17 =	sxor.u32 @!p1 $0xFFFFFFFF, s13;
	s18 =	sand.u32 @!p1 $0x78, s10;
	s19 =	sshll.u32 @!p1 s11, $0xC  }
0x2d: {  	s20 =	sshll.u32 @!p1 s11, $0x7;
	s21 =	sshll.u32 @!p1 s10, $0x3;
	s17 =	sshll.u32 @!p1 s17, $0xE  }
0x2e: {  	s19 =	sand.u32 @!p1 $0x1F8000, s19;
	s20 =	sand.u32 @!p1 $0x380, s20;
	s17 =	sand.u32 @!p1 $0x4000, s17  }
0x2f: {  	s19 =	sadd.s32 @!p1 s19, s21;
	s21 =	sand.u32 @!p1 $0xC00, s21;
	s18 =	sor.u32 @!p1 s20, s18  }
0x30: {  	s20 =	sshll.u32 @!p1 s12, $0x12;
	s18 =	sor.u32 @!p1 s21, s18;
	s19 =	sshrl.u32 @!p1 s19, $0x3  }
0x31: {  	s20 =	sadd.s32 @!p1 s7, s20;
	s21 =	sand.u32 @!p1 $0x7, s10;
	s19 =	sand.u32 @!p1 $0x3FE00, s19  }
0x32: {  	s18 =	sshrl.u32 @!p1 s18, $0x3;
	s19 =	sadd.s32 @!p1 s19, s20;
	s20 =	sshll.u32 @!p1 s21, $0x12  }
0x33: {  	s18 =	sadd.s32 @!p1 s18, s19;
	s19 =	sor.u32 @!p1 $0x400, s20;
	s20 =	simm.s32 @!p1 $0x8000  }
0x34: {  	[tilespmem:s17], [sflag:$0x1] =	stream.strided.gather @!p1 [hbm4b:s18+s19], $0x4000, s20, s19, $0x38;
	[tilespmem:$0x10100] =	vst v63  }
0x35: {  	p1 =	sge.u32 s31, s6  }
.Ltmp2:
0x36: {  	_ = 	snop;
	(pc) =	sbr.rel @p1 .LBB1_5-.Ltmp2, $1  }
0x37: {  	_ =	sdelay $0x3  }
0x38: {  	s17 =	simm.s32 $0x1  }
0x39: {  	_ =	swait.ge [sflag:s5], $0x4000;
	s17 =	simm.s32 @!p0 $0x0  }
0x3a: {  	[sflag:s5] =	ssyncset.done $0x0;
	s18 =	sshll.u32 s17, $0xE  }
0x3b: {  	[sflag:s5] =	ssyncadd.s32 $0xFFFFC000;
	s19 =	sor.u32 $0x40, s18  }
0x3c: {  	s17 =	smul.u32 $0x10200, s17;
	v0 =	vld [tilespmem:s19+$0x30]  }
0x3d: {  	v3 =	vld [tilespmem:s19+$0xFFFFFFD0]  }
0x3e: {  	s17 =	sshrl.u32 s17, $0x2;
	v4 =	vld [tilespmem:s19+$0xFFFFFFE0]  }
0x3f: {  	v5 =	vld [tilespmem:s19+$0xFFFFFFF0];
	s18 =	sor.u32 $0x8000, s17  }
0x40: {  	s31 =	sand.u32 $0x1, s13;
	v1 =	vld [tilespmem:s19+$0x0];
	s20 =	sadd.s32 $0x0, s18  }
0x41: {  	v2 =	vld [tilespmem:s19+$0x10];
	s17 =	smul.u32 $0x10200, s31;
	[tilespmem:s20+$0x3870 ss:$0x81] =	vst.msk $0xffff, v0  }
0x42: {  	[tilespmem:s20+$0x810 ss:$0x81] =	vst.msk $0xffff, v3;
	v3 =	vld [tilespmem:s19+$0x20]  }
0x43: {  	s17 =	sshrl.u32 s17, $0x2;
	v0 =	vld [tilespmem:s19+$0xFFFFFFC0];
	[tilespmem:s20+$0x1020 ss:$0x81] =	vst.msk $0xffff, v4;
	s19 =	sadd.s32 $0x80, s19  }
0x44: {  	s21 =	simm.s32 $0x4;
	s22 =	simm.s32 $0x8;
	s17 =	sor.u32 $0x8000, s17;
	[tilespmem:s20+$0x1830 ss:$0x81] =	vst.msk $0xffff, v5;
	v4 =	vld [tilespmem:s19+$0x30]  }
.LBB1_3:
0x45: {  	p1 =	sne.s32 s22, $0x1FC;
	v5 =	vld [tilespmem:s19+$0xFFFFFFD0];
	[tilespmem:s20+$0x2040 ss:$0x81] =	vst.msk $0xffff, v1  }
0x46: {  	v6 =	vld [tilespmem:s19+$0xFFFFFFE0];
	[tilespmem:s20+$0x2850 ss:$0x81] =	vst.msk $0xffff, v2  }
0x47: {  	s23 =	sshra.s32 s21, $0x2;
	s21 =	smov.u32 s22;
	v7 =	vld [tilespmem:s19+$0xFFFFFFF0];
	[tilespmem:s20+$0x3060 ss:$0x81] =	vst.msk $0xffff, v3  }
.Ltmp3:
0x48: {  	v1 =	vld [tilespmem:s19+$0x0];
	[tilespmem:s20+$0x0 ss:$0x81] =	vst.msk $0xffff, v0;
	s20 =	sadd.s32 s23, s18;
	(pc) =	sbr.rel @p1 .LBB1_3-.Ltmp3, $4  }
0x49: {  	v2 =	vld [tilespmem:s19+$0x10];
	[tilespmem:s20+$0x3870 ss:$0x81] =	vst.msk $0xffff, v4  }
0x4a: {  	[tilespmem:s20+$0x810 ss:$0x81] =	vst.msk $0xffff, v5;
	v3 =	vld [tilespmem:s19+$0x20]  }
0x4b: {  	v0 =	vld [tilespmem:s19+$0xFFFFFFC0];
	[tilespmem:s20+$0x1020 ss:$0x81] =	vst.msk $0xffff, v6;
	s19 =	sadd.s32 $0x80, s19  }
0x4c: {  	s22 =	sadd.s32 $0x4, s22;
	v4 =	vld [tilespmem:s19+$0x30];
	[tilespmem:s20+$0x1830 ss:$0x81] =	vst.msk $0xffff, v7  }
.Ltmp4:
0x4d: {  	_ = 	snop;
	(pc) =	sbr.rel .LBB1_4-.Ltmp4, $1  }
0x4e: {  	_ =	sdelay $0x3  }
.LBB1_6:
0x4f: {  	_ =	sfence.sel $0x180000  }
0x50: {  	s1 =	simm.s32 $0x1;
	[bflag:$0x0] =	sbarrier.arrive $0xFFFF  }
0x51: {  	s31 =	simm.s32 $0x2;
	[sflag:s1] =	ssyncpa.u1 $0x1  }
0x52: {  	[sflag:s31] =	ssyncpa.u1 $0x1  }
0x53: {  	p0 =	sne.s32 s0, $0x0;
	_ =	strace $0x9000004A  }
0x54: {  	s0 =	sadd.s32 @!p0 $0x100000, s3;
	[bflag:$0x2] =	sbarrier.arrive $0xFFFF  }
0x55: {  	[sflag:s0] =	ssyncadd.tile.s32 @!p0 $0x1;
	_ =	shalt  }
.Lfunc_end1:
_tile_overlayer_lowered:
.L_overlay_start_2:
0x56: {  	(tag) =	ssettag $0x2  }
0x57: {  	s0 =	rddreg [dreg:$0x0];
	s2 =	stileid.u32  }
0x58: {  	s1 =	rddreg [dreg:$0x1];
	p0 =	sne.s32 s2, $0x0  }
0x59: {  	s3 =	rddreg [dreg:$0x2];
	[bflag:$0x3] =	sbarrier.arrive $0xFFFF;
	s2 =	simm.s32 @!p0 $0x1C01  }
0x5a: {  	[timem:s3], [sflag:s2] =	dma.local @!p0 [hbm:s0], s1  }
0x5b: {  	s0 =	simm.s32 @!p0 $0x1  }
0x5c: {  	_ =	swait.ge @!p0 [sflag:s0], s1  }
0x5d: {  	s1 =	ssub.s32 @!p0 $0x0, s1;
	[sflag:s0] =	ssyncset.done @!p0 $0x0  }
0x5e: {  	[sflag:s0] =	ssyncadd.s32 @!p0 s1  }
0x5f: {  	[bflag:$0x3] =	sbarrier.arrive $0xFFFF  }
0x60: {  	_ =	shalt  }

</sc_bundles>
